<compile_context>
chip_gen: v7x
topology: tpu7x:2x2x1
jax: 0.10.2.dev20260603
libtpu: 0.0.44.dev20260713+nightly
codegen_flags: <defaults>
</compile_context>

<pallas_src>
import functools

import jax
import jax.numpy as jnp
from jax import lax
from jax.experimental import pallas as pl
from jax.experimental.pallas import tpu as pltpu
from jax.experimental.pallas import tpu_sc as plsc

K = 1024
D = 256
H = 8
BLK = 256
N_TOK = 4096
TAU = 1.0
COMMIT = 0.25
ENT_RATIO = 0.1
ENT_TEMP = 0.01

NB = 128
SE = K // NB
NW = 32
TPW = N_TOK // NW
CT = 32
L = 16



def _dist_block(x_ref, cb_ref, d_ref, bm_ref):
    x = x_ref[...]
    cb = cb_ref[...]
    ab = lax.dot_general(x, cb, (((1,), (1,)), ((), ())),
                         preferred_element_type=jnp.float32)
    x2 = jnp.sum(x * x, axis=1, keepdims=True)
    b2 = jnp.sum(cb * cb, axis=1)[None, :]
    d = x2 - 2.0 * ab + b2
    d_ref[...] = d
    bm = d[:, 0:NB]
    for j in range(1, K // NB):
        bm = jnp.minimum(bm, d[:, NB * j:NB * (j + 1)])
    bm_ref[...] = bm


def _dist(x2d, cb):
    n_blocks = N_TOK // BLK
    return pl.pallas_call(
        _dist_block,
        grid=(n_blocks,),
        in_specs=[
            pl.BlockSpec((BLK, D), lambda i: (i, 0)),
            pl.BlockSpec((K, D), lambda i: (0, 0)),
        ],
        out_specs=[
            pl.BlockSpec((BLK, K), lambda i: (i, 0)),
            pl.BlockSpec((BLK, NB), lambda i: (i, 0)),
        ],
        out_shape=[
            jax.ShapeDtypeStruct((N_TOK, K), jnp.float32),
            jax.ShapeDtypeStruct((N_TOK, NB), jnp.float32),
        ],
    )(x2d, cb)


def _ent_block(d_ref, ent_ref, avgp_acc, sacc, *, n_blocks):
    i = pl.program_id(0)

    @pl.when(i == 0)
    def _init():
        avgp_acc[...] = jnp.zeros_like(avgp_acc)
        sacc[0] = 0.0

    d = d_ref[...]
    a = d * (-1.0 / ENT_TEMP)
    m = jnp.max(a, axis=1, keepdims=True)
    e = jnp.exp(a - m)
    z = jnp.sum(e, axis=1, keepdims=True)
    p = e / z
    s_ent = jnp.log(z[:, 0]) - jnp.sum(e * (a - m), axis=1) / z[:, 0]
    avgp_acc[...] += jnp.sum(p, axis=0, keepdims=True)
    sacc[0] += jnp.sum(s_ent)

    @pl.when(i == n_blocks - 1)
    def _fin():
        navg = 1.0 / N_TOK
        avg_p = avgp_acc[...] * navg
        avg_ent = -jnp.sum(avg_p * jnp.log(avg_p + 1e-5))
        ent_ref[...] = jnp.reshape(
            ENT_RATIO * (sacc[0] * navg - avg_ent), (1, 1))


def _ent(dist):
    n_blocks = N_TOK // BLK
    kern = functools.partial(_ent_block, n_blocks=n_blocks)
    return pl.pallas_call(
        kern,
        grid=(n_blocks,),
        in_specs=[pl.BlockSpec((BLK, K), lambda i: (i, 0))],
        out_specs=[pl.BlockSpec((1, 1), lambda i: (0, 0))],
        out_shape=[jax.ShapeDtypeStruct((1, 1), jnp.float32)],
        scratch_shapes=[
            pltpu.VMEM((1, K), jnp.float32),
            pltpu.SMEM((2,), jnp.float32),
        ],
    )(dist)[0]



def _topk_body(dist_hbm, bm_hbm, ti_hbm, tw_hbm,
               dbuf, bbuf, blkids, cidx, cvals, tibuf, twbuf, sem):
    wid = lax.axis_index("s") * 2 + lax.axis_index("c")
    lane = lax.iota(jnp.int32, L)
    lane8 = (lane & 7) * NB
    inf_v = jnp.full((L,), jnp.inf, jnp.float32)
    n_chunks = TPW // CT

    def chunk_start(ci, buf):
        tok0 = wid * TPW + ci * CT
        pltpu.async_copy(dist_hbm.at[pl.ds(tok0, CT)], dbuf.at[buf], sem)
        pltpu.async_copy(bm_hbm.at[pl.ds(tok0, CT)], bbuf.at[buf], sem)

    chunk_start(0, 0)

    def chunk_body(ci, _):
        tok0 = wid * TPW + ci * CT
        b = ci % 2

        @pl.when(ci < n_chunks - 1)
        def _prefetch():
            chunk_start(ci + 1, (ci + 1) % 2)

        pltpu.make_async_copy(
            dist_hbm.at[pl.ds(tok0, CT)], dbuf.at[b], sem).wait()
        pltpu.make_async_copy(
            bm_hbm.at[pl.ds(tok0, CT)], bbuf.at[b], sem).wait()

        def token_body(t, _):
            t_v = jnp.broadcast_to(t, (L,))
            b_v = jnp.broadcast_to(b, (L,))

            bms = [bbuf[b, t, pl.ds(g * L, L)] for g in range(NB // L)]
            p0 = jnp.minimum(jnp.minimum(bms[0], bms[1]),
                             jnp.minimum(bms[2], bms[3]))
            p1 = jnp.minimum(jnp.minimum(bms[4], bms[5]),
                             jnp.minimum(bms[6], bms[7]))
            sk, _sv = plsc.sort_key_val(jnp.minimum(p0, p1), lane)
            thr_v = jnp.broadcast_to(sk[H - 1], (L,))

            nb = jnp.int32(0)
            for g in range(NB // L):
                mg = bms[g] <= thr_v
                plsc.store_compressed(blkids.at[pl.ds(nb, L)],
                                      lane + g * L, mask=mg)
                nb = nb + plsc.all_reduce_population_count(mg)[0]

            nb_v = jnp.broadcast_to(nb, (L,))

            def blk_body(i, cnt):
                i2 = jnp.broadcast_to(2 * i, (L,))
                sel = jnp.where(lane < SE, i2, i2 + 1)
                blk = plsc.load_gather(blkids, [sel])
                blk = jnp.minimum(jnp.maximum(blk, jnp.int32(0)),
                                  jnp.int32(NB - 1))
                kpos = blk + lane8
                v = plsc.load_gather(dbuf, [b_v, t_v, kpos])
                msk = jnp.logical_and(v <= thr_v, sel < nb_v)
                plsc.store_compressed(cidx.at[pl.ds(cnt, L)], kpos, mask=msk)
                return cnt + plsc.all_reduce_population_count(msk)[0]
            cnt = lax.fori_loop(0, (nb + 1) // 2, blk_body, jnp.int32(0))

            def fast_path(_):
                iv = cidx[pl.ds(0, L)]
                giv = jnp.where(lane < cnt, iv, 0)
                v = plsc.load_gather(dbuf, [b_v, t_v, giv])
                v = jnp.where(lane < cnt, v, jnp.inf)
                iv2 = jnp.where(lane < cnt, iv, jnp.int32(2048))
                sk2, sidx = plsc.sort_key_val(v, iv2)
                nxt = sk2.at[jnp.minimum(lane + 1, jnp.int32(L - 1))].get(
                    mode="promise_in_bounds")
                tiem = jnp.logical_and(sk2 == nxt, lane < H)
                anytie = plsc.all_reduce_population_count(tiem)[0]

                def notie(_a):
                    return sk2, sidx

                def tiecase(_a):
                    siv, _sl = plsc.sort_key_val(iv2, lane)
                    gv = jnp.minimum(siv, jnp.int32(K - 1))
                    vv = plsc.load_gather(dbuf, [b_v, t_v, gv])
                    vv = jnp.where(siv < 2048, vv, jnp.inf)
                    vs, _s2 = plsc.sort_key_val(vv, lane)
                    used = siv >= 2048
                    tidx = jnp.zeros((L,), jnp.int32)
                    for r in range(H):
                        srv = jnp.broadcast_to(vs[r], (L,))
                        hit = jnp.logical_and(vv == srv,
                                              jnp.logical_not(used))
                        p_v = plsc.all_reduce_ffs(hit)
                        used = jnp.logical_or(used, lane == p_v)
                        oi = siv.at[p_v].get(mode="promise_in_bounds")
                        tidx = jnp.where(lane == r, oi, tidx)
                    return vs, tidx

                return lax.cond(anytie == 0, notie, tiecase, 0)

            def gen_path(_):
                plsc.store_scatter(cidx, [lane + cnt],
                                   jnp.full((L,), K - 1, jnp.int32))
                nv = (cnt + 15) // 16

                def fill_body(j, _c):
                    civ = cidx[pl.ds(j * L, L)]
                    v = plsc.load_gather(dbuf, [b_v, t_v, civ])
                    off = jnp.where(lane + j * L < cnt, 0.0, jnp.inf)
                    cvals[pl.ds(j * L, L)] = v + off
                    return 0
                lax.fori_loop(0, nv, fill_body, 0)

                tvals = inf_v
                tidx = jnp.zeros((L,), jnp.int32)
                for r in range(H):
                    def min_body(j, mv):
                        return jnp.minimum(mv, cvals[pl.ds(j * L, L)])
                    mv = lax.fori_loop(0, nv, min_body, inf_v)
                    s_v = jnp.broadcast_to(jnp.min(mv), (L,))

                    def oi_body(j, pv):
                        hit = cvals[pl.ds(j * L, L)] == s_v
                        civ = cidx[pl.ds(j * L, L)]
                        return jnp.minimum(pv,
                                           jnp.where(hit, civ, jnp.int32(K)))
                    pv = lax.fori_loop(0, nv, oi_body,
                                       jnp.full((L,), K, jnp.int32))
                    oi_v = jnp.broadcast_to(jnp.min(pv), (L,))

                    def kill_body(j, _c):
                        hit2 = cidx[pl.ds(j * L, L)] == oi_v
                        plsc.store_scatter(cvals, [lane + j * L], inf_v,
                                           mask=hit2)
                        return 0
                    lax.fori_loop(0, nv, kill_body, 0)
                    tvals = jnp.where(lane == r, s_v, tvals)
                    tidx = jnp.where(lane == r, oi_v, tidx)
                return tvals, tidx

            tvals, tidx = lax.cond(cnt <= L, fast_path, gen_path, 0)

            d0 = jnp.broadcast_to(tvals[0], (L,))
            e = jnp.where(lane < H, jnp.exp(d0 - tvals), 0.0)
            tw = e / jnp.broadcast_to(jnp.sum(e), (L,))
            plsc.store_scatter(tibuf, [t_v, lane], tidx, mask=lane < H)
            plsc.store_scatter(twbuf, [t_v, lane], tw, mask=lane < H)
            return 0

        lax.fori_loop(0, CT, token_body, 0)
        pltpu.sync_copy(tibuf, ti_hbm.at[pl.ds(tok0, CT)])
        pltpu.sync_copy(twbuf, tw_hbm.at[pl.ds(tok0, CT)])
        return 0

    lax.fori_loop(0, n_chunks, chunk_body, 0)


def _topk_sc(dist, bmin):
    mesh = plsc.VectorSubcoreMesh(core_axis_name="c", subcore_axis_name="s")
    f = functools.partial(
        pl.kernel,
        mesh=mesh,
        compiler_params=pltpu.CompilerParams(needs_layout_passes=False),
        out_type=[
            jax.ShapeDtypeStruct((N_TOK, H), jnp.int32),
            jax.ShapeDtypeStruct((N_TOK, H), jnp.float32),
        ],
        scratch_types=[
            pltpu.VMEM((2, CT, K), jnp.float32),
            pltpu.VMEM((2, CT, NB), jnp.float32),
            pltpu.VMEM((NB + L,), jnp.int32),
            pltpu.VMEM((K + L,), jnp.int32),
            pltpu.VMEM((K + L,), jnp.float32),
            pltpu.VMEM((CT, H), jnp.int32),
            pltpu.VMEM((CT, H), jnp.float32),
            pltpu.SemaphoreType.DMA,
        ],
    )(_topk_body)
    return f(dist, bmin)



def _finish_block(x_ref, cb_ref, ti_ref, tw_ref, ent_ref,
                  enc_ref, q_ref, loss_ref, sacc, *, n_blocks):
    i = pl.program_id(0)

    @pl.when(i == 0)
    def _init():
        sacc[0] = 0.0

    x = x_ref[...]
    cb = cb_ref[...]
    ti = ti_ref[...]
    tw = tw_ref[...]
    iota_k = lax.broadcasted_iota(jnp.int32, (BLK, K), 1)
    enc = jnp.zeros((BLK, K), jnp.float32)
    for h in range(H):
        enc = jnp.where(iota_k == ti[:, h:h + 1], tw[:, h:h + 1], enc)
    enc_ref[...] = enc
    q = lax.dot_general(enc, cb, (((1,), (0,)), ((), ())),
                        preferred_element_type=jnp.float32)
    q_ref[...] = q
    r = q - x
    sacc[0] += jnp.sum(r * r)

    @pl.when(i == n_blocks - 1)
    def _fin():
        mse = sacc[0] * (1.0 / (N_TOK * D))
        loss_ref[...] = jnp.reshape(
            (1.0 + COMMIT) * mse + ent_ref[0, 0], (1, 1))


def _finish(x2d, cb, ti, tw, ent):
    n_blocks = N_TOK // BLK
    kern = functools.partial(_finish_block, n_blocks=n_blocks)
    return pl.pallas_call(
        kern,
        grid=(n_blocks,),
        in_specs=[
            pl.BlockSpec((BLK, D), lambda i: (i, 0)),
            pl.BlockSpec((K, D), lambda i: (0, 0)),
            pl.BlockSpec((BLK, H), lambda i: (i, 0)),
            pl.BlockSpec((BLK, H), lambda i: (i, 0)),
            pl.BlockSpec((1, 1), lambda i: (0, 0)),
        ],
        out_specs=[
            pl.BlockSpec((BLK, K), lambda i: (i, 0)),
            pl.BlockSpec((BLK, D), lambda i: (i, 0)),
            pl.BlockSpec((1, 1), lambda i: (0, 0)),
        ],
        out_shape=[
            jax.ShapeDtypeStruct((N_TOK, K), jnp.float32),
            jax.ShapeDtypeStruct((N_TOK, D), jnp.float32),
            jax.ShapeDtypeStruct((1, 1), jnp.float32),
        ],
        scratch_shapes=[
            pltpu.SMEM((2,), jnp.float32),
        ],
    )(x2d, cb, ti, tw, ent)


@jax.jit
def _vq(x2d, cb):
    dist, bmin = _dist(x2d, cb)
    ti, tw = _topk_sc(dist, bmin)
    ent = _ent(dist)
    enc, q, loss = _finish(x2d, cb, ti, tw, ent)
    return q, loss, ti, tw, enc


def kernel(x, codebook):
    b, t, d = x.shape
    x2d = x.reshape(b * t, d)
    q, loss, ti, tw, enc = _vq(x2d, codebook)
    return (q.reshape(b, t, d), loss[0, 0], ti.reshape(b, t, H),
            tw.reshape(b, t, H), enc.reshape(b, t, K))

# --- scband reference (transcript-rebuilt; emitter-appended) ---
"""Pipeline reference for scband-vlad-vq-11879879544399 (READ-ONLY COPY).

The authoritative reference and input builder live on the scoring server;
editing this copy changes nothing except your own understanding.
"""

import jax, jax.numpy as jnp
import numpy as np

CODEBOOK_SIZE = 1024
NUM_CENTROIDS = 8
TAU = 1.0
COMMITMENT_COST = 0.25
ENTROPY_LOSS_RATIO = 0.1
ENTROPY_TEMPERATURE = 0.01


def squared_euclidean_distance(a, b):
    # a: [n, d], b: [k, d] -> [n, k]
    a2 = jnp.sum(a ** 2, axis=1, keepdims=True)
    b2 = jnp.sum(b ** 2, axis=1)[None, :]
    ab = jnp.matmul(a, b.T)
    return a2 - 2.0 * ab + b2


def entropy_loss(affinity, loss_type='softmax', temperature=1.0):
    flat_affinity = affinity.reshape(-1, affinity.shape[-1])
    flat_affinity = flat_affinity / temperature
    probs = jax.nn.softmax(flat_affinity, axis=-1)
    log_probs = jax.nn.log_softmax(flat_affinity + 1e-5, axis=-1)
    if loss_type == 'softmax':
        target_probs = probs
    elif loss_type == 'argmax':
        codes = jnp.argmax(flat_affinity, axis=-1)
        onehots = jax.nn.one_hot(codes, flat_affinity.shape[-1], dtype=flat_affinity.dtype)
        onehots = probs - jax.lax.stop_gradient(probs - onehots)
        target_probs = onehots
    else:
        raise ValueError('unknown loss_type')
    avg_probs = jnp.mean(target_probs, axis=0)
    avg_entropy = -jnp.sum(avg_probs * jnp.log(avg_probs + 1e-5))
    sample_entropy = -jnp.mean(jnp.sum(target_probs * log_probs, axis=-1))
    return sample_entropy - avg_entropy


def setup_inputs(seed: int = 0) -> dict:
    key = jax.random.key(seed)
    k1, k2 = jax.random.split(key)
    x = jax.random.normal(k1, (4, 1024, 256), dtype=jnp.float32)
    init = jax.nn.initializers.variance_scaling(scale=1.0, mode='fan_in', distribution='uniform')
    codebook = init(k2, (CODEBOOK_SIZE, 256), jnp.float32)
    return {'x': x, 'codebook': codebook}


def decode_ids(indices, weights, codebook):
    return jnp.sum(weights[..., jnp.newaxis] * jnp.take(codebook, indices, axis=0), axis=-2)


def reference(x, codebook):
    distances = jnp.reshape(
        squared_euclidean_distance(jnp.reshape(x, (-1, x.shape[-1])), codebook),
        x.shape[:-1] + (CODEBOOK_SIZE,))
    weights = jax.nn.softmax(-distances / TAU, axis=-1)
    top_weights, top_indices = jax.lax.top_k(weights, NUM_CENTROIDS)
    top_weights = top_weights / jnp.sum(top_weights, axis=-1, keepdims=True)
    indices_matrix = jax.nn.one_hot(top_indices, CODEBOOK_SIZE, axis=-1)
    encodings = jnp.einsum('b...h,b...hd->b...d', top_weights, indices_matrix)
    quantized = decode_ids(top_indices, top_weights, codebook)
    e_latent_loss = jnp.mean((jax.lax.stop_gradient(quantized) - x) ** 2) * COMMITMENT_COST
    q_latent_loss = jnp.mean((quantized - jax.lax.stop_gradient(x)) ** 2)
    ent_loss = entropy_loss(-distances, loss_type='softmax', temperature=ENTROPY_TEMPERATURE) * ENTROPY_LOSS_RATIO
    e_latent_loss = jnp.asarray(e_latent_loss, jnp.float32)
    q_latent_loss = jnp.asarray(q_latent_loss, jnp.float32)
    ent_loss = jnp.asarray(ent_loss, jnp.float32)
    loss = e_latent_loss + q_latent_loss + ent_loss
    quantized_st = x + jax.lax.stop_gradient(quantized - x)
    return (quantized_st, loss, top_indices, top_weights, encodings)

if __name__ == "__main__":
    import jax
    _d = setup_inputs()
    print(jax.jit(kernel)(*tuple(_d.values())))

</pallas_src>

<mosaic_0001>
#map = affine_map<(d0, d1) -> (0, 0)>
module attributes {stable_mosaic.version = 14 : i64} {
  func.func @_topk_body(%arg0: i32, %arg1: i32, %arg2: memref<4096x1024xf32, #tpu.memory_space<hbm>>, %arg3: memref<4096x128xf32, #tpu.memory_space<hbm>>, %arg4: memref<4096x8xi32, #tpu.memory_space<hbm>>, %arg5: memref<4096x8xf32, #tpu.memory_space<hbm>>, %arg6: memref<2x32x1024xf32, #tpu.memory_space<vmem>>, %arg7: memref<2x32x128xf32, #tpu.memory_space<vmem>>, %arg8: memref<144xi32, #tpu.memory_space<vmem>>, %arg9: memref<1040xi32, #tpu.memory_space<vmem>>, %arg10: memref<1040xf32, #tpu.memory_space<vmem>>, %arg11: memref<32x8xi32, #tpu.memory_space<vmem>>, %arg12: memref<32x8xf32, #tpu.memory_space<vmem>>, %arg13: memref<!tpu.dma_semaphore, #tpu.memory_space<semaphore_mem>>) attributes {dimension_semantics = [#tpu.dimension_semantics<core_parallel>, #tpu.dimension_semantics<subcore_parallel>], iteration_bounds = array<i64: 2, 16>, scalar_prefetch = 0 : i64, scratch_operands = 8 : i64, tpu.core_type = #tpu.core_type<sc_vector_subcore>, window_params = [{transform_indices = #map}, {transform_indices = #map}, {transform_indices = #map}, {transform_indices = #map}]} {
    %mul3A = arith.constant 2 : i32
    %mul3A_0 = arith.muli %arg1, %mul3A : i32
    %add3A = arith.addi %mul3A_0, %arg0 : i32
    %iota3A = tpu.iota {dimensions = array<i32: 0>} : vector<16xi32>
    %and3A = arith.constant 7 : i32
    %and3A_1 = vector.broadcast %and3A : i32 to vector<16xi32>
    %and3A_2 = arith.andi %iota3A, %and3A_1 : vector<16xi32>
    %mul3A_3 = arith.constant 128 : i32
    %mul3A_4 = vector.broadcast %mul3A_3 : i32 to vector<16xi32>
    %mul3A_5 = arith.muli %and3A_2, %mul3A_4 : vector<16xi32>
    %broadcast_in_dim3A = arith.constant 0x7F800000 : f32
    %broadcast_in_dim3A_6 = vector.broadcast %broadcast_in_dim3A : f32 to vector<16xf32>
    %mul3A_7 = arith.constant 128 : i32
    %mul3A_8 = arith.muli %add3A, %mul3A_7 : i32
    %add3A_9 = arith.constant 0 : i32
    %add3A_10 = arith.addi %mul3A_8, %add3A_9 : i32
    %dma_start3A = arith.constant 0 : i32
    %dma_start3A_11 = arith.constant 0 : i32
    %dma_start3A_12 = arith.constant 0 : i32
    %dma_start3A_13 = tpu.memref_slice %arg6[%dma_start3A, %dma_start3A_11, %dma_start3A_12] : memref<2x32x1024xf32, #tpu.memory_space<vmem>> -> memref<1x32x1024xf32, #tpu.memory_space<vmem>>
    %dma_start3A_14 = tpu.memref_squeeze %dma_start3A_13 : memref<1x32x1024xf32, #tpu.memory_space<vmem>> -> memref<32x1024xf32, #tpu.memory_space<vmem>>
    %dma_start3A_15 = arith.constant 0 : i32
    %dma_start3A_16 = tpu.memref_slice %arg2[%add3A_10, %dma_start3A_15] : memref<4096x1024xf32, #tpu.memory_space<hbm>> -> memref<32x1024xf32, #tpu.memory_space<hbm>>
    %dma_start3A_17 = arith.constant 0 : i32
    %dma_start3A_18 = arith.constant 0 : i32
    %dma_start3A_19 = tpu.memref_slice %arg6[%dma_start3A, %dma_start3A_17, %dma_start3A_18] : memref<2x32x1024xf32, #tpu.memory_space<vmem>> -> memref<1x32x1024xf32, #tpu.memory_space<vmem>>
    %dma_start3A_20 = tpu.memref_squeeze %dma_start3A_19 : memref<1x32x1024xf32, #tpu.memory_space<vmem>> -> memref<32x1024xf32, #tpu.memory_space<vmem>>
    %dma_start3A_21 = arith.constant 0 : i32
    %dma_start3A_22 = tpu.memref_slice %arg2[%add3A_10, %dma_start3A_21] : memref<4096x1024xf32, #tpu.memory_space<hbm>> -> memref<32x1024xf32, #tpu.memory_space<hbm>>
    tpu.enqueue_dma source(%dma_start3A_22 : memref<32x1024xf32, #tpu.memory_space<hbm>>) target(%dma_start3A_20 : memref<32x1024xf32, #tpu.memory_space<vmem>>) target_semaphore(%arg13 : memref<!tpu.dma_semaphore, #tpu.memory_space<semaphore_mem>>)
    %dma_start3A_23 = arith.constant 0 : i32
    %dma_start3A_24 = arith.constant 0 : i32
    %dma_start3A_25 = arith.constant 0 : i32
    %dma_start3A_26 = tpu.memref_slice %arg7[%dma_start3A_23, %dma_start3A_24, %dma_start3A_25] : memref<2x32x128xf32, #tpu.memory_space<vmem>> -> memref<1x32x128xf32, #tpu.memory_space<vmem>>
    %dma_start3A_27 = tpu.memref_squeeze %dma_start3A_26 : memref<1x32x128xf32, #tpu.memory_space<vmem>> -> memref<32x128xf32, #tpu.memory_space<vmem>>
    %dma_start3A_28 = arith.constant 0 : i32
    %dma_start3A_29 = tpu.memref_slice %arg3[%add3A_10, %dma_start3A_28] : memref<4096x128xf32, #tpu.memory_space<hbm>> -> memref<32x128xf32, #tpu.memory_space<hbm>>
    %dma_start3A_30 = arith.constant 0 : i32
    %dma_start3A_31 = arith.constant 0 : i32
    %dma_start3A_32 = tpu.memref_slice %arg7[%dma_start3A_23, %dma_start3A_30, %dma_start3A_31] : memref<2x32x128xf32, #tpu.memory_space<vmem>> -> memref<1x32x128xf32, #tpu.memory_space<vmem>>
    %dma_start3A_33 = tpu.memref_squeeze %dma_start3A_32 : memref<1x32x128xf32, #tpu.memory_space<vmem>> -> memref<32x128xf32, #tpu.memory_space<vmem>>
    %dma_start3A_34 = arith.constant 0 : i32
    %dma_start3A_35 = tpu.memref_slice %arg3[%add3A_10, %dma_start3A_34] : memref<4096x128xf32, #tpu.memory_space<hbm>> -> memref<32x128xf32, #tpu.memory_space<hbm>>
    tpu.enqueue_dma source(%dma_start3A_35 : memref<32x128xf32, #tpu.memory_space<hbm>>) target(%dma_start3A_33 : memref<32x128xf32, #tpu.memory_space<vmem>>) target_semaphore(%arg13 : memref<!tpu.dma_semaphore, #tpu.memory_space<semaphore_mem>>)
    %scan3A = arith.constant 0 : i32
    %scan3A_36 = arith.constant 0 : i32
    %scan3A_37 = arith.constant 4 : i32
    %scan3A_38 = arith.addi %scan3A_36, %scan3A_37 : i32
    %scan3A_39 = arith.constant 1 : i32
    %scan3A_40 = scf.for %scan3A_42 = %scan3A_36 to %scan3A_38 step %scan3A_39 iter_args(%scan3A_43 = %scan3A) -> (i32)  : i32 {
      %mul3A_44 = arith.constant 128 : i32
      %mul3A_45 = arith.muli %add3A, %mul3A_44 : i32
      %mul3A_46 = arith.constant 32 : i32
      %mul3A_47 = arith.muli %scan3A_42, %mul3A_46 : i32
      %add3A_48 = arith.addi %mul3A_45, %mul3A_47 : i32
      %jit3A = arith.constant 2 : i32
      %eq3A = arith.constant 0 : i32
      %eq3A_49 = arith.cmpi eq, %jit3A, %eq3A : i32
      %jit3A_50 = arith.constant 1 : i32
      %select_n3A = arith.select %eq3A_49, %jit3A_50, %jit3A : i32
      %rem3A = arith.remsi %scan3A_42, %select_n3A : i32
      %ne3A = arith.constant 0 : i32
      %ne3A_51 = arith.cmpi ne, %rem3A, %ne3A : i32
      %lt3A = arith.constant 0 : i32
      %lt3A_52 = arith.cmpi slt, %rem3A, %lt3A : i32
      %lt3A_53 = arith.constant 0 : i32
      %lt3A_54 = arith.cmpi slt, %select_n3A, %lt3A_53 : i32
      %ne3A_55 = arith.xori %lt3A_52, %lt3A_54 : i1
      %and3A_56 = arith.andi %ne3A_55, %ne3A_51 : i1
      %add3A_57 = arith.addi %rem3A, %select_n3A : i32
      %select_n3A_58 = arith.select %and3A_56, %add3A_57, %rem3A : i32
      %lt3A_59 = arith.constant 3 : i32
      %lt3A_60 = arith.cmpi slt, %scan3A_42, %lt3A_59 : i32
      %convert_element_type3A = arith.extui %lt3A_60 : i1 to i32
      %cond3A = arith.constant 0 : i32
      %cond3A_61 = arith.cmpi ne, %convert_element_type3A, %cond3A : i32
      scf.if %cond3A_61 {
        %add3A_93 = arith.constant 1 : i32
        %add3A_94 = arith.addi %scan3A_42, %add3A_93 : i32
        %add3A_95 = arith.constant 1 : i32
        %add3A_96 = arith.addi %scan3A_42, %add3A_95 : i32
        %jit3A_97 = arith.constant 2 : i32
        %eq3A_98 = arith.constant 0 : i32
        %eq3A_99 = arith.cmpi eq, %jit3A_97, %eq3A_98 : i32
        %jit3A_100 = arith.constant 1 : i32
        %select_n3A_101 = arith.select %eq3A_99, %jit3A_100, %jit3A_97 : i32
        %rem3A_102 = arith.remsi %add3A_96, %select_n3A_101 : i32
        %ne3A_103 = arith.constant 0 : i32
        %ne3A_104 = arith.cmpi ne, %rem3A_102, %ne3A_103 : i32
        %lt3A_105 = arith.constant 0 : i32
        %lt3A_106 = arith.cmpi slt, %rem3A_102, %lt3A_105 : i32
        %lt3A_107 = arith.constant 0 : i32
        %lt3A_108 = arith.cmpi slt, %select_n3A_101, %lt3A_107 : i32
        %ne3A_109 = arith.xori %lt3A_106, %lt3A_108 : i1
        %and3A_110 = arith.andi %ne3A_109, %ne3A_104 : i1
        %add3A_111 = arith.addi %rem3A_102, %select_n3A_101 : i32
        %select_n3A_112 = arith.select %and3A_110, %add3A_111, %rem3A_102 : i32
        %mul3A_113 = arith.constant 128 : i32
        %mul3A_114 = arith.muli %add3A, %mul3A_113 : i32
        %mul3A_115 = arith.constant 32 : i32
        %mul3A_116 = arith.muli %add3A_94, %mul3A_115 : i32
        %add3A_117 = arith.addi %mul3A_114, %mul3A_116 : i32
        %dma_start3A_118 = arith.constant 0 : i32
        %dma_start3A_119 = arith.constant 0 : i32
        %dma_start3A_120 = tpu.memref_slice %arg6[%select_n3A_112, %dma_start3A_118, %dma_start3A_119] : memref<2x32x1024xf32, #tpu.memory_space<vmem>> -> memref<1x32x1024xf32, #tpu.memory_space<vmem>>
        %dma_start3A_121 = tpu.memref_squeeze %dma_start3A_120 : memref<1x32x1024xf32, #tpu.memory_space<vmem>> -> memref<32x1024xf32, #tpu.memory_space<vmem>>
        %dma_start3A_122 = arith.constant 0 : i32
        %dma_start3A_123 = tpu.memref_slice %arg2[%add3A_117, %dma_start3A_122] : memref<4096x1024xf32, #tpu.memory_space<hbm>> -> memref<32x1024xf32, #tpu.memory_space<hbm>>
        %dma_start3A_124 = arith.constant 0 : i32
        %dma_start3A_125 = arith.constant 0 : i32
        %dma_start3A_126 = tpu.memref_slice %arg6[%select_n3A_112, %dma_start3A_124, %dma_start3A_125] : memref<2x32x1024xf32, #tpu.memory_space<vmem>> -> memref<1x32x1024xf32, #tpu.memory_space<vmem>>
        %dma_start3A_127 = tpu.memref_squeeze %dma_start3A_126 : memref<1x32x1024xf32, #tpu.memory_space<vmem>> -> memref<32x1024xf32, #tpu.memory_space<vmem>>
        %dma_start3A_128 = arith.constant 0 : i32
        %dma_start3A_129 = tpu.memref_slice %arg2[%add3A_117, %dma_start3A_128] : memref<4096x1024xf32, #tpu.memory_space<hbm>> -> memref<32x1024xf32, #tpu.memory_space<hbm>>
        tpu.enqueue_dma source(%dma_start3A_129 : memref<32x1024xf32, #tpu.memory_space<hbm>>) target(%dma_start3A_127 : memref<32x1024xf32, #tpu.memory_space<vmem>>) target_semaphore(%arg13 : memref<!tpu.dma_semaphore, #tpu.memory_space<semaphore_mem>>)
        %dma_start3A_130 = arith.constant 0 : i32
        %dma_start3A_131 = arith.constant 0 : i32
        %dma_start3A_132 = tpu.memref_slice %arg7[%select_n3A_112, %dma_start3A_130, %dma_start3A_131] : memref<2x32x128xf32, #tpu.memory_space<vmem>> -> memref<1x32x128xf32, #tpu.memory_space<vmem>>
        %dma_start3A_133 = tpu.memref_squeeze %dma_start3A_132 : memref<1x32x128xf32, #tpu.memory_space<vmem>> -> memref<32x128xf32, #tpu.memory_space<vmem>>
        %dma_start3A_134 = arith.constant 0 : i32
        %dma_start3A_135 = tpu.memref_slice %arg3[%add3A_117, %dma_start3A_134] : memref<4096x128xf32, #tpu.memory_space<hbm>> -> memref<32x128xf32, #tpu.memory_space<hbm>>
        %dma_start3A_136 = arith.constant 0 : i32
        %dma_start3A_137 = arith.constant 0 : i32
        %dma_start3A_138 = tpu.memref_slice %arg7[%select_n3A_112, %dma_start3A_136, %dma_start3A_137] : memref<2x32x128xf32, #tpu.memory_space<vmem>> -> memref<1x32x128xf32, #tpu.memory_space<vmem>>
        %dma_start3A_139 = tpu.memref_squeeze %dma_start3A_138 : memref<1x32x128xf32, #tpu.memory_space<vmem>> -> memref<32x128xf32, #tpu.memory_space<vmem>>
        %dma_start3A_140 = arith.constant 0 : i32
        %dma_start3A_141 = tpu.memref_slice %arg3[%add3A_117, %dma_start3A_140] : memref<4096x128xf32, #tpu.memory_space<hbm>> -> memref<32x128xf32, #tpu.memory_space<hbm>>
        tpu.enqueue_dma source(%dma_start3A_141 : memref<32x128xf32, #tpu.memory_space<hbm>>) target(%dma_start3A_139 : memref<32x128xf32, #tpu.memory_space<vmem>>) target_semaphore(%arg13 : memref<!tpu.dma_semaphore, #tpu.memory_space<semaphore_mem>>)
      } else {
      }
      %dma_wait3A = arith.constant 0 : i32
      %dma_wait3A_62 = arith.constant 0 : i32
      %dma_wait3A_63 = tpu.memref_slice %arg6[%select_n3A_58, %dma_wait3A, %dma_wait3A_62] : memref<2x32x1024xf32, #tpu.memory_space<vmem>> -> memref<1x32x1024xf32, #tpu.memory_space<vmem>>
      %dma_wait3A_64 = tpu.memref_squeeze %dma_wait3A_63 : memref<1x32x1024xf32, #tpu.memory_space<vmem>> -> memref<32x1024xf32, #tpu.memory_space<vmem>>
      %dma_wait3A_65 = arith.constant 0 : i32
      %dma_wait3A_66 = tpu.memref_slice %arg2[%add3A_48, %dma_wait3A_65] : memref<4096x1024xf32, #tpu.memory_space<hbm>> -> memref<32x1024xf32, #tpu.memory_space<hbm>>
      %dma_wait3A_67 = arith.constant 0 : i32
      %dma_wait3A_68 = arith.constant 0 : i32
      %dma_wait3A_69 = tpu.memref_slice %arg6[%select_n3A_58, %dma_wait3A_67, %dma_wait3A_68] : memref<2x32x1024xf32, #tpu.memory_space<vmem>> -> memref<1x32x1024xf32, #tpu.memory_space<vmem>>
      %dma_wait3A_70 = tpu.memref_squeeze %dma_wait3A_69 : memref<1x32x1024xf32, #tpu.memory_space<vmem>> -> memref<32x1024xf32, #tpu.memory_space<vmem>>
      %dma_wait3A_71 = arith.constant 0 : i32
      %dma_wait3A_72 = tpu.memref_slice %arg2[%add3A_48, %dma_wait3A_71] : memref<4096x1024xf32, #tpu.memory_space<hbm>> -> memref<32x1024xf32, #tpu.memory_space<hbm>>
      tpu.wait_dma2 semaphore(%arg13 : memref<!tpu.dma_semaphore, #tpu.memory_space<semaphore_mem>>) src(%dma_wait3A_72 : memref<32x1024xf32, #tpu.memory_space<hbm>>) dst(%dma_wait3A_70 : memref<32x1024xf32, #tpu.memory_space<vmem>>)
      %dma_wait3A_73 = arith.constant 0 : i32
      %dma_wait3A_74 = arith.constant 0 : i32
      %dma_wait3A_75 = tpu.memref_slice %arg7[%select_n3A_58, %dma_wait3A_73, %dma_wait3A_74] : memref<2x32x128xf32, #tpu.memory_space<vmem>> -> memref<1x32x128xf32, #tpu.memory_space<vmem>>
      %dma_wait3A_76 = tpu.memref_squeeze %dma_wait3A_75 : memref<1x32x128xf32, #tpu.memory_space<vmem>> -> memref<32x128xf32, #tpu.memory_space<vmem>>
      %dma_wait3A_77 = arith.constant 0 : i32
      %dma_wait3A_78 = tpu.memref_slice %arg3[%add3A_48, %dma_wait3A_77] : memref<4096x128xf32, #tpu.memory_space<hbm>> -> memref<32x128xf32, #tpu.memory_space<hbm>>
      %dma_wait3A_79 = arith.constant 0 : i32
      %dma_wait3A_80 = arith.constant 0 : i32
      %dma_wait3A_81 = tpu.memref_slice %arg7[%select_n3A_58, %dma_wait3A_79, %dma_wait3A_80] : memref<2x32x128xf32, #tpu.memory_space<vmem>> -> memref<1x32x128xf32, #tpu.memory_space<vmem>>
      %dma_wait3A_82 = tpu.memref_squeeze %dma_wait3A_81 : memref<1x32x128xf32, #tpu.memory_space<vmem>> -> memref<32x128xf32, #tpu.memory_space<vmem>>
      %dma_wait3A_83 = arith.constant 0 : i32
      %dma_wait3A_84 = tpu.memref_slice %arg3[%add3A_48, %dma_wait3A_83] : memref<4096x128xf32, #tpu.memory_space<hbm>> -> memref<32x128xf32, #tpu.memory_space<hbm>>
      tpu.wait_dma2 semaphore(%arg13 : memref<!tpu.dma_semaphore, #tpu.memory_space<semaphore_mem>>) src(%dma_wait3A_84 : memref<32x128xf32, #tpu.memory_space<hbm>>) dst(%dma_wait3A_82 : memref<32x128xf32, #tpu.memory_space<vmem>>)
      %scan3A_85 = arith.constant 0 : i32
      %scan3A_86 = arith.constant 0 : i32
      %scan3A_87 = arith.constant 32 : i32
      %scan3A_88 = arith.addi %scan3A_86, %scan3A_87 : i32
      %scan3A_89 = arith.constant 1 : i32
      %scan3A_90 = scf.for %scan3A_93 = %scan3A_86 to %scan3A_88 step %scan3A_89 iter_args(%scan3A_94 = %scan3A_85) -> (i32)  : i32 {
        %broadcast_in_dim3A_95 = vector.broadcast %scan3A_93 : i32 to vector<16xi32>
        %broadcast_in_dim3A_96 = vector.broadcast %select_n3A_58 : i32 to vector<16xi32>
        %get3A = arith.index_cast %select_n3A_58 : i32 to index
        %get3A_97 = arith.index_cast %scan3A_93 : i32 to index
        %get3A_98 = arith.constant 0 : index
        %get3A_99 = tpu.vector_load %arg7[%get3A, %get3A_97, %get3A_98] {strides = array<i32>} : memref<2x32x128xf32, #tpu.memory_space<vmem>>, vector<16xf32>,
        %get3A_100 = arith.index_cast %select_n3A_58 : i32 to index
        %get3A_101 = arith.index_cast %scan3A_93 : i32 to index
        %get3A_102 = arith.constant 16 : index
        %get3A_103 = tpu.vector_load %arg7[%get3A_100, %get3A_101, %get3A_102] {strides = array<i32>} : memref<2x32x128xf32, #tpu.memory_space<vmem>>, vector<16xf32>,
        %get3A_104 = arith.index_cast %select_n3A_58 : i32 to index
        %get3A_105 = arith.index_cast %scan3A_93 : i32 to index
        %get3A_106 = arith.constant 32 : index
        %get3A_107 = tpu.vector_load %arg7[%get3A_104, %get3A_105, %get3A_106] {strides = array<i32>} : memref<2x32x128xf32, #tpu.memory_space<vmem>>, vector<16xf32>,
        %get3A_108 = arith.index_cast %select_n3A_58 : i32 to index
        %get3A_109 = arith.index_cast %scan3A_93 : i32 to index
        %get3A_110 = arith.constant 48 : index
        %get3A_111 = tpu.vector_load %arg7[%get3A_108, %get3A_109, %get3A_110] {strides = array<i32>} : memref<2x32x128xf32, #tpu.memory_space<vmem>>, vector<16xf32>,
        %get3A_112 = arith.index_cast %select_n3A_58 : i32 to index
        %get3A_113 = arith.index_cast %scan3A_93 : i32 to index
        %get3A_114 = arith.constant 64 : index
        %get3A_115 = tpu.vector_load %arg7[%get3A_112, %get3A_113, %get3A_114] {strides = array<i32>} : memref<2x32x128xf32, #tpu.memory_space<vmem>>, vector<16xf32>,
        %get3A_116 = arith.index_cast %select_n3A_58 : i32 to index
        %get3A_117 = arith.index_cast %scan3A_93 : i32 to index
        %get3A_118 = arith.constant 80 : index
        %get3A_119 = tpu.vector_load %arg7[%get3A_116, %get3A_117, %get3A_118] {strides = array<i32>} : memref<2x32x128xf32, #tpu.memory_space<vmem>>, vector<16xf32>,
        %get3A_120 = arith.index_cast %select_n3A_58 : i32 to index
        %get3A_121 = arith.index_cast %scan3A_93 : i32 to index
        %get3A_122 = arith.constant 96 : index
        %get3A_123 = tpu.vector_load %arg7[%get3A_120, %get3A_121, %get3A_122] {strides = array<i32>} : memref<2x32x128xf32, #tpu.memory_space<vmem>>, vector<16xf32>,
        %get3A_124 = arith.index_cast %select_n3A_58 : i32 to index
        %get3A_125 = arith.index_cast %scan3A_93 : i32 to index
        %get3A_126 = arith.constant 112 : index
        %get3A_127 = tpu.vector_load %arg7[%get3A_124, %get3A_125, %get3A_126] {strides = array<i32>} : memref<2x32x128xf32, #tpu.memory_space<vmem>>, vector<16xf32>,
        %min3A = arith.minimumf %get3A_99, %get3A_103 : vector<16xf32>
        %min3A_128 = arith.minimumf %get3A_107, %get3A_111 : vector<16xf32>
        %min3A_129 = arith.minimumf %min3A, %min3A_128 : vector<16xf32>
        %min3A_130 = arith.minimumf %get3A_115, %get3A_119 : vector<16xf32>
        %min3A_131 = arith.minimumf %get3A_123, %get3A_127 : vector<16xf32>
        %min3A_132 = arith.minimumf %min3A_130, %min3A_131 : vector<16xf32>
        %min3A_133 = arith.minimumf %min3A_129, %min3A_132 : vector<16xf32>
        %masked_sort3A = arith.constant dense<true> : vector<16xi1>
        %masked_sort3A_134, %masked_sort3A_135, %masked_sort3A_136 = tpu.sort %min3A_133, %iota3A masked %masked_sort3A : (vector<16xf32>, vector<16xi32>, vector<16xi1>) -> (vector<16xi1>, vector<16xf32>, vector<16xi32>)
        %slice3A = vector.extract_strided_slice %masked_sort3A_135 {offsets = [7], sizes = [1], strides = [1]} : vector<16xf32> to vector<1xf32>
        %squeeze3A = vector.extract %slice3A[0] : f32 from vector<1xf32>
        %broadcast_in_dim3A_137 = vector.broadcast %squeeze3A : f32 to vector<16xf32>
        %le3A = arith.cmpf ole, %get3A_99, %broadcast_in_dim3A_137 : vector<16xf32>
        %add3A_138 = arith.constant 0 : i32
        %add3A_139 = vector.broadcast %add3A_138 : i32 to vector<16xi32>
        %add3A_140 = arith.addi %iota3A, %add3A_139 : vector<16xi32>
        %swap3A = arith.constant 0 : i32
        %swap3A_141 = arith.index_cast %swap3A : i32 to index
        %swap3A_142 = tpu.vector_load %arg8[%swap3A_141] masked %le3A {strides = array<i32>} : memref<144xi32, #tpu.memory_space<vmem>>, vector<16xi32>, vector<16xi1>
        tpu.vector_store %arg8[%swap3A_141], %add3A_140 masked %le3A {strides = array<i32>} : memref<144xi32, #tpu.memory_space<vmem>>, vector<16xi32>, vector<16xi1>
        %all_reduce_population_count3A = tpu.all_reduce %le3A {dim = 0 : i64, kind = #tpu.reduction_kind<sum>} : vector<16xi1> -> vector<16xi32>
        %slice3A_143 = vector.extract_strided_slice %all_reduce_population_count3A {offsets = [0], sizes = [1], strides = [1]} : vector<16xi32> to vector<1xi32>
        %squeeze3A_144 = vector.extract %slice3A_143[0] : i32 from vector<1xi32>
        %add3A_145 = arith.constant 0 : i32
        %add3A_146 = arith.addi %add3A_145, %squeeze3A_144 : i32
        %le3A_147 = arith.cmpf ole, %get3A_103, %broadcast_in_dim3A_137 : vector<16xf32>
        %add3A_148 = arith.constant 16 : i32
        %add3A_149 = vector.broadcast %add3A_148 : i32 to vector<16xi32>
        %add3A_150 = arith.addi %iota3A, %add3A_149 : vector<16xi32>
        %swap3A_151 = arith.index_cast %add3A_146 : i32 to index
        %swap3A_152 = tpu.vector_load %arg8[%swap3A_151] masked %le3A_147 {strides = array<i32>} : memref<144xi32, #tpu.memory_space<vmem>>, vector<16xi32>, vector<16xi1>
        tpu.vector_store %arg8[%swap3A_151], %add3A_150 masked %le3A_147 {strides = array<i32>} : memref<144xi32, #tpu.memory_space<vmem>>, vector<16xi32>, vector<16xi1>
        %all_reduce_population_count3A_153 = tpu.all_reduce %le3A_147 {dim = 0 : i64, kind = #tpu.reduction_kind<sum>} : vector<16xi1> -> vector<16xi32>
        %slice3A_154 = vector.extract_strided_slice %all_reduce_population_count3A_153 {offsets = [0], sizes = [1], strides = [1]} : vector<16xi32> to vector<1xi32>
        %squeeze3A_155 = vector.extract %slice3A_154[0] : i32 from vector<1xi32>
        %add3A_156 = arith.addi %add3A_146, %squeeze3A_155 : i32
        %le3A_157 = arith.cmpf ole, %get3A_107, %broadcast_in_dim3A_137 : vector<16xf32>
        %add3A_158 = arith.constant 32 : i32
        %add3A_159 = vector.broadcast %add3A_158 : i32 to vector<16xi32>
        %add3A_160 = arith.addi %iota3A, %add3A_159 : vector<16xi32>
        %swap3A_161 = arith.index_cast %add3A_156 : i32 to index
        %swap3A_162 = tpu.vector_load %arg8[%swap3A_161] masked %le3A_157 {strides = array<i32>} : memref<144xi32, #tpu.memory_space<vmem>>, vector<16xi32>, vector<16xi1>
        tpu.vector_store %arg8[%swap3A_161], %add3A_160 masked %le3A_157 {strides = array<i32>} : memref<144xi32, #tpu.memory_space<vmem>>, vector<16xi32>, vector<16xi1>
        %all_reduce_population_count3A_163 = tpu.all_reduce %le3A_157 {dim = 0 : i64, kind = #tpu.reduction_kind<sum>} : vector<16xi1> -> vector<16xi32>
        %slice3A_164 = vector.extract_strided_slice %all_reduce_population_count3A_163 {offsets = [0], sizes = [1], strides = [1]} : vector<16xi32> to vector<1xi32>
        %squeeze3A_165 = vector.extract %slice3A_164[0] : i32 from vector<1xi32>
        %add3A_166 = arith.addi %add3A_156, %squeeze3A_165 : i32
        %le3A_167 = arith.cmpf ole, %get3A_111, %broadcast_in_dim3A_137 : vector<16xf32>
        %add3A_168 = arith.constant 48 : i32
        %add3A_169 = vector.broadcast %add3A_168 : i32 to vector<16xi32>
        %add3A_170 = arith.addi %iota3A, %add3A_169 : vector<16xi32>
        %swap3A_171 = arith.index_cast %add3A_166 : i32 to index
        %swap3A_172 = tpu.vector_load %arg8[%swap3A_171] masked %le3A_167 {strides = array<i32>} : memref<144xi32, #tpu.memory_space<vmem>>, vector<16xi32>, vector<16xi1>
        tpu.vector_store %arg8[%swap3A_171], %add3A_170 masked %le3A_167 {strides = array<i32>} : memref<144xi32, #tpu.memory_space<vmem>>, vector<16xi32>, vector<16xi1>
        %all_reduce_population_count3A_173 = tpu.all_reduce %le3A_167 {dim = 0 : i64, kind = #tpu.reduction_kind<sum>} : vector<16xi1> -> vector<16xi32>
        %slice3A_174 = vector.extract_strided_slice %all_reduce_population_count3A_173 {offsets = [0], sizes = [1], strides = [1]} : vector<16xi32> to vector<1xi32>
        %squeeze3A_175 = vector.extract %slice3A_174[0] : i32 from vector<1xi32>
        %add3A_176 = arith.addi %add3A_166, %squeeze3A_175 : i32
        %le3A_177 = arith.cmpf ole, %get3A_115, %broadcast_in_dim3A_137 : vector<16xf32>
        %add3A_178 = arith.constant 64 : i32
        %add3A_179 = vector.broadcast %add3A_178 : i32 to vector<16xi32>
        %add3A_180 = arith.addi %iota3A, %add3A_179 : vector<16xi32>
        %swap3A_181 = arith.index_cast %add3A_176 : i32 to index
        %swap3A_182 = tpu.vector_load %arg8[%swap3A_181] masked %le3A_177 {strides = array<i32>} : memref<144xi32, #tpu.memory_space<vmem>>, vector<16xi32>, vector<16xi1>
        tpu.vector_store %arg8[%swap3A_181], %add3A_180 masked %le3A_177 {strides = array<i32>} : memref<144xi32, #tpu.memory_space<vmem>>, vector<16xi32>, vector<16xi1>
        %all_reduce_population_count3A_183 = tpu.all_reduce %le3A_177 {dim = 0 : i64, kind = #tpu.reduction_kind<sum>} : vector<16xi1> -> vector<16xi32>
        %slice3A_184 = vector.extract_strided_slice %all_reduce_population_count3A_183 {offsets = [0], sizes = [1], strides = [1]} : vector<16xi32> to vector<1xi32>
        %squeeze3A_185 = vector.extract %slice3A_184[0] : i32 from vector<1xi32>
        %add3A_186 = arith.addi %add3A_176, %squeeze3A_185 : i32
        %le3A_187 = arith.cmpf ole, %get3A_119, %broadcast_in_dim3A_137 : vector<16xf32>
        %add3A_188 = arith.constant 80 : i32
        %add3A_189 = vector.broadcast %add3A_188 : i32 to vector<16xi32>
        %add3A_190 = arith.addi %iota3A, %add3A_189 : vector<16xi32>
        %swap3A_191 = arith.index_cast %add3A_186 : i32 to index
        %swap3A_192 = tpu.vector_load %arg8[%swap3A_191] masked %le3A_187 {strides = array<i32>} : memref<144xi32, #tpu.memory_space<vmem>>, vector<16xi32>, vector<16xi1>
        tpu.vector_store %arg8[%swap3A_191], %add3A_190 masked %le3A_187 {strides = array<i32>} : memref<144xi32, #tpu.memory_space<vmem>>, vector<16xi32>, vector<16xi1>
        %all_reduce_population_count3A_193 = tpu.all_reduce %le3A_187 {dim = 0 : i64, kind = #tpu.reduction_kind<sum>} : vector<16xi1> -> vector<16xi32>
        %slice3A_194 = vector.extract_strided_slice %all_reduce_population_count3A_193 {offsets = [0], sizes = [1], strides = [1]} : vector<16xi32> to vector<1xi32>
        %squeeze3A_195 = vector.extract %slice3A_194[0] : i32 from vector<1xi32>
        %add3A_196 = arith.addi %add3A_186, %squeeze3A_195 : i32
        %le3A_197 = arith.cmpf ole, %get3A_123, %broadcast_in_dim3A_137 : vector<16xf32>
        %add3A_198 = arith.constant 96 : i32
        %add3A_199 = vector.broadcast %add3A_198 : i32 to vector<16xi32>
        %add3A_200 = arith.addi %iota3A, %add3A_199 : vector<16xi32>
        %swap3A_201 = arith.index_cast %add3A_196 : i32 to index
        %swap3A_202 = tpu.vector_load %arg8[%swap3A_201] masked %le3A_197 {strides = array<i32>} : memref<144xi32, #tpu.memory_space<vmem>>, vector<16xi32>, vector<16xi1>
        tpu.vector_store %arg8[%swap3A_201], %add3A_200 masked %le3A_197 {strides = array<i32>} : memref<144xi32, #tpu.memory_space<vmem>>, vector<16xi32>, vector<16xi1>
        %all_reduce_population_count3A_203 = tpu.all_reduce %le3A_197 {dim = 0 : i64, kind = #tpu.reduction_kind<sum>} : vector<16xi1> -> vector<16xi32>
        %slice3A_204 = vector.extract_strided_slice %all_reduce_population_count3A_203 {offsets = [0], sizes = [1], strides = [1]} : vector<16xi32> to vector<1xi32>
        %squeeze3A_205 = vector.extract %slice3A_204[0] : i32 from vector<1xi32>
        %add3A_206 = arith.addi %add3A_196, %squeeze3A_205 : i32
        %le3A_207 = arith.cmpf ole, %get3A_127, %broadcast_in_dim3A_137 : vector<16xf32>
        %add3A_208 = arith.constant 112 : i32
        %add3A_209 = vector.broadcast %add3A_208 : i32 to vector<16xi32>
        %add3A_210 = arith.addi %iota3A, %add3A_209 : vector<16xi32>
        %swap3A_211 = arith.index_cast %add3A_206 : i32 to index
        %swap3A_212 = tpu.vector_load %arg8[%swap3A_211] masked %le3A_207 {strides = array<i32>} : memref<144xi32, #tpu.memory_space<vmem>>, vector<16xi32>, vector<16xi1>
        tpu.vector_store %arg8[%swap3A_211], %add3A_210 masked %le3A_207 {strides = array<i32>} : memref<144xi32, #tpu.memory_space<vmem>>, vector<16xi32>, vector<16xi1>
        %all_reduce_population_count3A_213 = tpu.all_reduce %le3A_207 {dim = 0 : i64, kind = #tpu.reduction_kind<sum>} : vector<16xi1> -> vector<16xi32>
        %slice3A_214 = vector.extract_strided_slice %all_reduce_population_count3A_213 {offsets = [0], sizes = [1], strides = [1]} : vector<16xi32> to vector<1xi32>
        %squeeze3A_215 = vector.extract %slice3A_214[0] : i32 from vector<1xi32>
        %add3A_216 = arith.addi %add3A_206, %squeeze3A_215 : i32
        %broadcast_in_dim3A_217 = vector.broadcast %add3A_216 : i32 to vector<16xi32>
        %add3A_218 = arith.constant 1 : i32
        %add3A_219 = arith.addi %add3A_216, %add3A_218 : i32
        %jit3A_220 = arith.constant 2 : i32
        %div3A = arith.divsi %add3A_219, %jit3A_220 : i32
        %sign3A = arith.constant 0 : i32
        %sign3A_221 = arith.cmpi sgt, %add3A_219, %sign3A : i32
        %sign3A_222 = arith.extui %sign3A_221 : i1 to i32
        %sign3A_223 = arith.constant 0 : i32
        %sign3A_224 = arith.cmpi slt, %add3A_219, %sign3A_223 : i32
        %sign3A_225 = arith.extui %sign3A_224 : i1 to i32
        %sign3A_226 = arith.subi %sign3A_222, %sign3A_225 : i32
        %sign3A_227 = arith.constant 0 : i32
        %sign3A_228 = arith.cmpi sgt, %jit3A_220, %sign3A_227 : i32
        %sign3A_229 = arith.extui %sign3A_228 : i1 to i32
        %sign3A_230 = arith.constant 0 : i32
        %sign3A_231 = arith.cmpi slt, %jit3A_220, %sign3A_230 : i32
        %sign3A_232 = arith.extui %sign3A_231 : i1 to i32
        %sign3A_233 = arith.subi %sign3A_229, %sign3A_232 : i32
        %ne3A_234 = arith.cmpi ne, %sign3A_226, %sign3A_233 : i32
        %rem3A_235 = arith.remsi %add3A_219, %jit3A_220 : i32
        %ne3A_236 = arith.constant 0 : i32
        %ne3A_237 = arith.cmpi ne, %rem3A_235, %ne3A_236 : i32
        %and3A_238 = arith.andi %ne3A_234, %ne3A_237 : i1
        %sub3A = arith.constant 1 : i32
        %sub3A_239 = arith.subi %div3A, %sub3A : i32
        %select_n3A_240 = arith.select %and3A_238, %sub3A_239, %div3A : i32
        %while3A = arith.constant 0 : i32
        %while3A_241 = arith.constant 0 : i32
        %while3A_242 = arith.subi %select_n3A_240, %while3A : i32
        %while3A_243 = arith.addi %while3A, %while3A_242 : i32
        %while3A_244 = arith.constant 1 : i32
        %while3A_245 = arith.divsi %while3A_242, %while3A_244 : i32
        %while3A_246 = arith.muli %while3A_245, %while3A_244 : i32
        %while3A_247 = arith.addi %while3A, %while3A_246 : i32
        %while3A_248 = arith.constant 1 : i32
        %while3A_249 = scf.for %while3A_281 = %while3A to %while3A_247 step %while3A_248 iter_args(%while3A_282 = %while3A_241) -> (i32)  : i32 {
          %mul3A_283 = arith.constant 2 : i32
          %mul3A_284 = arith.muli %mul3A_283, %while3A_281 : i32
          %broadcast_in_dim3A_285 = vector.broadcast %mul3A_284 : i32 to vector<16xi32>
          %lt3A_286 = arith.constant 8 : i32
          %lt3A_287 = vector.broadcast %lt3A_286 : i32 to vector<16xi32>
          %lt3A_288 = arith.cmpi slt, %iota3A, %lt3A_287 : vector<16xi32>
          %add3A_289 = arith.constant 1 : i32
          %add3A_290 = vector.broadcast %add3A_289 : i32 to vector<16xi32>
          %add3A_291 = arith.addi %broadcast_in_dim3A_285, %add3A_290 : vector<16xi32>
          %select_n3A_292 = arith.select %lt3A_288, %broadcast_in_dim3A_285, %add3A_291 : vector<16xi1>, vector<16xi32>
          %gather3A = tpu.vector_load_idx %arg8[%select_n3A_292] : memref<144xi32, #tpu.memory_space<vmem>>[vector<16xi32>], vector<16xi32>,
          %max3A = arith.constant 0 : i32
          %max3A_293 = vector.broadcast %max3A : i32 to vector<16xi32>
          %max3A_294 = arith.maxsi %gather3A, %max3A_293 : vector<16xi32>
          %min3A_295 = arith.constant 127 : i32
          %min3A_296 = vector.broadcast %min3A_295 : i32 to vector<16xi32>
          %min3A_297 = arith.minsi %max3A_294, %min3A_296 : vector<16xi32>
          %add3A_298 = arith.addi %min3A_297, %mul3A_5 : vector<16xi32>
          %gather3A_299 = tpu.vector_load_idx %arg6[%broadcast_in_dim3A_96, %broadcast_in_dim3A_95, %add3A_298] : memref<2x32x1024xf32, #tpu.memory_space<vmem>>[vector<16xi32>, vector<16xi32>, vector<16xi32>], vector<16xf32>,
          %le3A_300 = arith.cmpf ole, %gather3A_299, %broadcast_in_dim3A_137 : vector<16xf32>
          %lt3A_301 = arith.cmpi slt, %select_n3A_292, %broadcast_in_dim3A_217 : vector<16xi32>
          %and3A_302 = arith.andi %le3A_300, %lt3A_301 : vector<16xi1>
          %swap3A_303 = arith.index_cast %while3A_282 : i32 to index
          %swap3A_304 = tpu.vector_load %arg9[%swap3A_303] masked %and3A_302 {strides = array<i32>} : memref<1040xi32, #tpu.memory_space<vmem>>, vector<16xi32>, vector<16xi1>
          tpu.vector_store %arg9[%swap3A_303], %add3A_298 masked %and3A_302 {strides = array<i32>} : memref<1040xi32, #tpu.memory_space<vmem>>, vector<16xi32>, vector<16xi1>
          %all_reduce_population_count3A_305 = tpu.all_reduce %and3A_302 {dim = 0 : i64, kind = #tpu.reduction_kind<sum>} : vector<16xi1> -> vector<16xi32>
          %slice3A_306 = vector.extract_strided_slice %all_reduce_population_count3A_305 {offsets = [0], sizes = [1], strides = [1]} : vector<16xi32> to vector<1xi32>
          %squeeze3A_307 = vector.extract %slice3A_306[0] : i32 from vector<1xi32>
          %add3A_308 = arith.addi %while3A_282, %squeeze3A_307 : i32
          scf.yield %add3A_308 : i32
        }
        %while3A_250 = arith.constant 1 : i32
        %while3A_251 = scf.for %while3A_281 = %while3A_247 to %while3A_243 step %while3A_250 iter_args(%while3A_282 = %while3A_249) -> (i32)  : i32 {
          %mul3A_283 = arith.constant 2 : i32
          %mul3A_284 = arith.muli %mul3A_283, %while3A_281 : i32
          %broadcast_in_dim3A_285 = vector.broadcast %mul3A_284 : i32 to vector<16xi32>
          %lt3A_286 = arith.constant 8 : i32
          %lt3A_287 = vector.broadcast %lt3A_286 : i32 to vector<16xi32>
          %lt3A_288 = arith.cmpi slt, %iota3A, %lt3A_287 : vector<16xi32>
          %add3A_289 = arith.constant 1 : i32
          %add3A_290 = vector.broadcast %add3A_289 : i32 to vector<16xi32>
          %add3A_291 = arith.addi %broadcast_in_dim3A_285, %add3A_290 : vector<16xi32>
          %select_n3A_292 = arith.select %lt3A_288, %broadcast_in_dim3A_285, %add3A_291 : vector<16xi1>, vector<16xi32>
          %gather3A = tpu.vector_load_idx %arg8[%select_n3A_292] : memref<144xi32, #tpu.memory_space<vmem>>[vector<16xi32>], vector<16xi32>,
          %max3A = arith.constant 0 : i32
          %max3A_293 = vector.broadcast %max3A : i32 to vector<16xi32>
          %max3A_294 = arith.maxsi %gather3A, %max3A_293 : vector<16xi32>
          %min3A_295 = arith.constant 127 : i32
          %min3A_296 = vector.broadcast %min3A_295 : i32 to vector<16xi32>
          %min3A_297 = arith.minsi %max3A_294, %min3A_296 : vector<16xi32>
          %add3A_298 = arith.addi %min3A_297, %mul3A_5 : vector<16xi32>
          %gather3A_299 = tpu.vector_load_idx %arg6[%broadcast_in_dim3A_96, %broadcast_in_dim3A_95, %add3A_298] : memref<2x32x1024xf32, #tpu.memory_space<vmem>>[vector<16xi32>, vector<16xi32>, vector<16xi32>], vector<16xf32>,
          %le3A_300 = arith.cmpf ole, %gather3A_299, %broadcast_in_dim3A_137 : vector<16xf32>
          %lt3A_301 = arith.cmpi slt, %select_n3A_292, %broadcast_in_dim3A_217 : vector<16xi32>
          %and3A_302 = arith.andi %le3A_300, %lt3A_301 : vector<16xi1>
          %swap3A_303 = arith.index_cast %while3A_282 : i32 to index
          %swap3A_304 = tpu.vector_load %arg9[%swap3A_303] masked %and3A_302 {strides = array<i32>} : memref<1040xi32, #tpu.memory_space<vmem>>, vector<16xi32>, vector<16xi1>
          tpu.vector_store %arg9[%swap3A_303], %add3A_298 masked %and3A_302 {strides = array<i32>} : memref<1040xi32, #tpu.memory_space<vmem>>, vector<16xi32>, vector<16xi1>
          %all_reduce_population_count3A_305 = tpu.all_reduce %and3A_302 {dim = 0 : i64, kind = #tpu.reduction_kind<sum>} : vector<16xi1> -> vector<16xi32>
          %slice3A_306 = vector.extract_strided_slice %all_reduce_population_count3A_305 {offsets = [0], sizes = [1], strides = [1]} : vector<16xi32> to vector<1xi32>
          %squeeze3A_307 = vector.extract %slice3A_306[0] : i32 from vector<1xi32>
          %add3A_308 = arith.addi %while3A_282, %squeeze3A_307 : i32
          scf.yield %add3A_308 : i32
        }
        %le3A_252 = arith.constant 16 : i32
        %le3A_253 = arith.cmpi sle, %while3A_251, %le3A_252 : i32
        %convert_element_type3A_254 = arith.extui %le3A_253 : i1 to i32
        %cond3A_255 = arith.constant 0 : i32
        %cond3A_256 = arith.constant 0 : i32
        %cond3A_257 = arith.cmpi ne, %convert_element_type3A_254, %cond3A_256 : i32
        %cond3A_258:2 = scf.if %cond3A_257 -> (vector<16xf32>, vector<16xi32>) {
          %get3A_281 = arith.constant 0 : index
          %get3A_282 = tpu.vector_load %arg9[%get3A_281] {strides = array<i32>} : memref<1040xi32, #tpu.memory_space<vmem>>, vector<16xi32>,
          %lt3A_283 = vector.broadcast %while3A_251 : i32 to vector<16xi32>
          %lt3A_284 = arith.cmpi slt, %iota3A, %lt3A_283 : vector<16xi32>
          %jit3A_285 = arith.constant 0 : i32
          %broadcast_in_dim3A_286 = vector.broadcast %jit3A_285 : i32 to vector<16xi32>
          %select_n3A_287 = arith.select %lt3A_284, %get3A_282, %broadcast_in_dim3A_286 : vector<16xi1>, vector<16xi32>
          %gather3A = tpu.vector_load_idx %arg6[%broadcast_in_dim3A_96, %broadcast_in_dim3A_95, %select_n3A_287] : memref<2x32x1024xf32, #tpu.memory_space<vmem>>[vector<16xi32>, vector<16xi32>, vector<16xi32>], vector<16xf32>,
          %lt3A_288 = vector.broadcast %while3A_251 : i32 to vector<16xi32>
          %lt3A_289 = arith.cmpi slt, %iota3A, %lt3A_288 : vector<16xi32>
          %jit3A_290 = arith.constant 0x7F800000 : f32
          %broadcast_in_dim3A_291 = vector.broadcast %jit3A_290 : f32 to vector<16xf32>
          %select_n3A_292 = arith.select %lt3A_289, %gather3A, %broadcast_in_dim3A_291 : vector<16xi1>, vector<16xf32>
          %lt3A_293 = vector.broadcast %while3A_251 : i32 to vector<16xi32>
          %lt3A_294 = arith.cmpi slt, %iota3A, %lt3A_293 : vector<16xi32>
          %jit3A_295 = arith.constant 2048 : i32
          %broadcast_in_dim3A_296 = vector.broadcast %jit3A_295 : i32 to vector<16xi32>
          %select_n3A_297 = arith.select %lt3A_294, %get3A_282, %broadcast_in_dim3A_296 : vector<16xi1>, vector<16xi32>
          %masked_sort3A_298 = arith.constant dense<true> : vector<16xi1>
          %masked_sort3A_299, %masked_sort3A_300, %masked_sort3A_301 = tpu.sort %select_n3A_292, %select_n3A_297 masked %masked_sort3A_298 : (vector<16xf32>, vector<16xi32>, vector<16xi1>) -> (vector<16xi1>, vector<16xf32>, vector<16xi32>)
          %add3A_302 = arith.constant 1 : i32
          %add3A_303 = vector.broadcast %add3A_302 : i32 to vector<16xi32>
          %add3A_304 = arith.addi %iota3A, %add3A_303 : vector<16xi32>
          %min3A_305 = arith.constant 15 : i32
          %min3A_306 = vector.broadcast %min3A_305 : i32 to vector<16xi32>
          %min3A_307 = arith.minsi %add3A_304, %min3A_306 : vector<16xi32>
          %lt3A_308 = arith.constant 0 : i32
          %lt3A_309 = vector.broadcast %lt3A_308 : i32 to vector<16xi32>
          %lt3A_310 = arith.cmpi slt, %min3A_307, %lt3A_309 : vector<16xi32>
          %add3A_311 = arith.constant 16 : i32
          %add3A_312 = vector.broadcast %add3A_311 : i32 to vector<16xi32>
          %add3A_313 = arith.addi %min3A_307, %add3A_312 : vector<16xi32>
          %select_n3A_314 = arith.select %lt3A_310, %add3A_313, %min3A_307 : vector<16xi1>, vector<16xi32>
          %broadcast_in_dim3A_315 = vector.shape_cast %select_n3A_314 : vector<16xi32> to vector<16x1xi32>
          %gather3A_316 = vector.shape_cast %broadcast_in_dim3A_315 : vector<16x1xi32> to vector<16xi32>
          %gather3A_317 = tpu.dynamic_gather %masked_sort3A_300[%gather3A_316] in [0] : vector<16xf32>, vector<16xi32> -> vector<16xf32>
          %eq3A_318 = arith.cmpf oeq, %masked_sort3A_300, %gather3A_317 : vector<16xf32>
          %lt3A_319 = arith.constant 8 : i32
          %lt3A_320 = vector.broadcast %lt3A_319 : i32 to vector<16xi32>
          %lt3A_321 = arith.cmpi slt, %iota3A, %lt3A_320 : vector<16xi32>
          %and3A_322 = arith.andi %eq3A_318, %lt3A_321 : vector<16xi1>
          %all_reduce_population_count3A_323 = tpu.all_reduce %and3A_322 {dim = 0 : i64, kind = #tpu.reduction_kind<sum>} : vector<16xi1> -> vector<16xi32>
          %slice3A_324 = vector.extract_strided_slice %all_reduce_population_count3A_323 {offsets = [0], sizes = [1], strides = [1]} : vector<16xi32> to vector<1xi32>
          %squeeze3A_325 = vector.extract %slice3A_324[0] : i32 from vector<1xi32>
          %eq3A_326 = arith.constant 0 : i32
          %eq3A_327 = arith.cmpi eq, %squeeze3A_325, %eq3A_326 : i32
          %convert_element_type3A_328 = arith.extui %eq3A_327 : i1 to i32
          %cond3A_329 = arith.constant 0 : i32
          %cond3A_330 = arith.constant 0 : i32
          %cond3A_331 = arith.cmpi ne, %convert_element_type3A_328, %cond3A_330 : i32
          %cond3A_332:2 = scf.if %cond3A_331 -> (vector<16xf32>, vector<16xi32>) {
            scf.yield %masked_sort3A_300, %masked_sort3A_301 : vector<16xf32>, vector<16xi32>
          } else {
            %masked_sort3A_333 = arith.constant dense<true> : vector<16xi1>
            %masked_sort3A_334 = arith.constant -2147483648 : i32
            %masked_sort3A_335 = vector.broadcast %masked_sort3A_334 : i32 to vector<16xi32>
            %masked_sort3A_336 = arith.xori %select_n3A_297, %masked_sort3A_335 : vector<16xi32>
            %masked_sort3A_337, %masked_sort3A_338, %masked_sort3A_339 = tpu.sort %masked_sort3A_336, %iota3A masked %masked_sort3A_333 : (vector<16xi32>, vector<16xi32>, vector<16xi1>) -> (vector<16xi1>, vector<16xi32>, vector<16xi32>)
            %masked_sort3A_340 = arith.xori %masked_sort3A_338, %masked_sort3A_335 : vector<16xi32>
            %min3A_341 = arith.constant 1023 : i32
            %min3A_342 = vector.broadcast %min3A_341 : i32 to vector<16xi32>
            %min3A_343 = arith.minsi %masked_sort3A_340, %min3A_342 : vector<16xi32>
            %gather3A_344 = tpu.vector_load_idx %arg6[%broadcast_in_dim3A_96, %broadcast_in_dim3A_95, %min3A_343] : memref<2x32x1024xf32, #tpu.memory_space<vmem>>[vector<16xi32>, vector<16xi32>, vector<16xi32>], vector<16xf32>,
            %lt3A_345 = arith.constant 2048 : i32
            %lt3A_346 = vector.broadcast %lt3A_345 : i32 to vector<16xi32>
            %lt3A_347 = arith.cmpi slt, %masked_sort3A_340, %lt3A_346 : vector<16xi32>
            %jit3A_348 = arith.constant 0x7F800000 : f32
            %broadcast_in_dim3A_349 = vector.broadcast %jit3A_348 : f32 to vector<16xf32>
            %select_n3A_350 = arith.select %lt3A_347, %gather3A_344, %broadcast_in_dim3A_349 : vector<16xi1>, vector<16xf32>
            %masked_sort3A_351 = arith.constant dense<true> : vector<16xi1>
            %masked_sort3A_352, %masked_sort3A_353, %masked_sort3A_354 = tpu.sort %select_n3A_350, %iota3A masked %masked_sort3A_351 : (vector<16xf32>, vector<16xi32>, vector<16xi1>) -> (vector<16xi1>, vector<16xf32>, vector<16xi32>)
            %ge3A = arith.constant 2048 : i32
            %ge3A_355 = vector.broadcast %ge3A : i32 to vector<16xi32>
            %ge3A_356 = arith.cmpi sge, %masked_sort3A_340, %ge3A_355 : vector<16xi32>
            %broadcast_in_dim3A_357 = arith.constant 0 : i32
            %broadcast_in_dim3A_358 = vector.broadcast %broadcast_in_dim3A_357 : i32 to vector<16xi32>
            %slice3A_359 = vector.extract_strided_slice %masked_sort3A_353 {offsets = [0], sizes = [1], strides = [1]} : vector<16xf32> to vector<1xf32>
            %squeeze3A_360 = vector.extract %slice3A_359[0] : f32 from vector<1xf32>
            %broadcast_in_dim3A_361 = vector.broadcast %squeeze3A_360 : f32 to vector<16xf32>
            %eq3A_362 = arith.cmpf oeq, %select_n3A_350, %broadcast_in_dim3A_361 : vector<16xf32>
            %not3A = arith.constant dense<true> : vector<16xi1>
            %not3A_363 = arith.xori %ge3A_356, %not3A : vector<16xi1>
            %and3A_364 = arith.andi %eq3A_362, %not3A_363 : vector<16xi1>
            %all_reduce_ffs3A = tpu.all_reduce %and3A_364 {dim = 0 : i64, kind = #tpu.reduction_kind<find_first_set>} : vector<16xi1> -> vector<16xi32>
            %eq3A_365 = arith.cmpi eq, %iota3A, %all_reduce_ffs3A : vector<16xi32>
            %or3A = arith.ori %ge3A_356, %eq3A_365 : vector<16xi1>
            %lt3A_366 = arith.constant 0 : i32
            %lt3A_367 = vector.broadcast %lt3A_366 : i32 to vector<16xi32>
            %lt3A_368 = arith.cmpi slt, %all_reduce_ffs3A, %lt3A_367 : vector<16xi32>
            %add3A_369 = arith.constant 16 : i32
            %add3A_370 = vector.broadcast %add3A_369 : i32 to vector<16xi32>
            %add3A_371 = arith.addi %all_reduce_ffs3A, %add3A_370 : vector<16xi32>
            %select_n3A_372 = arith.select %lt3A_368, %add3A_371, %all_reduce_ffs3A : vector<16xi1>, vector<16xi32>
            %broadcast_in_dim3A_373 = vector.shape_cast %select_n3A_372 : vector<16xi32> to vector<16x1xi32>
            %gather3A_374 = vector.shape_cast %broadcast_in_dim3A_373 : vector<16x1xi32> to vector<16xi32>
            %gather3A_375 = tpu.dynamic_gather %masked_sort3A_340[%gather3A_374] in [0] : vector<16xi32>, vector<16xi32> -> vector<16xi32>
            %eq3A_376 = arith.constant 0 : i32
            %eq3A_377 = vector.broadcast %eq3A_376 : i32 to vector<16xi32>
            %eq3A_378 = arith.cmpi eq, %iota3A, %eq3A_377 : vector<16xi32>
            %select_n3A_379 = arith.select %eq3A_378, %gather3A_375, %broadcast_in_dim3A_358 : vector<16xi1>, vector<16xi32>
            %slice3A_380 = vector.extract_strided_slice %masked_sort3A_353 {offsets = [1], sizes = [1], strides = [1]} : vector<16xf32> to vector<1xf32>
            %squeeze3A_381 = vector.extract %slice3A_380[0] : f32 from vector<1xf32>
            %broadcast_in_dim3A_382 = vector.broadcast %squeeze3A_381 : f32 to vector<16xf32>
            %eq3A_383 = arith.cmpf oeq, %select_n3A_350, %broadcast_in_dim3A_382 : vector<16xf32>
            %not3A_384 = arith.constant dense<true> : vector<16xi1>
            %not3A_385 = arith.xori %or3A, %not3A_384 : vector<16xi1>
            %and3A_386 = arith.andi %eq3A_383, %not3A_385 : vector<16xi1>
            %all_reduce_ffs3A_387 = tpu.all_reduce %and3A_386 {dim = 0 : i64, kind = #tpu.reduction_kind<find_first_set>} : vector<16xi1> -> vector<16xi32>
            %eq3A_388 = arith.cmpi eq, %iota3A, %all_reduce_ffs3A_387 : vector<16xi32>
            %or3A_389 = arith.ori %or3A, %eq3A_388 : vector<16xi1>
            %lt3A_390 = arith.constant 0 : i32
            %lt3A_391 = vector.broadcast %lt3A_390 : i32 to vector<16xi32>
            %lt3A_392 = arith.cmpi slt, %all_reduce_ffs3A_387, %lt3A_391 : vector<16xi32>
            %add3A_393 = arith.constant 16 : i32
            %add3A_394 = vector.broadcast %add3A_393 : i32 to vector<16xi32>
            %add3A_395 = arith.addi %all_reduce_ffs3A_387, %add3A_394 : vector<16xi32>
            %select_n3A_396 = arith.select %lt3A_392, %add3A_395, %all_reduce_ffs3A_387 : vector<16xi1>, vector<16xi32>
            %broadcast_in_dim3A_397 = vector.shape_cast %select_n3A_396 : vector<16xi32> to vector<16x1xi32>
            %gather3A_398 = vector.shape_cast %broadcast_in_dim3A_397 : vector<16x1xi32> to vector<16xi32>
            %gather3A_399 = tpu.dynamic_gather %masked_sort3A_340[%gather3A_398] in [0] : vector<16xi32>, vector<16xi32> -> vector<16xi32>
            %eq3A_400 = arith.constant 1 : i32
            %eq3A_401 = vector.broadcast %eq3A_400 : i32 to vector<16xi32>
            %eq3A_402 = arith.cmpi eq, %iota3A, %eq3A_401 : vector<16xi32>
            %select_n3A_403 = arith.select %eq3A_402, %gather3A_399, %select_n3A_379 : vector<16xi1>, vector<16xi32>
            %slice3A_404 = vector.extract_strided_slice %masked_sort3A_353 {offsets = [2], sizes = [1], strides = [1]} : vector<16xf32> to vector<1xf32>
            %squeeze3A_405 = vector.extract %slice3A_404[0] : f32 from vector<1xf32>
            %broadcast_in_dim3A_406 = vector.broadcast %squeeze3A_405 : f32 to vector<16xf32>
            %eq3A_407 = arith.cmpf oeq, %select_n3A_350, %broadcast_in_dim3A_406 : vector<16xf32>
            %not3A_408 = arith.constant dense<true> : vector<16xi1>
            %not3A_409 = arith.xori %or3A_389, %not3A_408 : vector<16xi1>
            %and3A_410 = arith.andi %eq3A_407, %not3A_409 : vector<16xi1>
            %all_reduce_ffs3A_411 = tpu.all_reduce %and3A_410 {dim = 0 : i64, kind = #tpu.reduction_kind<find_first_set>} : vector<16xi1> -> vector<16xi32>
            %eq3A_412 = arith.cmpi eq, %iota3A, %all_reduce_ffs3A_411 : vector<16xi32>
            %or3A_413 = arith.ori %or3A_389, %eq3A_412 : vector<16xi1>
            %lt3A_414 = arith.constant 0 : i32
            %lt3A_415 = vector.broadcast %lt3A_414 : i32 to vector<16xi32>
            %lt3A_416 = arith.cmpi slt, %all_reduce_ffs3A_411, %lt3A_415 : vector<16xi32>
            %add3A_417 = arith.constant 16 : i32
            %add3A_418 = vector.broadcast %add3A_417 : i32 to vector<16xi32>
            %add3A_419 = arith.addi %all_reduce_ffs3A_411, %add3A_418 : vector<16xi32>
            %select_n3A_420 = arith.select %lt3A_416, %add3A_419, %all_reduce_ffs3A_411 : vector<16xi1>, vector<16xi32>
            %broadcast_in_dim3A_421 = vector.shape_cast %select_n3A_420 : vector<16xi32> to vector<16x1xi32>
            %gather3A_422 = vector.shape_cast %broadcast_in_dim3A_421 : vector<16x1xi32> to vector<16xi32>
            %gather3A_423 = tpu.dynamic_gather %masked_sort3A_340[%gather3A_422] in [0] : vector<16xi32>, vector<16xi32> -> vector<16xi32>
            %eq3A_424 = arith.constant 2 : i32
            %eq3A_425 = vector.broadcast %eq3A_424 : i32 to vector<16xi32>
            %eq3A_426 = arith.cmpi eq, %iota3A, %eq3A_425 : vector<16xi32>
            %select_n3A_427 = arith.select %eq3A_426, %gather3A_423, %select_n3A_403 : vector<16xi1>, vector<16xi32>
            %slice3A_428 = vector.extract_strided_slice %masked_sort3A_353 {offsets = [3], sizes = [1], strides = [1]} : vector<16xf32> to vector<1xf32>
            %squeeze3A_429 = vector.extract %slice3A_428[0] : f32 from vector<1xf32>
            %broadcast_in_dim3A_430 = vector.broadcast %squeeze3A_429 : f32 to vector<16xf32>
            %eq3A_431 = arith.cmpf oeq, %select_n3A_350, %broadcast_in_dim3A_430 : vector<16xf32>
            %not3A_432 = arith.constant dense<true> : vector<16xi1>
            %not3A_433 = arith.xori %or3A_413, %not3A_432 : vector<16xi1>
            %and3A_434 = arith.andi %eq3A_431, %not3A_433 : vector<16xi1>
            %all_reduce_ffs3A_435 = tpu.all_reduce %and3A_434 {dim = 0 : i64, kind = #tpu.reduction_kind<find_first_set>} : vector<16xi1> -> vector<16xi32>
            %eq3A_436 = arith.cmpi eq, %iota3A, %all_reduce_ffs3A_435 : vector<16xi32>
            %or3A_437 = arith.ori %or3A_413, %eq3A_436 : vector<16xi1>
            %lt3A_438 = arith.constant 0 : i32
            %lt3A_439 = vector.broadcast %lt3A_438 : i32 to vector<16xi32>
            %lt3A_440 = arith.cmpi slt, %all_reduce_ffs3A_435, %lt3A_439 : vector<16xi32>
            %add3A_441 = arith.constant 16 : i32
            %add3A_442 = vector.broadcast %add3A_441 : i32 to vector<16xi32>
            %add3A_443 = arith.addi %all_reduce_ffs3A_435, %add3A_442 : vector<16xi32>
            %select_n3A_444 = arith.select %lt3A_440, %add3A_443, %all_reduce_ffs3A_435 : vector<16xi1>, vector<16xi32>
            %broadcast_in_dim3A_445 = vector.shape_cast %select_n3A_444 : vector<16xi32> to vector<16x1xi32>
            %gather3A_446 = vector.shape_cast %broadcast_in_dim3A_445 : vector<16x1xi32> to vector<16xi32>
            %gather3A_447 = tpu.dynamic_gather %masked_sort3A_340[%gather3A_446] in [0] : vector<16xi32>, vector<16xi32> -> vector<16xi32>
            %eq3A_448 = arith.constant 3 : i32
            %eq3A_449 = vector.broadcast %eq3A_448 : i32 to vector<16xi32>
            %eq3A_450 = arith.cmpi eq, %iota3A, %eq3A_449 : vector<16xi32>
            %select_n3A_451 = arith.select %eq3A_450, %gather3A_447, %select_n3A_427 : vector<16xi1>, vector<16xi32>
            %slice3A_452 = vector.extract_strided_slice %masked_sort3A_353 {offsets = [4], sizes = [1], strides = [1]} : vector<16xf32> to vector<1xf32>
            %squeeze3A_453 = vector.extract %slice3A_452[0] : f32 from vector<1xf32>
            %broadcast_in_dim3A_454 = vector.broadcast %squeeze3A_453 : f32 to vector<16xf32>
            %eq3A_455 = arith.cmpf oeq, %select_n3A_350, %broadcast_in_dim3A_454 : vector<16xf32>
            %not3A_456 = arith.constant dense<true> : vector<16xi1>
            %not3A_457 = arith.xori %or3A_437, %not3A_456 : vector<16xi1>
            %and3A_458 = arith.andi %eq3A_455, %not3A_457 : vector<16xi1>
            %all_reduce_ffs3A_459 = tpu.all_reduce %and3A_458 {dim = 0 : i64, kind = #tpu.reduction_kind<find_first_set>} : vector<16xi1> -> vector<16xi32>
            %eq3A_460 = arith.cmpi eq, %iota3A, %all_reduce_ffs3A_459 : vector<16xi32>
            %or3A_461 = arith.ori %or3A_437, %eq3A_460 : vector<16xi1>
            %lt3A_462 = arith.constant 0 : i32
            %lt3A_463 = vector.broadcast %lt3A_462 : i32 to vector<16xi32>
            %lt3A_464 = arith.cmpi slt, %all_reduce_ffs3A_459, %lt3A_463 : vector<16xi32>
            %add3A_465 = arith.constant 16 : i32
            %add3A_466 = vector.broadcast %add3A_465 : i32 to vector<16xi32>
            %add3A_467 = arith.addi %all_reduce_ffs3A_459, %add3A_466 : vector<16xi32>
            %select_n3A_468 = arith.select %lt3A_464, %add3A_467, %all_reduce_ffs3A_459 : vector<16xi1>, vector<16xi32>
            %broadcast_in_dim3A_469 = vector.shape_cast %select_n3A_468 : vector<16xi32> to vector<16x1xi32>
            %gather3A_470 = vector.shape_cast %broadcast_in_dim3A_469 : vector<16x1xi32> to vector<16xi32>
            %gather3A_471 = tpu.dynamic_gather %masked_sort3A_340[%gather3A_470] in [0] : vector<16xi32>, vector<16xi32> -> vector<16xi32>
            %eq3A_472 = arith.constant 4 : i32
            %eq3A_473 = vector.broadcast %eq3A_472 : i32 to vector<16xi32>
            %eq3A_474 = arith.cmpi eq, %iota3A, %eq3A_473 : vector<16xi32>
            %select_n3A_475 = arith.select %eq3A_474, %gather3A_471, %select_n3A_451 : vector<16xi1>, vector<16xi32>
            %slice3A_476 = vector.extract_strided_slice %masked_sort3A_353 {offsets = [5], sizes = [1], strides = [1]} : vector<16xf32> to vector<1xf32>
            %squeeze3A_477 = vector.extract %slice3A_476[0] : f32 from vector<1xf32>
            %broadcast_in_dim3A_478 = vector.broadcast %squeeze3A_477 : f32 to vector<16xf32>
            %eq3A_479 = arith.cmpf oeq, %select_n3A_350, %broadcast_in_dim3A_478 : vector<16xf32>
            %not3A_480 = arith.constant dense<true> : vector<16xi1>
            %not3A_481 = arith.xori %or3A_461, %not3A_480 : vector<16xi1>
            %and3A_482 = arith.andi %eq3A_479, %not3A_481 : vector<16xi1>
            %all_reduce_ffs3A_483 = tpu.all_reduce %and3A_482 {dim = 0 : i64, kind = #tpu.reduction_kind<find_first_set>} : vector<16xi1> -> vector<16xi32>
            %eq3A_484 = arith.cmpi eq, %iota3A, %all_reduce_ffs3A_483 : vector<16xi32>
            %or3A_485 = arith.ori %or3A_461, %eq3A_484 : vector<16xi1>
            %lt3A_486 = arith.constant 0 : i32
            %lt3A_487 = vector.broadcast %lt3A_486 : i32 to vector<16xi32>
            %lt3A_488 = arith.cmpi slt, %all_reduce_ffs3A_483, %lt3A_487 : vector<16xi32>
            %add3A_489 = arith.constant 16 : i32
            %add3A_490 = vector.broadcast %add3A_489 : i32 to vector<16xi32>
            %add3A_491 = arith.addi %all_reduce_ffs3A_483, %add3A_490 : vector<16xi32>
            %select_n3A_492 = arith.select %lt3A_488, %add3A_491, %all_reduce_ffs3A_483 : vector<16xi1>, vector<16xi32>
            %broadcast_in_dim3A_493 = vector.shape_cast %select_n3A_492 : vector<16xi32> to vector<16x1xi32>
            %gather3A_494 = vector.shape_cast %broadcast_in_dim3A_493 : vector<16x1xi32> to vector<16xi32>
            %gather3A_495 = tpu.dynamic_gather %masked_sort3A_340[%gather3A_494] in [0] : vector<16xi32>, vector<16xi32> -> vector<16xi32>
            %eq3A_496 = arith.constant 5 : i32
            %eq3A_497 = vector.broadcast %eq3A_496 : i32 to vector<16xi32>
            %eq3A_498 = arith.cmpi eq, %iota3A, %eq3A_497 : vector<16xi32>
            %select_n3A_499 = arith.select %eq3A_498, %gather3A_495, %select_n3A_475 : vector<16xi1>, vector<16xi32>
            %slice3A_500 = vector.extract_strided_slice %masked_sort3A_353 {offsets = [6], sizes = [1], strides = [1]} : vector<16xf32> to vector<1xf32>
            %squeeze3A_501 = vector.extract %slice3A_500[0] : f32 from vector<1xf32>
            %broadcast_in_dim3A_502 = vector.broadcast %squeeze3A_501 : f32 to vector<16xf32>
            %eq3A_503 = arith.cmpf oeq, %select_n3A_350, %broadcast_in_dim3A_502 : vector<16xf32>
            %not3A_504 = arith.constant dense<true> : vector<16xi1>
            %not3A_505 = arith.xori %or3A_485, %not3A_504 : vector<16xi1>
            %and3A_506 = arith.andi %eq3A_503, %not3A_505 : vector<16xi1>
            %all_reduce_ffs3A_507 = tpu.all_reduce %and3A_506 {dim = 0 : i64, kind = #tpu.reduction_kind<find_first_set>} : vector<16xi1> -> vector<16xi32>
            %eq3A_508 = arith.cmpi eq, %iota3A, %all_reduce_ffs3A_507 : vector<16xi32>
            %or3A_509 = arith.ori %or3A_485, %eq3A_508 : vector<16xi1>
            %lt3A_510 = arith.constant 0 : i32
            %lt3A_511 = vector.broadcast %lt3A_510 : i32 to vector<16xi32>
            %lt3A_512 = arith.cmpi slt, %all_reduce_ffs3A_507, %lt3A_511 : vector<16xi32>
            %add3A_513 = arith.constant 16 : i32
            %add3A_514 = vector.broadcast %add3A_513 : i32 to vector<16xi32>
            %add3A_515 = arith.addi %all_reduce_ffs3A_507, %add3A_514 : vector<16xi32>
            %select_n3A_516 = arith.select %lt3A_512, %add3A_515, %all_reduce_ffs3A_507 : vector<16xi1>, vector<16xi32>
            %broadcast_in_dim3A_517 = vector.shape_cast %select_n3A_516 : vector<16xi32> to vector<16x1xi32>
            %gather3A_518 = vector.shape_cast %broadcast_in_dim3A_517 : vector<16x1xi32> to vector<16xi32>
            %gather3A_519 = tpu.dynamic_gather %masked_sort3A_340[%gather3A_518] in [0] : vector<16xi32>, vector<16xi32> -> vector<16xi32>
            %eq3A_520 = arith.constant 6 : i32
            %eq3A_521 = vector.broadcast %eq3A_520 : i32 to vector<16xi32>
            %eq3A_522 = arith.cmpi eq, %iota3A, %eq3A_521 : vector<16xi32>
            %select_n3A_523 = arith.select %eq3A_522, %gather3A_519, %select_n3A_499 : vector<16xi1>, vector<16xi32>
            %slice3A_524 = vector.extract_strided_slice %masked_sort3A_353 {offsets = [7], sizes = [1], strides = [1]} : vector<16xf32> to vector<1xf32>
            %squeeze3A_525 = vector.extract %slice3A_524[0] : f32 from vector<1xf32>
            %broadcast_in_dim3A_526 = vector.broadcast %squeeze3A_525 : f32 to vector<16xf32>
            %eq3A_527 = arith.cmpf oeq, %select_n3A_350, %broadcast_in_dim3A_526 : vector<16xf32>
            %not3A_528 = arith.constant dense<true> : vector<16xi1>
            %not3A_529 = arith.xori %or3A_509, %not3A_528 : vector<16xi1>
            %and3A_530 = arith.andi %eq3A_527, %not3A_529 : vector<16xi1>
            %all_reduce_ffs3A_531 = tpu.all_reduce %and3A_530 {dim = 0 : i64, kind = #tpu.reduction_kind<find_first_set>} : vector<16xi1> -> vector<16xi32>
            %eq3A_532 = arith.cmpi eq, %iota3A, %all_reduce_ffs3A_531 : vector<16xi32>
            %or3A_533 = arith.ori %or3A_509, %eq3A_532 : vector<16xi1>
            %lt3A_534 = arith.constant 0 : i32
            %lt3A_535 = vector.broadcast %lt3A_534 : i32 to vector<16xi32>
            %lt3A_536 = arith.cmpi slt, %all_reduce_ffs3A_531, %lt3A_535 : vector<16xi32>
            %add3A_537 = arith.constant 16 : i32
            %add3A_538 = vector.broadcast %add3A_537 : i32 to vector<16xi32>
            %add3A_539 = arith.addi %all_reduce_ffs3A_531, %add3A_538 : vector<16xi32>
            %select_n3A_540 = arith.select %lt3A_536, %add3A_539, %all_reduce_ffs3A_531 : vector<16xi1>, vector<16xi32>
            %broadcast_in_dim3A_541 = vector.shape_cast %select_n3A_540 : vector<16xi32> to vector<16x1xi32>
            %gather3A_542 = vector.shape_cast %broadcast_in_dim3A_541 : vector<16x1xi32> to vector<16xi32>
            %gather3A_543 = tpu.dynamic_gather %masked_sort3A_340[%gather3A_542] in [0] : vector<16xi32>, vector<16xi32> -> vector<16xi32>
            %eq3A_544 = arith.constant 7 : i32
            %eq3A_545 = vector.broadcast %eq3A_544 : i32 to vector<16xi32>
            %eq3A_546 = arith.cmpi eq, %iota3A, %eq3A_545 : vector<16xi32>
            %select_n3A_547 = arith.select %eq3A_546, %gather3A_543, %select_n3A_523 : vector<16xi1>, vector<16xi32>
            scf.yield %masked_sort3A_353, %select_n3A_547 : vector<16xf32>, vector<16xi32>
          }
          scf.yield %cond3A_332#0, %cond3A_332#1 : vector<16xf32>, vector<16xi32>
        } else {
          %add3A_281 = vector.broadcast %while3A_251 : i32 to vector<16xi32>
          %add3A_282 = arith.addi %iota3A, %add3A_281 : vector<16xi32>
          %broadcast_in_dim3A_283 = arith.constant 1023 : i32
          %broadcast_in_dim3A_284 = vector.broadcast %broadcast_in_dim3A_283 : i32 to vector<16xi32>
          tpu.vector_store_idx %arg9[%add3A_282], %broadcast_in_dim3A_284 : memref<1040xi32, #tpu.memory_space<vmem>>[vector<16xi32>], vector<16xi32>,
          %add3A_285 = arith.constant 15 : i32
          %add3A_286 = arith.addi %while3A_251, %add3A_285 : i32
          %jit3A_287 = arith.constant 16 : i32
          %div3A_288 = arith.divsi %add3A_286, %jit3A_287 : i32
          %sign3A_289 = arith.constant 0 : i32
          %sign3A_290 = arith.cmpi sgt, %add3A_286, %sign3A_289 : i32
          %sign3A_291 = arith.extui %sign3A_290 : i1 to i32
          %sign3A_292 = arith.constant 0 : i32
          %sign3A_293 = arith.cmpi slt, %add3A_286, %sign3A_292 : i32
          %sign3A_294 = arith.extui %sign3A_293 : i1 to i32
          %sign3A_295 = arith.subi %sign3A_291, %sign3A_294 : i32
          %sign3A_296 = arith.constant 0 : i32
          %sign3A_297 = arith.cmpi sgt, %jit3A_287, %sign3A_296 : i32
          %sign3A_298 = arith.extui %sign3A_297 : i1 to i32
          %sign3A_299 = arith.constant 0 : i32
          %sign3A_300 = arith.cmpi slt, %jit3A_287, %sign3A_299 : i32
          %sign3A_301 = arith.extui %sign3A_300 : i1 to i32
          %sign3A_302 = arith.subi %sign3A_298, %sign3A_301 : i32
          %ne3A_303 = arith.cmpi ne, %sign3A_295, %sign3A_302 : i32
          %rem3A_304 = arith.remsi %add3A_286, %jit3A_287 : i32
          %ne3A_305 = arith.constant 0 : i32
          %ne3A_306 = arith.cmpi ne, %rem3A_304, %ne3A_305 : i32
          %and3A_307 = arith.andi %ne3A_303, %ne3A_306 : i1
          %sub3A_308 = arith.constant 1 : i32
          %sub3A_309 = arith.subi %div3A_288, %sub3A_308 : i32
          %select_n3A_310 = arith.select %and3A_307, %sub3A_309, %div3A_288 : i32
          %while3A_311 = arith.constant 0 : i32
          %while3A_312 = arith.constant 0 : i32
          %while3A_313 = arith.subi %select_n3A_310, %while3A_311 : i32
          %while3A_314 = arith.addi %while3A_311, %while3A_313 : i32
          %while3A_315 = arith.constant 1 : i32
          %while3A_316 = arith.divsi %while3A_313, %while3A_315 : i32
          %while3A_317 = arith.muli %while3A_316, %while3A_315 : i32
          %while3A_318 = arith.addi %while3A_311, %while3A_317 : i32
          %while3A_319 = arith.constant 1 : i32
          %while3A_320 = scf.for %while3A_788 = %while3A_311 to %while3A_318 step %while3A_319 iter_args(%while3A_789 = %while3A_312) -> (i32)  : i32 {
            %mul3A_790 = arith.constant 16 : i32
            %mul3A_791 = arith.muli %while3A_788, %mul3A_790 : i32
            %get3A_792 = arith.index_cast %mul3A_791 : i32 to index
            %get3A_793 = tpu.vector_load %arg9[%get3A_792] {strides = array<i32>} : memref<1040xi32, #tpu.memory_space<vmem>>, vector<16xi32>,
            %gather3A = tpu.vector_load_idx %arg6[%broadcast_in_dim3A_96, %broadcast_in_dim3A_95, %get3A_793] : memref<2x32x1024xf32, #tpu.memory_space<vmem>>[vector<16xi32>, vector<16xi32>, vector<16xi32>], vector<16xf32>,
            %mul3A_794 = arith.constant 16 : i32
            %mul3A_795 = arith.muli %while3A_788, %mul3A_794 : i32
            %add3A_796 = vector.broadcast %mul3A_795 : i32 to vector<16xi32>
            %add3A_797 = arith.addi %iota3A, %add3A_796 : vector<16xi32>
            %lt3A_798 = vector.broadcast %while3A_251 : i32 to vector<16xi32>
            %lt3A_799 = arith.cmpi slt, %add3A_797, %lt3A_798 : vector<16xi32>
            %jit3A_800 = arith.constant 0.000000e+00 : f32
            %jit3A_801 = arith.constant 0x7F800000 : f32
            %broadcast_in_dim3A_802 = vector.broadcast %jit3A_800 : f32 to vector<16xf32>
            %broadcast_in_dim3A_803 = vector.broadcast %jit3A_801 : f32 to vector<16xf32>
            %select_n3A_804 = arith.select %lt3A_799, %broadcast_in_dim3A_802, %broadcast_in_dim3A_803 : vector<16xi1>, vector<16xf32>
            %add3A_805 = arith.addf %gather3A, %select_n3A_804 : vector<16xf32>
            %mul3A_806 = arith.constant 16 : i32
            %mul3A_807 = arith.muli %while3A_788, %mul3A_806 : i32
            %swap3A_808 = arith.index_cast %mul3A_807 : i32 to index
            %swap3A_809 = tpu.vector_load %arg10[%swap3A_808] {strides = array<i32>} : memref<1040xf32, #tpu.memory_space<vmem>>, vector<16xf32>,
            tpu.vector_store %arg10[%swap3A_808], %add3A_805 {strides = array<i32>} : memref<1040xf32, #tpu.memory_space<vmem>>, vector<16xf32>,
            %while3A_810 = arith.constant 0 : i32
            scf.yield %while3A_810 : i32
          }
          %while3A_321 = arith.constant 1 : i32
          %while3A_322 = scf.for %while3A_788 = %while3A_318 to %while3A_314 step %while3A_321 iter_args(%while3A_789 = %while3A_320) -> (i32)  : i32 {
            %mul3A_790 = arith.constant 16 : i32
            %mul3A_791 = arith.muli %while3A_788, %mul3A_790 : i32
            %get3A_792 = arith.index_cast %mul3A_791 : i32 to index
            %get3A_793 = tpu.vector_load %arg9[%get3A_792] {strides = array<i32>} : memref<1040xi32, #tpu.memory_space<vmem>>, vector<16xi32>,
            %gather3A = tpu.vector_load_idx %arg6[%broadcast_in_dim3A_96, %broadcast_in_dim3A_95, %get3A_793] : memref<2x32x1024xf32, #tpu.memory_space<vmem>>[vector<16xi32>, vector<16xi32>, vector<16xi32>], vector<16xf32>,
            %mul3A_794 = arith.constant 16 : i32
            %mul3A_795 = arith.muli %while3A_788, %mul3A_794 : i32
            %add3A_796 = vector.broadcast %mul3A_795 : i32 to vector<16xi32>
            %add3A_797 = arith.addi %iota3A, %add3A_796 : vector<16xi32>
            %lt3A_798 = vector.broadcast %while3A_251 : i32 to vector<16xi32>
            %lt3A_799 = arith.cmpi slt, %add3A_797, %lt3A_798 : vector<16xi32>
            %jit3A_800 = arith.constant 0.000000e+00 : f32
            %jit3A_801 = arith.constant 0x7F800000 : f32
            %broadcast_in_dim3A_802 = vector.broadcast %jit3A_800 : f32 to vector<16xf32>
            %broadcast_in_dim3A_803 = vector.broadcast %jit3A_801 : f32 to vector<16xf32>
            %select_n3A_804 = arith.select %lt3A_799, %broadcast_in_dim3A_802, %broadcast_in_dim3A_803 : vector<16xi1>, vector<16xf32>
            %add3A_805 = arith.addf %gather3A, %select_n3A_804 : vector<16xf32>
            %mul3A_806 = arith.constant 16 : i32
            %mul3A_807 = arith.muli %while3A_788, %mul3A_806 : i32
            %swap3A_808 = arith.index_cast %mul3A_807 : i32 to index
            %swap3A_809 = tpu.vector_load %arg10[%swap3A_808] {strides = array<i32>} : memref<1040xf32, #tpu.memory_space<vmem>>, vector<16xf32>,
            tpu.vector_store %arg10[%swap3A_808], %add3A_805 {strides = array<i32>} : memref<1040xf32, #tpu.memory_space<vmem>>, vector<16xf32>,
            %while3A_810 = arith.constant 0 : i32
            scf.yield %while3A_810 : i32
          }
          %broadcast_in_dim3A_323 = arith.constant 0 : i32
          %broadcast_in_dim3A_324 = vector.broadcast %broadcast_in_dim3A_323 : i32 to vector<16xi32>
          %while3A_325 = arith.constant 0 : i32
          %while3A_326 = arith.subi %select_n3A_310, %while3A_325 : i32
          %while3A_327 = arith.addi %while3A_325, %while3A_326 : i32
          %while3A_328 = arith.constant 1 : i32
          %while3A_329 = arith.divsi %while3A_326, %while3A_328 : i32
          %while3A_330 = arith.muli %while3A_329, %while3A_328 : i32
          %while3A_331 = arith.addi %while3A_325, %while3A_330 : i32
          %while3A_332 = arith.constant 1 : i32
          %while3A_333 = scf.for %while3A_788 = %while3A_325 to %while3A_331 step %while3A_332 iter_args(%while3A_789 = %broadcast_in_dim3A_6) -> (vector<16xf32>)  : i32 {
            %mul3A_790 = arith.constant 16 : i32
            %mul3A_791 = arith.muli %while3A_788, %mul3A_790 : i32
            %get3A_792 = arith.index_cast %mul3A_791 : i32 to index
            %get3A_793 = tpu.vector_load %arg10[%get3A_792] {strides = array<i32>} : memref<1040xf32, #tpu.memory_space<vmem>>, vector<16xf32>,
            %min3A_794 = arith.minimumf %while3A_789, %get3A_793 : vector<16xf32>
            scf.yield %min3A_794 : vector<16xf32>
          }
          %while3A_334 = arith.constant 1 : i32
          %while3A_335 = scf.for %while3A_788 = %while3A_331 to %while3A_327 step %while3A_334 iter_args(%while3A_789 = %while3A_333) -> (vector<16xf32>)  : i32 {
            %mul3A_790 = arith.constant 16 : i32
            %mul3A_791 = arith.muli %while3A_788, %mul3A_790 : i32
            %get3A_792 = arith.index_cast %mul3A_791 : i32 to index
            %get3A_793 = tpu.vector_load %arg10[%get3A_792] {strides = array<i32>} : memref<1040xf32, #tpu.memory_space<vmem>>, vector<16xf32>,
            %min3A_794 = arith.minimumf %while3A_789, %get3A_793 : vector<16xf32>
            scf.yield %min3A_794 : vector<16xf32>
          }
          %reduce_min3A = arith.constant true
          %reduce_min3A_336 = vector.broadcast %reduce_min3A : i1 to vector<16xi1>
          %reduce_min3A_337 = tpu.scan <min>, %while3A_335 masked %reduce_min3A_336 : vector<16xf32>, vector<16xi1> -> vector<16xf32>
          %reduce_min3A_338 = vector.extract %reduce_min3A_337[15] : f32 from vector<16xf32>
          %broadcast_in_dim3A_339 = vector.broadcast %reduce_min3A_338 : f32 to vector<16xf32>
          %broadcast_in_dim3A_340 = arith.constant 1024 : i32
          %broadcast_in_dim3A_341 = vector.broadcast %broadcast_in_dim3A_340 : i32 to vector<16xi32>
          %while3A_342 = arith.constant 0 : i32
          %while3A_343 = arith.subi %select_n3A_310, %while3A_342 : i32
          %while3A_344 = arith.addi %while3A_342, %while3A_343 : i32
          %while3A_345 = arith.constant 1 : i32
          %while3A_346 = arith.divsi %while3A_343, %while3A_345 : i32
          %while3A_347 = arith.muli %while3A_346, %while3A_345 : i32
          %while3A_348 = arith.addi %while3A_342, %while3A_347 : i32
          %while3A_349 = arith.constant 1 : i32
          %while3A_350 = scf.for %while3A_788 = %while3A_342 to %while3A_348 step %while3A_349 iter_args(%while3A_789 = %broadcast_in_dim3A_341) -> (vector<16xi32>)  : i32 {
            %mul3A_790 = arith.constant 16 : i32
            %mul3A_791 = arith.muli %while3A_788, %mul3A_790 : i32
            %get3A_792 = arith.index_cast %mul3A_791 : i32 to index
            %get3A_793 = tpu.vector_load %arg10[%get3A_792] {strides = array<i32>} : memref<1040xf32, #tpu.memory_space<vmem>>, vector<16xf32>,
            %eq3A_794 = arith.cmpf oeq, %get3A_793, %broadcast_in_dim3A_339 : vector<16xf32>
            %mul3A_795 = arith.constant 16 : i32
            %mul3A_796 = arith.muli %while3A_788, %mul3A_795 : i32
            %get3A_797 = arith.index_cast %mul3A_796 : i32 to index
            %get3A_798 = tpu.vector_load %arg9[%get3A_797] {strides = array<i32>} : memref<1040xi32, #tpu.memory_space<vmem>>, vector<16xi32>,
            %jit3A_799 = arith.constant 1024 : i32
            %broadcast_in_dim3A_800 = vector.broadcast %jit3A_799 : i32 to vector<16xi32>
            %select_n3A_801 = arith.select %eq3A_794, %get3A_798, %broadcast_in_dim3A_800 : vector<16xi1>, vector<16xi32>
            %min3A_802 = arith.minsi %while3A_789, %select_n3A_801 : vector<16xi32>
            scf.yield %min3A_802 : vector<16xi32>
          }
          %while3A_351 = arith.constant 1 : i32
          %while3A_352 = scf.for %while3A_788 = %while3A_348 to %while3A_344 step %while3A_351 iter_args(%while3A_789 = %while3A_350) -> (vector<16xi32>)  : i32 {
            %mul3A_790 = arith.constant 16 : i32
            %mul3A_791 = arith.muli %while3A_788, %mul3A_790 : i32
            %get3A_792 = arith.index_cast %mul3A_791 : i32 to index
            %get3A_793 = tpu.vector_load %arg10[%get3A_792] {strides = array<i32>} : memref<1040xf32, #tpu.memory_space<vmem>>, vector<16xf32>,
            %eq3A_794 = arith.cmpf oeq, %get3A_793, %broadcast_in_dim3A_339 : vector<16xf32>
            %mul3A_795 = arith.constant 16 : i32
            %mul3A_796 = arith.muli %while3A_788, %mul3A_795 : i32
            %get3A_797 = arith.index_cast %mul3A_796 : i32 to index
            %get3A_798 = tpu.vector_load %arg9[%get3A_797] {strides = array<i32>} : memref<1040xi32, #tpu.memory_space<vmem>>, vector<16xi32>,
            %jit3A_799 = arith.constant 1024 : i32
            %broadcast_in_dim3A_800 = vector.broadcast %jit3A_799 : i32 to vector<16xi32>
            %select_n3A_801 = arith.select %eq3A_794, %get3A_798, %broadcast_in_dim3A_800 : vector<16xi1>, vector<16xi32>
            %min3A_802 = arith.minsi %while3A_789, %select_n3A_801 : vector<16xi32>
            scf.yield %min3A_802 : vector<16xi32>
          }
          %reduce_min3A_353 = arith.constant true
          %reduce_min3A_354 = vector.broadcast %reduce_min3A_353 : i1 to vector<16xi1>
          %reduce_min3A_355 = arith.constant -2147483648 : i32
          %reduce_min3A_356 = vector.broadcast %reduce_min3A_355 : i32 to vector<16xi32>
          %reduce_min3A_357 = arith.xori %while3A_352, %reduce_min3A_356 : vector<16xi32>
          %reduce_min3A_358 = tpu.scan <min>, %reduce_min3A_357 masked %reduce_min3A_354 : vector<16xi32>, vector<16xi1> -> vector<16xi32>
          %reduce_min3A_359 = arith.xori %reduce_min3A_358, %reduce_min3A_356 : vector<16xi32>
          %reduce_min3A_360 = vector.extract %reduce_min3A_359[15] : i32 from vector<16xi32>
          %broadcast_in_dim3A_361 = vector.broadcast %reduce_min3A_360 : i32 to vector<16xi32>
          %while3A_362 = arith.constant 0 : i32
          %while3A_363 = arith.constant 0 : i32
          %while3A_364 = arith.subi %select_n3A_310, %while3A_362 : i32
          %while3A_365 = arith.addi %while3A_362, %while3A_364 : i32
          %while3A_366 = arith.constant 1 : i32
          %while3A_367 = arith.divsi %while3A_364, %while3A_366 : i32
          %while3A_368 = arith.muli %while3A_367, %while3A_366 : i32
          %while3A_369 = arith.addi %while3A_362, %while3A_368 : i32
          %while3A_370 = arith.constant 1 : i32
          %while3A_371 = scf.for %while3A_788 = %while3A_362 to %while3A_369 step %while3A_370 iter_args(%while3A_789 = %while3A_363) -> (i32)  : i32 {
            %mul3A_790 = arith.constant 16 : i32
            %mul3A_791 = arith.muli %while3A_788, %mul3A_790 : i32
            %get3A_792 = arith.index_cast %mul3A_791 : i32 to index
            %get3A_793 = tpu.vector_load %arg9[%get3A_792] {strides = array<i32>} : memref<1040xi32, #tpu.memory_space<vmem>>, vector<16xi32>,
            %eq3A_794 = arith.cmpi eq, %get3A_793, %broadcast_in_dim3A_361 : vector<16xi32>
            %mul3A_795 = arith.constant 16 : i32
            %mul3A_796 = arith.muli %while3A_788, %mul3A_795 : i32
            %add3A_797 = vector.broadcast %mul3A_796 : i32 to vector<16xi32>
            %add3A_798 = arith.addi %iota3A, %add3A_797 : vector<16xi32>
            tpu.vector_store_idx %arg10[%add3A_798], %broadcast_in_dim3A_6 masked %eq3A_794 : memref<1040xf32, #tpu.memory_space<vmem>>[vector<16xi32>], vector<16xf32>, vector<16xi1>
            %while3A_799 = arith.constant 0 : i32
            scf.yield %while3A_799 : i32
          }
          %while3A_372 = arith.constant 1 : i32
          %while3A_373 = scf.for %while3A_788 = %while3A_369 to %while3A_365 step %while3A_372 iter_args(%while3A_789 = %while3A_371) -> (i32)  : i32 {
            %mul3A_790 = arith.constant 16 : i32
            %mul3A_791 = arith.muli %while3A_788, %mul3A_790 : i32
            %get3A_792 = arith.index_cast %mul3A_791 : i32 to index
            %get3A_793 = tpu.vector_load %arg9[%get3A_792] {strides = array<i32>} : memref<1040xi32, #tpu.memory_space<vmem>>, vector<16xi32>,
            %eq3A_794 = arith.cmpi eq, %get3A_793, %broadcast_in_dim3A_361 : vector<16xi32>
            %mul3A_795 = arith.constant 16 : i32
            %mul3A_796 = arith.muli %while3A_788, %mul3A_795 : i32
            %add3A_797 = vector.broadcast %mul3A_796 : i32 to vector<16xi32>
            %add3A_798 = arith.addi %iota3A, %add3A_797 : vector<16xi32>
            tpu.vector_store_idx %arg10[%add3A_798], %broadcast_in_dim3A_6 masked %eq3A_794 : memref<1040xf32, #tpu.memory_space<vmem>>[vector<16xi32>], vector<16xf32>, vector<16xi1>
            %while3A_799 = arith.constant 0 : i32
            scf.yield %while3A_799 : i32
          }
          %eq3A_374 = arith.constant 0 : i32
          %eq3A_375 = vector.broadcast %eq3A_374 : i32 to vector<16xi32>
          %eq3A_376 = arith.cmpi eq, %iota3A, %eq3A_375 : vector<16xi32>
          %select_n3A_377 = arith.select %eq3A_376, %broadcast_in_dim3A_339, %broadcast_in_dim3A_6 : vector<16xi1>, vector<16xf32>
          %eq3A_378 = arith.constant 0 : i32
          %eq3A_379 = vector.broadcast %eq3A_378 : i32 to vector<16xi32>
          %eq3A_380 = arith.cmpi eq, %iota3A, %eq3A_379 : vector<16xi32>
          %select_n3A_381 = arith.select %eq3A_380, %broadcast_in_dim3A_361, %broadcast_in_dim3A_324 : vector<16xi1>, vector<16xi32>
          %while3A_382 = arith.constant 0 : i32
          %while3A_383 = arith.subi %select_n3A_310, %while3A_382 : i32
          %while3A_384 = arith.addi %while3A_382, %while3A_383 : i32
          %while3A_385 = arith.constant 1 : i32
          %while3A_386 = arith.divsi %while3A_383, %while3A_385 : i32
          %while3A_387 = arith.muli %while3A_386, %while3A_385 : i32
          %while3A_388 = arith.addi %while3A_382, %while3A_387 : i32
          %while3A_389 = arith.constant 1 : i32
          %while3A_390 = scf.for %while3A_788 = %while3A_382 to %while3A_388 step %while3A_389 iter_args(%while3A_789 = %broadcast_in_dim3A_6) -> (vector<16xf32>)  : i32 {
            %mul3A_790 = arith.constant 16 : i32
            %mul3A_791 = arith.muli %while3A_788, %mul3A_790 : i32
            %get3A_792 = arith.index_cast %mul3A_791 : i32 to index
            %get3A_793 = tpu.vector_load %arg10[%get3A_792] {strides = array<i32>} : memref<1040xf32, #tpu.memory_space<vmem>>, vector<16xf32>,
            %min3A_794 = arith.minimumf %while3A_789, %get3A_793 : vector<16xf32>
            scf.yield %min3A_794 : vector<16xf32>
          }
          %while3A_391 = arith.constant 1 : i32
          %while3A_392 = scf.for %while3A_788 = %while3A_388 to %while3A_384 step %while3A_391 iter_args(%while3A_789 = %while3A_390) -> (vector<16xf32>)  : i32 {
            %mul3A_790 = arith.constant 16 : i32
            %mul3A_791 = arith.muli %while3A_788, %mul3A_790 : i32
            %get3A_792 = arith.index_cast %mul3A_791 : i32 to index
            %get3A_793 = tpu.vector_load %arg10[%get3A_792] {strides = array<i32>} : memref<1040xf32, #tpu.memory_space<vmem>>, vector<16xf32>,
            %min3A_794 = arith.minimumf %while3A_789, %get3A_793 : vector<16xf32>
            scf.yield %min3A_794 : vector<16xf32>
          }
          %reduce_min3A_393 = arith.constant true
          %reduce_min3A_394 = vector.broadcast %reduce_min3A_393 : i1 to vector<16xi1>
          %reduce_min3A_395 = tpu.scan <min>, %while3A_392 masked %reduce_min3A_394 : vector<16xf32>, vector<16xi1> -> vector<16xf32>
          %reduce_min3A_396 = vector.extract %reduce_min3A_395[15] : f32 from vector<16xf32>
          %broadcast_in_dim3A_397 = vector.broadcast %reduce_min3A_396 : f32 to vector<16xf32>
          %broadcast_in_dim3A_398 = arith.constant 1024 : i32
          %broadcast_in_dim3A_399 = vector.broadcast %broadcast_in_dim3A_398 : i32 to vector<16xi32>
          %while3A_400 = arith.constant 0 : i32
          %while3A_401 = arith.subi %select_n3A_310, %while3A_400 : i32
          %while3A_402 = arith.addi %while3A_400, %while3A_401 : i32
          %while3A_403 = arith.constant 1 : i32
          %while3A_404 = arith.divsi %while3A_401, %while3A_403 : i32
          %while3A_405 = arith.muli %while3A_404, %while3A_403 : i32
          %while3A_406 = arith.addi %while3A_400, %while3A_405 : i32
          %while3A_407 = arith.constant 1 : i32
          %while3A_408 = scf.for %while3A_788 = %while3A_400 to %while3A_406 step %while3A_407 iter_args(%while3A_789 = %broadcast_in_dim3A_399) -> (vector<16xi32>)  : i32 {
            %mul3A_790 = arith.constant 16 : i32
            %mul3A_791 = arith.muli %while3A_788, %mul3A_790 : i32
            %get3A_792 = arith.index_cast %mul3A_791 : i32 to index
            %get3A_793 = tpu.vector_load %arg10[%get3A_792] {strides = array<i32>} : memref<1040xf32, #tpu.memory_space<vmem>>, vector<16xf32>,
            %eq3A_794 = arith.cmpf oeq, %get3A_793, %broadcast_in_dim3A_397 : vector<16xf32>
            %mul3A_795 = arith.constant 16 : i32
            %mul3A_796 = arith.muli %while3A_788, %mul3A_795 : i32
            %get3A_797 = arith.index_cast %mul3A_796 : i32 to index
            %get3A_798 = tpu.vector_load %arg9[%get3A_797] {strides = array<i32>} : memref<1040xi32, #tpu.memory_space<vmem>>, vector<16xi32>,
            %jit3A_799 = arith.constant 1024 : i32
            %broadcast_in_dim3A_800 = vector.broadcast %jit3A_799 : i32 to vector<16xi32>
            %select_n3A_801 = arith.select %eq3A_794, %get3A_798, %broadcast_in_dim3A_800 : vector<16xi1>, vector<16xi32>
            %min3A_802 = arith.minsi %while3A_789, %select_n3A_801 : vector<16xi32>
            scf.yield %min3A_802 : vector<16xi32>
          }
          %while3A_409 = arith.constant 1 : i32
          %while3A_410 = scf.for %while3A_788 = %while3A_406 to %while3A_402 step %while3A_409 iter_args(%while3A_789 = %while3A_408) -> (vector<16xi32>)  : i32 {
            %mul3A_790 = arith.constant 16 : i32
            %mul3A_791 = arith.muli %while3A_788, %mul3A_790 : i32
            %get3A_792 = arith.index_cast %mul3A_791 : i32 to index
            %get3A_793 = tpu.vector_load %arg10[%get3A_792] {strides = array<i32>} : memref<1040xf32, #tpu.memory_space<vmem>>, vector<16xf32>,
            %eq3A_794 = arith.cmpf oeq, %get3A_793, %broadcast_in_dim3A_397 : vector<16xf32>
            %mul3A_795 = arith.constant 16 : i32
            %mul3A_796 = arith.muli %while3A_788, %mul3A_795 : i32
            %get3A_797 = arith.index_cast %mul3A_796 : i32 to index
            %get3A_798 = tpu.vector_load %arg9[%get3A_797] {strides = array<i32>} : memref<1040xi32, #tpu.memory_space<vmem>>, vector<16xi32>,
            %jit3A_799 = arith.constant 1024 : i32
            %broadcast_in_dim3A_800 = vector.broadcast %jit3A_799 : i32 to vector<16xi32>
            %select_n3A_801 = arith.select %eq3A_794, %get3A_798, %broadcast_in_dim3A_800 : vector<16xi1>, vector<16xi32>
            %min3A_802 = arith.minsi %while3A_789, %select_n3A_801 : vector<16xi32>
            scf.yield %min3A_802 : vector<16xi32>
          }
          %reduce_min3A_411 = arith.constant true
          %reduce_min3A_412 = vector.broadcast %reduce_min3A_411 : i1 to vector<16xi1>
          %reduce_min3A_413 = arith.constant -2147483648 : i32
          %reduce_min3A_414 = vector.broadcast %reduce_min3A_413 : i32 to vector<16xi32>
          %reduce_min3A_415 = arith.xori %while3A_410, %reduce_min3A_414 : vector<16xi32>
          %reduce_min3A_416 = tpu.scan <min>, %reduce_min3A_415 masked %reduce_min3A_412 : vector<16xi32>, vector<16xi1> -> vector<16xi32>
          %reduce_min3A_417 = arith.xori %reduce_min3A_416, %reduce_min3A_414 : vector<16xi32>
          %reduce_min3A_418 = vector.extract %reduce_min3A_417[15] : i32 from vector<16xi32>
          %broadcast_in_dim3A_419 = vector.broadcast %reduce_min3A_418 : i32 to vector<16xi32>
          %while3A_420 = arith.constant 0 : i32
          %while3A_421 = arith.constant 0 : i32
          %while3A_422 = arith.subi %select_n3A_310, %while3A_420 : i32
          %while3A_423 = arith.addi %while3A_420, %while3A_422 : i32
          %while3A_424 = arith.constant 1 : i32
          %while3A_425 = arith.divsi %while3A_422, %while3A_424 : i32
          %while3A_426 = arith.muli %while3A_425, %while3A_424 : i32
          %while3A_427 = arith.addi %while3A_420, %while3A_426 : i32
          %while3A_428 = arith.constant 1 : i32
          %while3A_429 = scf.for %while3A_788 = %while3A_420 to %while3A_427 step %while3A_428 iter_args(%while3A_789 = %while3A_421) -> (i32)  : i32 {
            %mul3A_790 = arith.constant 16 : i32
            %mul3A_791 = arith.muli %while3A_788, %mul3A_790 : i32
            %get3A_792 = arith.index_cast %mul3A_791 : i32 to index
            %get3A_793 = tpu.vector_load %arg9[%get3A_792] {strides = array<i32>} : memref<1040xi32, #tpu.memory_space<vmem>>, vector<16xi32>,
            %eq3A_794 = arith.cmpi eq, %get3A_793, %broadcast_in_dim3A_419 : vector<16xi32>
            %mul3A_795 = arith.constant 16 : i32
            %mul3A_796 = arith.muli %while3A_788, %mul3A_795 : i32
            %add3A_797 = vector.broadcast %mul3A_796 : i32 to vector<16xi32>
            %add3A_798 = arith.addi %iota3A, %add3A_797 : vector<16xi32>
            tpu.vector_store_idx %arg10[%add3A_798], %broadcast_in_dim3A_6 masked %eq3A_794 : memref<1040xf32, #tpu.memory_space<vmem>>[vector<16xi32>], vector<16xf32>, vector<16xi1>
            %while3A_799 = arith.constant 0 : i32
            scf.yield %while3A_799 : i32
          }
          %while3A_430 = arith.constant 1 : i32
          %while3A_431 = scf.for %while3A_788 = %while3A_427 to %while3A_423 step %while3A_430 iter_args(%while3A_789 = %while3A_429) -> (i32)  : i32 {
            %mul3A_790 = arith.constant 16 : i32
            %mul3A_791 = arith.muli %while3A_788, %mul3A_790 : i32
            %get3A_792 = arith.index_cast %mul3A_791 : i32 to index
            %get3A_793 = tpu.vector_load %arg9[%get3A_792] {strides = array<i32>} : memref<1040xi32, #tpu.memory_space<vmem>>, vector<16xi32>,
            %eq3A_794 = arith.cmpi eq, %get3A_793, %broadcast_in_dim3A_419 : vector<16xi32>
            %mul3A_795 = arith.constant 16 : i32
            %mul3A_796 = arith.muli %while3A_788, %mul3A_795 : i32
            %add3A_797 = vector.broadcast %mul3A_796 : i32 to vector<16xi32>
            %add3A_798 = arith.addi %iota3A, %add3A_797 : vector<16xi32>
            tpu.vector_store_idx %arg10[%add3A_798], %broadcast_in_dim3A_6 masked %eq3A_794 : memref<1040xf32, #tpu.memory_space<vmem>>[vector<16xi32>], vector<16xf32>, vector<16xi1>
            %while3A_799 = arith.constant 0 : i32
            scf.yield %while3A_799 : i32
          }
          %eq3A_432 = arith.constant 1 : i32
          %eq3A_433 = vector.broadcast %eq3A_432 : i32 to vector<16xi32>
          %eq3A_434 = arith.cmpi eq, %iota3A, %eq3A_433 : vector<16xi32>
          %select_n3A_435 = arith.select %eq3A_434, %broadcast_in_dim3A_397, %select_n3A_377 : vector<16xi1>, vector<16xf32>
          %eq3A_436 = arith.constant 1 : i32
          %eq3A_437 = vector.broadcast %eq3A_436 : i32 to vector<16xi32>
          %eq3A_438 = arith.cmpi eq, %iota3A, %eq3A_437 : vector<16xi32>
          %select_n3A_439 = arith.select %eq3A_438, %broadcast_in_dim3A_419, %select_n3A_381 : vector<16xi1>, vector<16xi32>
          %while3A_440 = arith.constant 0 : i32
          %while3A_441 = arith.subi %select_n3A_310, %while3A_440 : i32
          %while3A_442 = arith.addi %while3A_440, %while3A_441 : i32
          %while3A_443 = arith.constant 1 : i32
          %while3A_444 = arith.divsi %while3A_441, %while3A_443 : i32
          %while3A_445 = arith.muli %while3A_444, %while3A_443 : i32
          %while3A_446 = arith.addi %while3A_440, %while3A_445 : i32
          %while3A_447 = arith.constant 1 : i32
          %while3A_448 = scf.for %while3A_788 = %while3A_440 to %while3A_446 step %while3A_447 iter_args(%while3A_789 = %broadcast_in_dim3A_6) -> (vector<16xf32>)  : i32 {
            %mul3A_790 = arith.constant 16 : i32
            %mul3A_791 = arith.muli %while3A_788, %mul3A_790 : i32
            %get3A_792 = arith.index_cast %mul3A_791 : i32 to index
            %get3A_793 = tpu.vector_load %arg10[%get3A_792] {strides = array<i32>} : memref<1040xf32, #tpu.memory_space<vmem>>, vector<16xf32>,
            %min3A_794 = arith.minimumf %while3A_789, %get3A_793 : vector<16xf32>
            scf.yield %min3A_794 : vector<16xf32>
          }
          %while3A_449 = arith.constant 1 : i32
          %while3A_450 = scf.for %while3A_788 = %while3A_446 to %while3A_442 step %while3A_449 iter_args(%while3A_789 = %while3A_448) -> (vector<16xf32>)  : i32 {
            %mul3A_790 = arith.constant 16 : i32
            %mul3A_791 = arith.muli %while3A_788, %mul3A_790 : i32
            %get3A_792 = arith.index_cast %mul3A_791 : i32 to index
            %get3A_793 = tpu.vector_load %arg10[%get3A_792] {strides = array<i32>} : memref<1040xf32, #tpu.memory_space<vmem>>, vector<16xf32>,
            %min3A_794 = arith.minimumf %while3A_789, %get3A_793 : vector<16xf32>
            scf.yield %min3A_794 : vector<16xf32>
          }
          %reduce_min3A_451 = arith.constant true
          %reduce_min3A_452 = vector.broadcast %reduce_min3A_451 : i1 to vector<16xi1>
          %reduce_min3A_453 = tpu.scan <min>, %while3A_450 masked %reduce_min3A_452 : vector<16xf32>, vector<16xi1> -> vector<16xf32>
          %reduce_min3A_454 = vector.extract %reduce_min3A_453[15] : f32 from vector<16xf32>
          %broadcast_in_dim3A_455 = vector.broadcast %reduce_min3A_454 : f32 to vector<16xf32>
          %broadcast_in_dim3A_456 = arith.constant 1024 : i32
          %broadcast_in_dim3A_457 = vector.broadcast %broadcast_in_dim3A_456 : i32 to vector<16xi32>
          %while3A_458 = arith.constant 0 : i32
          %while3A_459 = arith.subi %select_n3A_310, %while3A_458 : i32
          %while3A_460 = arith.addi %while3A_458, %while3A_459 : i32
          %while3A_461 = arith.constant 1 : i32
          %while3A_462 = arith.divsi %while3A_459, %while3A_461 : i32
          %while3A_463 = arith.muli %while3A_462, %while3A_461 : i32
          %while3A_464 = arith.addi %while3A_458, %while3A_463 : i32
          %while3A_465 = arith.constant 1 : i32
          %while3A_466 = scf.for %while3A_788 = %while3A_458 to %while3A_464 step %while3A_465 iter_args(%while3A_789 = %broadcast_in_dim3A_457) -> (vector<16xi32>)  : i32 {
            %mul3A_790 = arith.constant 16 : i32
            %mul3A_791 = arith.muli %while3A_788, %mul3A_790 : i32
            %get3A_792 = arith.index_cast %mul3A_791 : i32 to index
            %get3A_793 = tpu.vector_load %arg10[%get3A_792] {strides = array<i32>} : memref<1040xf32, #tpu.memory_space<vmem>>, vector<16xf32>,
            %eq3A_794 = arith.cmpf oeq, %get3A_793, %broadcast_in_dim3A_455 : vector<16xf32>
            %mul3A_795 = arith.constant 16 : i32
            %mul3A_796 = arith.muli %while3A_788, %mul3A_795 : i32
            %get3A_797 = arith.index_cast %mul3A_796 : i32 to index
            %get3A_798 = tpu.vector_load %arg9[%get3A_797] {strides = array<i32>} : memref<1040xi32, #tpu.memory_space<vmem>>, vector<16xi32>,
            %jit3A_799 = arith.constant 1024 : i32
            %broadcast_in_dim3A_800 = vector.broadcast %jit3A_799 : i32 to vector<16xi32>
            %select_n3A_801 = arith.select %eq3A_794, %get3A_798, %broadcast_in_dim3A_800 : vector<16xi1>, vector<16xi32>
            %min3A_802 = arith.minsi %while3A_789, %select_n3A_801 : vector<16xi32>
            scf.yield %min3A_802 : vector<16xi32>
          }
          %while3A_467 = arith.constant 1 : i32
          %while3A_468 = scf.for %while3A_788 = %while3A_464 to %while3A_460 step %while3A_467 iter_args(%while3A_789 = %while3A_466) -> (vector<16xi32>)  : i32 {
            %mul3A_790 = arith.constant 16 : i32
            %mul3A_791 = arith.muli %while3A_788, %mul3A_790 : i32
            %get3A_792 = arith.index_cast %mul3A_791 : i32 to index
            %get3A_793 = tpu.vector_load %arg10[%get3A_792] {strides = array<i32>} : memref<1040xf32, #tpu.memory_space<vmem>>, vector<16xf32>,
            %eq3A_794 = arith.cmpf oeq, %get3A_793, %broadcast_in_dim3A_455 : vector<16xf32>
            %mul3A_795 = arith.constant 16 : i32
            %mul3A_796 = arith.muli %while3A_788, %mul3A_795 : i32
            %get3A_797 = arith.index_cast %mul3A_796 : i32 to index
            %get3A_798 = tpu.vector_load %arg9[%get3A_797] {strides = array<i32>} : memref<1040xi32, #tpu.memory_space<vmem>>, vector<16xi32>,
            %jit3A_799 = arith.constant 1024 : i32
            %broadcast_in_dim3A_800 = vector.broadcast %jit3A_799 : i32 to vector<16xi32>
            %select_n3A_801 = arith.select %eq3A_794, %get3A_798, %broadcast_in_dim3A_800 : vector<16xi1>, vector<16xi32>
            %min3A_802 = arith.minsi %while3A_789, %select_n3A_801 : vector<16xi32>
            scf.yield %min3A_802 : vector<16xi32>
          }
          %reduce_min3A_469 = arith.constant true
          %reduce_min3A_470 = vector.broadcast %reduce_min3A_469 : i1 to vector<16xi1>
          %reduce_min3A_471 = arith.constant -2147483648 : i32
          %reduce_min3A_472 = vector.broadcast %reduce_min3A_471 : i32 to vector<16xi32>
          %reduce_min3A_473 = arith.xori %while3A_468, %reduce_min3A_472 : vector<16xi32>
          %reduce_min3A_474 = tpu.scan <min>, %reduce_min3A_473 masked %reduce_min3A_470 : vector<16xi32>, vector<16xi1> -> vector<16xi32>
          %reduce_min3A_475 = arith.xori %reduce_min3A_474, %reduce_min3A_472 : vector<16xi32>
          %reduce_min3A_476 = vector.extract %reduce_min3A_475[15] : i32 from vector<16xi32>
          %broadcast_in_dim3A_477 = vector.broadcast %reduce_min3A_476 : i32 to vector<16xi32>
          %while3A_478 = arith.constant 0 : i32
          %while3A_479 = arith.constant 0 : i32
          %while3A_480 = arith.subi %select_n3A_310, %while3A_478 : i32
          %while3A_481 = arith.addi %while3A_478, %while3A_480 : i32
          %while3A_482 = arith.constant 1 : i32
          %while3A_483 = arith.divsi %while3A_480, %while3A_482 : i32
          %while3A_484 = arith.muli %while3A_483, %while3A_482 : i32
          %while3A_485 = arith.addi %while3A_478, %while3A_484 : i32
          %while3A_486 = arith.constant 1 : i32
          %while3A_487 = scf.for %while3A_788 = %while3A_478 to %while3A_485 step %while3A_486 iter_args(%while3A_789 = %while3A_479) -> (i32)  : i32 {
            %mul3A_790 = arith.constant 16 : i32
            %mul3A_791 = arith.muli %while3A_788, %mul3A_790 : i32
            %get3A_792 = arith.index_cast %mul3A_791 : i32 to index
            %get3A_793 = tpu.vector_load %arg9[%get3A_792] {strides = array<i32>} : memref<1040xi32, #tpu.memory_space<vmem>>, vector<16xi32>,
            %eq3A_794 = arith.cmpi eq, %get3A_793, %broadcast_in_dim3A_477 : vector<16xi32>
            %mul3A_795 = arith.constant 16 : i32
            %mul3A_796 = arith.muli %while3A_788, %mul3A_795 : i32
            %add3A_797 = vector.broadcast %mul3A_796 : i32 to vector<16xi32>
            %add3A_798 = arith.addi %iota3A, %add3A_797 : vector<16xi32>
            tpu.vector_store_idx %arg10[%add3A_798], %broadcast_in_dim3A_6 masked %eq3A_794 : memref<1040xf32, #tpu.memory_space<vmem>>[vector<16xi32>], vector<16xf32>, vector<16xi1>
            %while3A_799 = arith.constant 0 : i32
            scf.yield %while3A_799 : i32
          }
          %while3A_488 = arith.constant 1 : i32
          %while3A_489 = scf.for %while3A_788 = %while3A_485 to %while3A_481 step %while3A_488 iter_args(%while3A_789 = %while3A_487) -> (i32)  : i32 {
            %mul3A_790 = arith.constant 16 : i32
            %mul3A_791 = arith.muli %while3A_788, %mul3A_790 : i32
            %get3A_792 = arith.index_cast %mul3A_791 : i32 to index
            %get3A_793 = tpu.vector_load %arg9[%get3A_792] {strides = array<i32>} : memref<1040xi32, #tpu.memory_space<vmem>>, vector<16xi32>,
            %eq3A_794 = arith.cmpi eq, %get3A_793, %broadcast_in_dim3A_477 : vector<16xi32>
            %mul3A_795 = arith.constant 16 : i32
            %mul3A_796 = arith.muli %while3A_788, %mul3A_795 : i32
            %add3A_797 = vector.broadcast %mul3A_796 : i32 to vector<16xi32>
            %add3A_798 = arith.addi %iota3A, %add3A_797 : vector<16xi32>
            tpu.vector_store_idx %arg10[%add3A_798], %broadcast_in_dim3A_6 masked %eq3A_794 : memref<1040xf32, #tpu.memory_space<vmem>>[vector<16xi32>], vector<16xf32>, vector<16xi1>
            %while3A_799 = arith.constant 0 : i32
            scf.yield %while3A_799 : i32
          }
          %eq3A_490 = arith.constant 2 : i32
          %eq3A_491 = vector.broadcast %eq3A_490 : i32 to vector<16xi32>
          %eq3A_492 = arith.cmpi eq, %iota3A, %eq3A_491 : vector<16xi32>
          %select_n3A_493 = arith.select %eq3A_492, %broadcast_in_dim3A_455, %select_n3A_435 : vector<16xi1>, vector<16xf32>
          %eq3A_494 = arith.constant 2 : i32
          %eq3A_495 = vector.broadcast %eq3A_494 : i32 to vector<16xi32>
          %eq3A_496 = arith.cmpi eq, %iota3A, %eq3A_495 : vector<16xi32>
          %select_n3A_497 = arith.select %eq3A_496, %broadcast_in_dim3A_477, %select_n3A_439 : vector<16xi1>, vector<16xi32>
          %while3A_498 = arith.constant 0 : i32
          %while3A_499 = arith.subi %select_n3A_310, %while3A_498 : i32
          %while3A_500 = arith.addi %while3A_498, %while3A_499 : i32
          %while3A_501 = arith.constant 1 : i32
          %while3A_502 = arith.divsi %while3A_499, %while3A_501 : i32
          %while3A_503 = arith.muli %while3A_502, %while3A_501 : i32
          %while3A_504 = arith.addi %while3A_498, %while3A_503 : i32
          %while3A_505 = arith.constant 1 : i32
          %while3A_506 = scf.for %while3A_788 = %while3A_498 to %while3A_504 step %while3A_505 iter_args(%while3A_789 = %broadcast_in_dim3A_6) -> (vector<16xf32>)  : i32 {
            %mul3A_790 = arith.constant 16 : i32
            %mul3A_791 = arith.muli %while3A_788, %mul3A_790 : i32
            %get3A_792 = arith.index_cast %mul3A_791 : i32 to index
            %get3A_793 = tpu.vector_load %arg10[%get3A_792] {strides = array<i32>} : memref<1040xf32, #tpu.memory_space<vmem>>, vector<16xf32>,
            %min3A_794 = arith.minimumf %while3A_789, %get3A_793 : vector<16xf32>
            scf.yield %min3A_794 : vector<16xf32>
          }
          %while3A_507 = arith.constant 1 : i32
          %while3A_508 = scf.for %while3A_788 = %while3A_504 to %while3A_500 step %while3A_507 iter_args(%while3A_789 = %while3A_506) -> (vector<16xf32>)  : i32 {
            %mul3A_790 = arith.constant 16 : i32
            %mul3A_791 = arith.muli %while3A_788, %mul3A_790 : i32
            %get3A_792 = arith.index_cast %mul3A_791 : i32 to index
            %get3A_793 = tpu.vector_load %arg10[%get3A_792] {strides = array<i32>} : memref<1040xf32, #tpu.memory_space<vmem>>, vector<16xf32>,
            %min3A_794 = arith.minimumf %while3A_789, %get3A_793 : vector<16xf32>
            scf.yield %min3A_794 : vector<16xf32>
          }
          %reduce_min3A_509 = arith.constant true
          %reduce_min3A_510 = vector.broadcast %reduce_min3A_509 : i1 to vector<16xi1>
          %reduce_min3A_511 = tpu.scan <min>, %while3A_508 masked %reduce_min3A_510 : vector<16xf32>, vector<16xi1> -> vector<16xf32>
          %reduce_min3A_512 = vector.extract %reduce_min3A_511[15] : f32 from vector<16xf32>
          %broadcast_in_dim3A_513 = vector.broadcast %reduce_min3A_512 : f32 to vector<16xf32>
          %broadcast_in_dim3A_514 = arith.constant 1024 : i32
          %broadcast_in_dim3A_515 = vector.broadcast %broadcast_in_dim3A_514 : i32 to vector<16xi32>
          %while3A_516 = arith.constant 0 : i32
          %while3A_517 = arith.subi %select_n3A_310, %while3A_516 : i32
          %while3A_518 = arith.addi %while3A_516, %while3A_517 : i32
          %while3A_519 = arith.constant 1 : i32
          %while3A_520 = arith.divsi %while3A_517, %while3A_519 : i32
          %while3A_521 = arith.muli %while3A_520, %while3A_519 : i32
          %while3A_522 = arith.addi %while3A_516, %while3A_521 : i32
          %while3A_523 = arith.constant 1 : i32
          %while3A_524 = scf.for %while3A_788 = %while3A_516 to %while3A_522 step %while3A_523 iter_args(%while3A_789 = %broadcast_in_dim3A_515) -> (vector<16xi32>)  : i32 {
            %mul3A_790 = arith.constant 16 : i32
            %mul3A_791 = arith.muli %while3A_788, %mul3A_790 : i32
            %get3A_792 = arith.index_cast %mul3A_791 : i32 to index
            %get3A_793 = tpu.vector_load %arg10[%get3A_792] {strides = array<i32>} : memref<1040xf32, #tpu.memory_space<vmem>>, vector<16xf32>,
            %eq3A_794 = arith.cmpf oeq, %get3A_793, %broadcast_in_dim3A_513 : vector<16xf32>
            %mul3A_795 = arith.constant 16 : i32
            %mul3A_796 = arith.muli %while3A_788, %mul3A_795 : i32
            %get3A_797 = arith.index_cast %mul3A_796 : i32 to index
            %get3A_798 = tpu.vector_load %arg9[%get3A_797] {strides = array<i32>} : memref<1040xi32, #tpu.memory_space<vmem>>, vector<16xi32>,
            %jit3A_799 = arith.constant 1024 : i32
            %broadcast_in_dim3A_800 = vector.broadcast %jit3A_799 : i32 to vector<16xi32>
            %select_n3A_801 = arith.select %eq3A_794, %get3A_798, %broadcast_in_dim3A_800 : vector<16xi1>, vector<16xi32>
            %min3A_802 = arith.minsi %while3A_789, %select_n3A_801 : vector<16xi32>
            scf.yield %min3A_802 : vector<16xi32>
          }
          %while3A_525 = arith.constant 1 : i32
          %while3A_526 = scf.for %while3A_788 = %while3A_522 to %while3A_518 step %while3A_525 iter_args(%while3A_789 = %while3A_524) -> (vector<16xi32>)  : i32 {
            %mul3A_790 = arith.constant 16 : i32
            %mul3A_791 = arith.muli %while3A_788, %mul3A_790 : i32
            %get3A_792 = arith.index_cast %mul3A_791 : i32 to index
            %get3A_793 = tpu.vector_load %arg10[%get3A_792] {strides = array<i32>} : memref<1040xf32, #tpu.memory_space<vmem>>, vector<16xf32>,
            %eq3A_794 = arith.cmpf oeq, %get3A_793, %broadcast_in_dim3A_513 : vector<16xf32>
            %mul3A_795 = arith.constant 16 : i32
            %mul3A_796 = arith.muli %while3A_788, %mul3A_795 : i32
            %get3A_797 = arith.index_cast %mul3A_796 : i32 to index
            %get3A_798 = tpu.vector_load %arg9[%get3A_797] {strides = array<i32>} : memref<1040xi32, #tpu.memory_space<vmem>>, vector<16xi32>,
            %jit3A_799 = arith.constant 1024 : i32
            %broadcast_in_dim3A_800 = vector.broadcast %jit3A_799 : i32 to vector<16xi32>
            %select_n3A_801 = arith.select %eq3A_794, %get3A_798, %broadcast_in_dim3A_800 : vector<16xi1>, vector<16xi32>
            %min3A_802 = arith.minsi %while3A_789, %select_n3A_801 : vector<16xi32>
            scf.yield %min3A_802 : vector<16xi32>
          }
          %reduce_min3A_527 = arith.constant true
          %reduce_min3A_528 = vector.broadcast %reduce_min3A_527 : i1 to vector<16xi1>
          %reduce_min3A_529 = arith.constant -2147483648 : i32
          %reduce_min3A_530 = vector.broadcast %reduce_min3A_529 : i32 to vector<16xi32>
          %reduce_min3A_531 = arith.xori %while3A_526, %reduce_min3A_530 : vector<16xi32>
          %reduce_min3A_532 = tpu.scan <min>, %reduce_min3A_531 masked %reduce_min3A_528 : vector<16xi32>, vector<16xi1> -> vector<16xi32>
          %reduce_min3A_533 = arith.xori %reduce_min3A_532, %reduce_min3A_530 : vector<16xi32>
          %reduce_min3A_534 = vector.extract %reduce_min3A_533[15] : i32 from vector<16xi32>
          %broadcast_in_dim3A_535 = vector.broadcast %reduce_min3A_534 : i32 to vector<16xi32>
          %while3A_536 = arith.constant 0 : i32
          %while3A_537 = arith.constant 0 : i32
          %while3A_538 = arith.subi %select_n3A_310, %while3A_536 : i32
          %while3A_539 = arith.addi %while3A_536, %while3A_538 : i32
          %while3A_540 = arith.constant 1 : i32
          %while3A_541 = arith.divsi %while3A_538, %while3A_540 : i32
          %while3A_542 = arith.muli %while3A_541, %while3A_540 : i32
          %while3A_543 = arith.addi %while3A_536, %while3A_542 : i32
          %while3A_544 = arith.constant 1 : i32
          %while3A_545 = scf.for %while3A_788 = %while3A_536 to %while3A_543 step %while3A_544 iter_args(%while3A_789 = %while3A_537) -> (i32)  : i32 {
            %mul3A_790 = arith.constant 16 : i32
            %mul3A_791 = arith.muli %while3A_788, %mul3A_790 : i32
            %get3A_792 = arith.index_cast %mul3A_791 : i32 to index
            %get3A_793 = tpu.vector_load %arg9[%get3A_792] {strides = array<i32>} : memref<1040xi32, #tpu.memory_space<vmem>>, vector<16xi32>,
            %eq3A_794 = arith.cmpi eq, %get3A_793, %broadcast_in_dim3A_535 : vector<16xi32>
            %mul3A_795 = arith.constant 16 : i32
            %mul3A_796 = arith.muli %while3A_788, %mul3A_795 : i32
            %add3A_797 = vector.broadcast %mul3A_796 : i32 to vector<16xi32>
            %add3A_798 = arith.addi %iota3A, %add3A_797 : vector<16xi32>
            tpu.vector_store_idx %arg10[%add3A_798], %broadcast_in_dim3A_6 masked %eq3A_794 : memref<1040xf32, #tpu.memory_space<vmem>>[vector<16xi32>], vector<16xf32>, vector<16xi1>
            %while3A_799 = arith.constant 0 : i32
            scf.yield %while3A_799 : i32
          }
          %while3A_546 = arith.constant 1 : i32
          %while3A_547 = scf.for %while3A_788 = %while3A_543 to %while3A_539 step %while3A_546 iter_args(%while3A_789 = %while3A_545) -> (i32)  : i32 {
            %mul3A_790 = arith.constant 16 : i32
            %mul3A_791 = arith.muli %while3A_788, %mul3A_790 : i32
            %get3A_792 = arith.index_cast %mul3A_791 : i32 to index
            %get3A_793 = tpu.vector_load %arg9[%get3A_792] {strides = array<i32>} : memref<1040xi32, #tpu.memory_space<vmem>>, vector<16xi32>,
            %eq3A_794 = arith.cmpi eq, %get3A_793, %broadcast_in_dim3A_535 : vector<16xi32>
            %mul3A_795 = arith.constant 16 : i32
            %mul3A_796 = arith.muli %while3A_788, %mul3A_795 : i32
            %add3A_797 = vector.broadcast %mul3A_796 : i32 to vector<16xi32>
            %add3A_798 = arith.addi %iota3A, %add3A_797 : vector<16xi32>
            tpu.vector_store_idx %arg10[%add3A_798], %broadcast_in_dim3A_6 masked %eq3A_794 : memref<1040xf32, #tpu.memory_space<vmem>>[vector<16xi32>], vector<16xf32>, vector<16xi1>
            %while3A_799 = arith.constant 0 : i32
            scf.yield %while3A_799 : i32
          }
          %eq3A_548 = arith.constant 3 : i32
          %eq3A_549 = vector.broadcast %eq3A_548 : i32 to vector<16xi32>
          %eq3A_550 = arith.cmpi eq, %iota3A, %eq3A_549 : vector<16xi32>
          %select_n3A_551 = arith.select %eq3A_550, %broadcast_in_dim3A_513, %select_n3A_493 : vector<16xi1>, vector<16xf32>
          %eq3A_552 = arith.constant 3 : i32
          %eq3A_553 = vector.broadcast %eq3A_552 : i32 to vector<16xi32>
          %eq3A_554 = arith.cmpi eq, %iota3A, %eq3A_553 : vector<16xi32>
          %select_n3A_555 = arith.select %eq3A_554, %broadcast_in_dim3A_535, %select_n3A_497 : vector<16xi1>, vector<16xi32>
          %while3A_556 = arith.constant 0 : i32
          %while3A_557 = arith.subi %select_n3A_310, %while3A_556 : i32
          %while3A_558 = arith.addi %while3A_556, %while3A_557 : i32
          %while3A_559 = arith.constant 1 : i32
          %while3A_560 = arith.divsi %while3A_557, %while3A_559 : i32
          %while3A_561 = arith.muli %while3A_560, %while3A_559 : i32
          %while3A_562 = arith.addi %while3A_556, %while3A_561 : i32
          %while3A_563 = arith.constant 1 : i32
          %while3A_564 = scf.for %while3A_788 = %while3A_556 to %while3A_562 step %while3A_563 iter_args(%while3A_789 = %broadcast_in_dim3A_6) -> (vector<16xf32>)  : i32 {
            %mul3A_790 = arith.constant 16 : i32
            %mul3A_791 = arith.muli %while3A_788, %mul3A_790 : i32
            %get3A_792 = arith.index_cast %mul3A_791 : i32 to index
            %get3A_793 = tpu.vector_load %arg10[%get3A_792] {strides = array<i32>} : memref<1040xf32, #tpu.memory_space<vmem>>, vector<16xf32>,
            %min3A_794 = arith.minimumf %while3A_789, %get3A_793 : vector<16xf32>
            scf.yield %min3A_794 : vector<16xf32>
          }
          %while3A_565 = arith.constant 1 : i32
          %while3A_566 = scf.for %while3A_788 = %while3A_562 to %while3A_558 step %while3A_565 iter_args(%while3A_789 = %while3A_564) -> (vector<16xf32>)  : i32 {
            %mul3A_790 = arith.constant 16 : i32
            %mul3A_791 = arith.muli %while3A_788, %mul3A_790 : i32
            %get3A_792 = arith.index_cast %mul3A_791 : i32 to index
            %get3A_793 = tpu.vector_load %arg10[%get3A_792] {strides = array<i32>} : memref<1040xf32, #tpu.memory_space<vmem>>, vector<16xf32>,
            %min3A_794 = arith.minimumf %while3A_789, %get3A_793 : vector<16xf32>
            scf.yield %min3A_794 : vector<16xf32>
          }
          %reduce_min3A_567 = arith.constant true
          %reduce_min3A_568 = vector.broadcast %reduce_min3A_567 : i1 to vector<16xi1>
          %reduce_min3A_569 = tpu.scan <min>, %while3A_566 masked %reduce_min3A_568 : vector<16xf32>, vector<16xi1> -> vector<16xf32>
          %reduce_min3A_570 = vector.extract %reduce_min3A_569[15] : f32 from vector<16xf32>
          %broadcast_in_dim3A_571 = vector.broadcast %reduce_min3A_570 : f32 to vector<16xf32>
          %broadcast_in_dim3A_572 = arith.constant 1024 : i32
          %broadcast_in_dim3A_573 = vector.broadcast %broadcast_in_dim3A_572 : i32 to vector<16xi32>
          %while3A_574 = arith.constant 0 : i32
          %while3A_575 = arith.subi %select_n3A_310, %while3A_574 : i32
          %while3A_576 = arith.addi %while3A_574, %while3A_575 : i32
          %while3A_577 = arith.constant 1 : i32
          %while3A_578 = arith.divsi %while3A_575, %while3A_577 : i32
          %while3A_579 = arith.muli %while3A_578, %while3A_577 : i32
          %while3A_580 = arith.addi %while3A_574, %while3A_579 : i32
          %while3A_581 = arith.constant 1 : i32
          %while3A_582 = scf.for %while3A_788 = %while3A_574 to %while3A_580 step %while3A_581 iter_args(%while3A_789 = %broadcast_in_dim3A_573) -> (vector<16xi32>)  : i32 {
            %mul3A_790 = arith.constant 16 : i32
            %mul3A_791 = arith.muli %while3A_788, %mul3A_790 : i32
            %get3A_792 = arith.index_cast %mul3A_791 : i32 to index
            %get3A_793 = tpu.vector_load %arg10[%get3A_792] {strides = array<i32>} : memref<1040xf32, #tpu.memory_space<vmem>>, vector<16xf32>,
            %eq3A_794 = arith.cmpf oeq, %get3A_793, %broadcast_in_dim3A_571 : vector<16xf32>
            %mul3A_795 = arith.constant 16 : i32
            %mul3A_796 = arith.muli %while3A_788, %mul3A_795 : i32
            %get3A_797 = arith.index_cast %mul3A_796 : i32 to index
            %get3A_798 = tpu.vector_load %arg9[%get3A_797] {strides = array<i32>} : memref<1040xi32, #tpu.memory_space<vmem>>, vector<16xi32>,
            %jit3A_799 = arith.constant 1024 : i32
            %broadcast_in_dim3A_800 = vector.broadcast %jit3A_799 : i32 to vector<16xi32>
            %select_n3A_801 = arith.select %eq3A_794, %get3A_798, %broadcast_in_dim3A_800 : vector<16xi1>, vector<16xi32>
            %min3A_802 = arith.minsi %while3A_789, %select_n3A_801 : vector<16xi32>
            scf.yield %min3A_802 : vector<16xi32>
          }
          %while3A_583 = arith.constant 1 : i32
          %while3A_584 = scf.for %while3A_788 = %while3A_580 to %while3A_576 step %while3A_583 iter_args(%while3A_789 = %while3A_582) -> (vector<16xi32>)  : i32 {
            %mul3A_790 = arith.constant 16 : i32
            %mul3A_791 = arith.muli %while3A_788, %mul3A_790 : i32
            %get3A_792 = arith.index_cast %mul3A_791 : i32 to index
            %get3A_793 = tpu.vector_load %arg10[%get3A_792] {strides = array<i32>} : memref<1040xf32, #tpu.memory_space<vmem>>, vector<16xf32>,
            %eq3A_794 = arith.cmpf oeq, %get3A_793, %broadcast_in_dim3A_571 : vector<16xf32>
            %mul3A_795 = arith.constant 16 : i32
            %mul3A_796 = arith.muli %while3A_788, %mul3A_795 : i32
            %get3A_797 = arith.index_cast %mul3A_796 : i32 to index
            %get3A_798 = tpu.vector_load %arg9[%get3A_797] {strides = array<i32>} : memref<1040xi32, #tpu.memory_space<vmem>>, vector<16xi32>,
            %jit3A_799 = arith.constant 1024 : i32
            %broadcast_in_dim3A_800 = vector.broadcast %jit3A_799 : i32 to vector<16xi32>
            %select_n3A_801 = arith.select %eq3A_794, %get3A_798, %broadcast_in_dim3A_800 : vector<16xi1>, vector<16xi32>
            %min3A_802 = arith.minsi %while3A_789, %select_n3A_801 : vector<16xi32>
            scf.yield %min3A_802 : vector<16xi32>
          }
          %reduce_min3A_585 = arith.constant true
          %reduce_min3A_586 = vector.broadcast %reduce_min3A_585 : i1 to vector<16xi1>
          %reduce_min3A_587 = arith.constant -2147483648 : i32
          %reduce_min3A_588 = vector.broadcast %reduce_min3A_587 : i32 to vector<16xi32>
          %reduce_min3A_589 = arith.xori %while3A_584, %reduce_min3A_588 : vector<16xi32>
          %reduce_min3A_590 = tpu.scan <min>, %reduce_min3A_589 masked %reduce_min3A_586 : vector<16xi32>, vector<16xi1> -> vector<16xi32>
          %reduce_min3A_591 = arith.xori %reduce_min3A_590, %reduce_min3A_588 : vector<16xi32>
          %reduce_min3A_592 = vector.extract %reduce_min3A_591[15] : i32 from vector<16xi32>
          %broadcast_in_dim3A_593 = vector.broadcast %reduce_min3A_592 : i32 to vector<16xi32>
          %while3A_594 = arith.constant 0 : i32
          %while3A_595 = arith.constant 0 : i32
          %while3A_596 = arith.subi %select_n3A_310, %while3A_594 : i32
          %while3A_597 = arith.addi %while3A_594, %while3A_596 : i32
          %while3A_598 = arith.constant 1 : i32
          %while3A_599 = arith.divsi %while3A_596, %while3A_598 : i32
          %while3A_600 = arith.muli %while3A_599, %while3A_598 : i32
          %while3A_601 = arith.addi %while3A_594, %while3A_600 : i32
          %while3A_602 = arith.constant 1 : i32
          %while3A_603 = scf.for %while3A_788 = %while3A_594 to %while3A_601 step %while3A_602 iter_args(%while3A_789 = %while3A_595) -> (i32)  : i32 {
            %mul3A_790 = arith.constant 16 : i32
            %mul3A_791 = arith.muli %while3A_788, %mul3A_790 : i32
            %get3A_792 = arith.index_cast %mul3A_791 : i32 to index
            %get3A_793 = tpu.vector_load %arg9[%get3A_792] {strides = array<i32>} : memref<1040xi32, #tpu.memory_space<vmem>>, vector<16xi32>,
            %eq3A_794 = arith.cmpi eq, %get3A_793, %broadcast_in_dim3A_593 : vector<16xi32>
            %mul3A_795 = arith.constant 16 : i32
            %mul3A_796 = arith.muli %while3A_788, %mul3A_795 : i32
            %add3A_797 = vector.broadcast %mul3A_796 : i32 to vector<16xi32>
            %add3A_798 = arith.addi %iota3A, %add3A_797 : vector<16xi32>
            tpu.vector_store_idx %arg10[%add3A_798], %broadcast_in_dim3A_6 masked %eq3A_794 : memref<1040xf32, #tpu.memory_space<vmem>>[vector<16xi32>], vector<16xf32>, vector<16xi1>
            %while3A_799 = arith.constant 0 : i32
            scf.yield %while3A_799 : i32
          }
          %while3A_604 = arith.constant 1 : i32
          %while3A_605 = scf.for %while3A_788 = %while3A_601 to %while3A_597 step %while3A_604 iter_args(%while3A_789 = %while3A_603) -> (i32)  : i32 {
            %mul3A_790 = arith.constant 16 : i32
            %mul3A_791 = arith.muli %while3A_788, %mul3A_790 : i32
            %get3A_792 = arith.index_cast %mul3A_791 : i32 to index
            %get3A_793 = tpu.vector_load %arg9[%get3A_792] {strides = array<i32>} : memref<1040xi32, #tpu.memory_space<vmem>>, vector<16xi32>,
            %eq3A_794 = arith.cmpi eq, %get3A_793, %broadcast_in_dim3A_593 : vector<16xi32>
            %mul3A_795 = arith.constant 16 : i32
            %mul3A_796 = arith.muli %while3A_788, %mul3A_795 : i32
            %add3A_797 = vector.broadcast %mul3A_796 : i32 to vector<16xi32>
            %add3A_798 = arith.addi %iota3A, %add3A_797 : vector<16xi32>
            tpu.vector_store_idx %arg10[%add3A_798], %broadcast_in_dim3A_6 masked %eq3A_794 : memref<1040xf32, #tpu.memory_space<vmem>>[vector<16xi32>], vector<16xf32>, vector<16xi1>
            %while3A_799 = arith.constant 0 : i32
            scf.yield %while3A_799 : i32
          }
          %eq3A_606 = arith.constant 4 : i32
          %eq3A_607 = vector.broadcast %eq3A_606 : i32 to vector<16xi32>
          %eq3A_608 = arith.cmpi eq, %iota3A, %eq3A_607 : vector<16xi32>
          %select_n3A_609 = arith.select %eq3A_608, %broadcast_in_dim3A_571, %select_n3A_551 : vector<16xi1>, vector<16xf32>
          %eq3A_610 = arith.constant 4 : i32
          %eq3A_611 = vector.broadcast %eq3A_610 : i32 to vector<16xi32>
          %eq3A_612 = arith.cmpi eq, %iota3A, %eq3A_611 : vector<16xi32>
          %select_n3A_613 = arith.select %eq3A_612, %broadcast_in_dim3A_593, %select_n3A_555 : vector<16xi1>, vector<16xi32>
          %while3A_614 = arith.constant 0 : i32
          %while3A_615 = arith.subi %select_n3A_310, %while3A_614 : i32
          %while3A_616 = arith.addi %while3A_614, %while3A_615 : i32
          %while3A_617 = arith.constant 1 : i32
          %while3A_618 = arith.divsi %while3A_615, %while3A_617 : i32
          %while3A_619 = arith.muli %while3A_618, %while3A_617 : i32
          %while3A_620 = arith.addi %while3A_614, %while3A_619 : i32
          %while3A_621 = arith.constant 1 : i32
          %while3A_622 = scf.for %while3A_788 = %while3A_614 to %while3A_620 step %while3A_621 iter_args(%while3A_789 = %broadcast_in_dim3A_6) -> (vector<16xf32>)  : i32 {
            %mul3A_790 = arith.constant 16 : i32
            %mul3A_791 = arith.muli %while3A_788, %mul3A_790 : i32
            %get3A_792 = arith.index_cast %mul3A_791 : i32 to index
            %get3A_793 = tpu.vector_load %arg10[%get3A_792] {strides = array<i32>} : memref<1040xf32, #tpu.memory_space<vmem>>, vector<16xf32>,
            %min3A_794 = arith.minimumf %while3A_789, %get3A_793 : vector<16xf32>
            scf.yield %min3A_794 : vector<16xf32>
          }
          %while3A_623 = arith.constant 1 : i32
          %while3A_624 = scf.for %while3A_788 = %while3A_620 to %while3A_616 step %while3A_623 iter_args(%while3A_789 = %while3A_622) -> (vector<16xf32>)  : i32 {
            %mul3A_790 = arith.constant 16 : i32
            %mul3A_791 = arith.muli %while3A_788, %mul3A_790 : i32
            %get3A_792 = arith.index_cast %mul3A_791 : i32 to index
            %get3A_793 = tpu.vector_load %arg10[%get3A_792] {strides = array<i32>} : memref<1040xf32, #tpu.memory_space<vmem>>, vector<16xf32>,
            %min3A_794 = arith.minimumf %while3A_789, %get3A_793 : vector<16xf32>
            scf.yield %min3A_794 : vector<16xf32>
          }
          %reduce_min3A_625 = arith.constant true
          %reduce_min3A_626 = vector.broadcast %reduce_min3A_625 : i1 to vector<16xi1>
          %reduce_min3A_627 = tpu.scan <min>, %while3A_624 masked %reduce_min3A_626 : vector<16xf32>, vector<16xi1> -> vector<16xf32>
          %reduce_min3A_628 = vector.extract %reduce_min3A_627[15] : f32 from vector<16xf32>
          %broadcast_in_dim3A_629 = vector.broadcast %reduce_min3A_628 : f32 to vector<16xf32>
          %broadcast_in_dim3A_630 = arith.constant 1024 : i32
          %broadcast_in_dim3A_631 = vector.broadcast %broadcast_in_dim3A_630 : i32 to vector<16xi32>
          %while3A_632 = arith.constant 0 : i32
          %while3A_633 = arith.subi %select_n3A_310, %while3A_632 : i32
          %while3A_634 = arith.addi %while3A_632, %while3A_633 : i32
          %while3A_635 = arith.constant 1 : i32
          %while3A_636 = arith.divsi %while3A_633, %while3A_635 : i32
          %while3A_637 = arith.muli %while3A_636, %while3A_635 : i32
          %while3A_638 = arith.addi %while3A_632, %while3A_637 : i32
          %while3A_639 = arith.constant 1 : i32
          %while3A_640 = scf.for %while3A_788 = %while3A_632 to %while3A_638 step %while3A_639 iter_args(%while3A_789 = %broadcast_in_dim3A_631) -> (vector<16xi32>)  : i32 {
            %mul3A_790 = arith.constant 16 : i32
            %mul3A_791 = arith.muli %while3A_788, %mul3A_790 : i32
            %get3A_792 = arith.index_cast %mul3A_791 : i32 to index
            %get3A_793 = tpu.vector_load %arg10[%get3A_792] {strides = array<i32>} : memref<1040xf32, #tpu.memory_space<vmem>>, vector<16xf32>,
            %eq3A_794 = arith.cmpf oeq, %get3A_793, %broadcast_in_dim3A_629 : vector<16xf32>
            %mul3A_795 = arith.constant 16 : i32
            %mul3A_796 = arith.muli %while3A_788, %mul3A_795 : i32
            %get3A_797 = arith.index_cast %mul3A_796 : i32 to index
            %get3A_798 = tpu.vector_load %arg9[%get3A_797] {strides = array<i32>} : memref<1040xi32, #tpu.memory_space<vmem>>, vector<16xi32>,
            %jit3A_799 = arith.constant 1024 : i32
            %broadcast_in_dim3A_800 = vector.broadcast %jit3A_799 : i32 to vector<16xi32>
            %select_n3A_801 = arith.select %eq3A_794, %get3A_798, %broadcast_in_dim3A_800 : vector<16xi1>, vector<16xi32>
            %min3A_802 = arith.minsi %while3A_789, %select_n3A_801 : vector<16xi32>
            scf.yield %min3A_802 : vector<16xi32>
          }
          %while3A_641 = arith.constant 1 : i32
          %while3A_642 = scf.for %while3A_788 = %while3A_638 to %while3A_634 step %while3A_641 iter_args(%while3A_789 = %while3A_640) -> (vector<16xi32>)  : i32 {
            %mul3A_790 = arith.constant 16 : i32
            %mul3A_791 = arith.muli %while3A_788, %mul3A_790 : i32
            %get3A_792 = arith.index_cast %mul3A_791 : i32 to index
            %get3A_793 = tpu.vector_load %arg10[%get3A_792] {strides = array<i32>} : memref<1040xf32, #tpu.memory_space<vmem>>, vector<16xf32>,
            %eq3A_794 = arith.cmpf oeq, %get3A_793, %broadcast_in_dim3A_629 : vector<16xf32>
            %mul3A_795 = arith.constant 16 : i32
            %mul3A_796 = arith.muli %while3A_788, %mul3A_795 : i32
            %get3A_797 = arith.index_cast %mul3A_796 : i32 to index
            %get3A_798 = tpu.vector_load %arg9[%get3A_797] {strides = array<i32>} : memref<1040xi32, #tpu.memory_space<vmem>>, vector<16xi32>,
            %jit3A_799 = arith.constant 1024 : i32
            %broadcast_in_dim3A_800 = vector.broadcast %jit3A_799 : i32 to vector<16xi32>
            %select_n3A_801 = arith.select %eq3A_794, %get3A_798, %broadcast_in_dim3A_800 : vector<16xi1>, vector<16xi32>
            %min3A_802 = arith.minsi %while3A_789, %select_n3A_801 : vector<16xi32>
            scf.yield %min3A_802 : vector<16xi32>
          }
          %reduce_min3A_643 = arith.constant true
          %reduce_min3A_644 = vector.broadcast %reduce_min3A_643 : i1 to vector<16xi1>
          %reduce_min3A_645 = arith.constant -2147483648 : i32
          %reduce_min3A_646 = vector.broadcast %reduce_min3A_645 : i32 to vector<16xi32>
          %reduce_min3A_647 = arith.xori %while3A_642, %reduce_min3A_646 : vector<16xi32>
          %reduce_min3A_648 = tpu.scan <min>, %reduce_min3A_647 masked %reduce_min3A_644 : vector<16xi32>, vector<16xi1> -> vector<16xi32>
          %reduce_min3A_649 = arith.xori %reduce_min3A_648, %reduce_min3A_646 : vector<16xi32>
          %reduce_min3A_650 = vector.extract %reduce_min3A_649[15] : i32 from vector<16xi32>
          %broadcast_in_dim3A_651 = vector.broadcast %reduce_min3A_650 : i32 to vector<16xi32>
          %while3A_652 = arith.constant 0 : i32
          %while3A_653 = arith.constant 0 : i32
          %while3A_654 = arith.subi %select_n3A_310, %while3A_652 : i32
          %while3A_655 = arith.addi %while3A_652, %while3A_654 : i32
          %while3A_656 = arith.constant 1 : i32
          %while3A_657 = arith.divsi %while3A_654, %while3A_656 : i32
          %while3A_658 = arith.muli %while3A_657, %while3A_656 : i32
          %while3A_659 = arith.addi %while3A_652, %while3A_658 : i32
          %while3A_660 = arith.constant 1 : i32
          %while3A_661 = scf.for %while3A_788 = %while3A_652 to %while3A_659 step %while3A_660 iter_args(%while3A_789 = %while3A_653) -> (i32)  : i32 {
            %mul3A_790 = arith.constant 16 : i32
            %mul3A_791 = arith.muli %while3A_788, %mul3A_790 : i32
            %get3A_792 = arith.index_cast %mul3A_791 : i32 to index
            %get3A_793 = tpu.vector_load %arg9[%get3A_792] {strides = array<i32>} : memref<1040xi32, #tpu.memory_space<vmem>>, vector<16xi32>,
            %eq3A_794 = arith.cmpi eq, %get3A_793, %broadcast_in_dim3A_651 : vector<16xi32>
            %mul3A_795 = arith.constant 16 : i32
            %mul3A_796 = arith.muli %while3A_788, %mul3A_795 : i32
            %add3A_797 = vector.broadcast %mul3A_796 : i32 to vector<16xi32>
            %add3A_798 = arith.addi %iota3A, %add3A_797 : vector<16xi32>
            tpu.vector_store_idx %arg10[%add3A_798], %broadcast_in_dim3A_6 masked %eq3A_794 : memref<1040xf32, #tpu.memory_space<vmem>>[vector<16xi32>], vector<16xf32>, vector<16xi1>
            %while3A_799 = arith.constant 0 : i32
            scf.yield %while3A_799 : i32
          }
          %while3A_662 = arith.constant 1 : i32
          %while3A_663 = scf.for %while3A_788 = %while3A_659 to %while3A_655 step %while3A_662 iter_args(%while3A_789 = %while3A_661) -> (i32)  : i32 {
            %mul3A_790 = arith.constant 16 : i32
            %mul3A_791 = arith.muli %while3A_788, %mul3A_790 : i32
            %get3A_792 = arith.index_cast %mul3A_791 : i32 to index
            %get3A_793 = tpu.vector_load %arg9[%get3A_792] {strides = array<i32>} : memref<1040xi32, #tpu.memory_space<vmem>>, vector<16xi32>,
            %eq3A_794 = arith.cmpi eq, %get3A_793, %broadcast_in_dim3A_651 : vector<16xi32>
            %mul3A_795 = arith.constant 16 : i32
            %mul3A_796 = arith.muli %while3A_788, %mul3A_795 : i32
            %add3A_797 = vector.broadcast %mul3A_796 : i32 to vector<16xi32>
            %add3A_798 = arith.addi %iota3A, %add3A_797 : vector<16xi32>
            tpu.vector_store_idx %arg10[%add3A_798], %broadcast_in_dim3A_6 masked %eq3A_794 : memref<1040xf32, #tpu.memory_space<vmem>>[vector<16xi32>], vector<16xf32>, vector<16xi1>
            %while3A_799 = arith.constant 0 : i32
            scf.yield %while3A_799 : i32
          }
          %eq3A_664 = arith.constant 5 : i32
          %eq3A_665 = vector.broadcast %eq3A_664 : i32 to vector<16xi32>
          %eq3A_666 = arith.cmpi eq, %iota3A, %eq3A_665 : vector<16xi32>
          %select_n3A_667 = arith.select %eq3A_666, %broadcast_in_dim3A_629, %select_n3A_609 : vector<16xi1>, vector<16xf32>
          %eq3A_668 = arith.constant 5 : i32
          %eq3A_669 = vector.broadcast %eq3A_668 : i32 to vector<16xi32>
          %eq3A_670 = arith.cmpi eq, %iota3A, %eq3A_669 : vector<16xi32>
          %select_n3A_671 = arith.select %eq3A_670, %broadcast_in_dim3A_651, %select_n3A_613 : vector<16xi1>, vector<16xi32>
          %while3A_672 = arith.constant 0 : i32
          %while3A_673 = arith.subi %select_n3A_310, %while3A_672 : i32
          %while3A_674 = arith.addi %while3A_672, %while3A_673 : i32
          %while3A_675 = arith.constant 1 : i32
          %while3A_676 = arith.divsi %while3A_673, %while3A_675 : i32
          %while3A_677 = arith.muli %while3A_676, %while3A_675 : i32
          %while3A_678 = arith.addi %while3A_672, %while3A_677 : i32
          %while3A_679 = arith.constant 1 : i32
          %while3A_680 = scf.for %while3A_788 = %while3A_672 to %while3A_678 step %while3A_679 iter_args(%while3A_789 = %broadcast_in_dim3A_6) -> (vector<16xf32>)  : i32 {
            %mul3A_790 = arith.constant 16 : i32
            %mul3A_791 = arith.muli %while3A_788, %mul3A_790 : i32
            %get3A_792 = arith.index_cast %mul3A_791 : i32 to index
            %get3A_793 = tpu.vector_load %arg10[%get3A_792] {strides = array<i32>} : memref<1040xf32, #tpu.memory_space<vmem>>, vector<16xf32>,
            %min3A_794 = arith.minimumf %while3A_789, %get3A_793 : vector<16xf32>
            scf.yield %min3A_794 : vector<16xf32>
          }
          %while3A_681 = arith.constant 1 : i32
          %while3A_682 = scf.for %while3A_788 = %while3A_678 to %while3A_674 step %while3A_681 iter_args(%while3A_789 = %while3A_680) -> (vector<16xf32>)  : i32 {
            %mul3A_790 = arith.constant 16 : i32
            %mul3A_791 = arith.muli %while3A_788, %mul3A_790 : i32
            %get3A_792 = arith.index_cast %mul3A_791 : i32 to index
            %get3A_793 = tpu.vector_load %arg10[%get3A_792] {strides = array<i32>} : memref<1040xf32, #tpu.memory_space<vmem>>, vector<16xf32>,
            %min3A_794 = arith.minimumf %while3A_789, %get3A_793 : vector<16xf32>
            scf.yield %min3A_794 : vector<16xf32>
          }
          %reduce_min3A_683 = arith.constant true
          %reduce_min3A_684 = vector.broadcast %reduce_min3A_683 : i1 to vector<16xi1>
          %reduce_min3A_685 = tpu.scan <min>, %while3A_682 masked %reduce_min3A_684 : vector<16xf32>, vector<16xi1> -> vector<16xf32>
          %reduce_min3A_686 = vector.extract %reduce_min3A_685[15] : f32 from vector<16xf32>
          %broadcast_in_dim3A_687 = vector.broadcast %reduce_min3A_686 : f32 to vector<16xf32>
          %broadcast_in_dim3A_688 = arith.constant 1024 : i32
          %broadcast_in_dim3A_689 = vector.broadcast %broadcast_in_dim3A_688 : i32 to vector<16xi32>
          %while3A_690 = arith.constant 0 : i32
          %while3A_691 = arith.subi %select_n3A_310, %while3A_690 : i32
          %while3A_692 = arith.addi %while3A_690, %while3A_691 : i32
          %while3A_693 = arith.constant 1 : i32
          %while3A_694 = arith.divsi %while3A_691, %while3A_693 : i32
          %while3A_695 = arith.muli %while3A_694, %while3A_693 : i32
          %while3A_696 = arith.addi %while3A_690, %while3A_695 : i32
          %while3A_697 = arith.constant 1 : i32
          %while3A_698 = scf.for %while3A_788 = %while3A_690 to %while3A_696 step %while3A_697 iter_args(%while3A_789 = %broadcast_in_dim3A_689) -> (vector<16xi32>)  : i32 {
            %mul3A_790 = arith.constant 16 : i32
            %mul3A_791 = arith.muli %while3A_788, %mul3A_790 : i32
            %get3A_792 = arith.index_cast %mul3A_791 : i32 to index
            %get3A_793 = tpu.vector_load %arg10[%get3A_792] {strides = array<i32>} : memref<1040xf32, #tpu.memory_space<vmem>>, vector<16xf32>,
            %eq3A_794 = arith.cmpf oeq, %get3A_793, %broadcast_in_dim3A_687 : vector<16xf32>
            %mul3A_795 = arith.constant 16 : i32
            %mul3A_796 = arith.muli %while3A_788, %mul3A_795 : i32
            %get3A_797 = arith.index_cast %mul3A_796 : i32 to index
            %get3A_798 = tpu.vector_load %arg9[%get3A_797] {strides = array<i32>} : memref<1040xi32, #tpu.memory_space<vmem>>, vector<16xi32>,
            %jit3A_799 = arith.constant 1024 : i32
            %broadcast_in_dim3A_800 = vector.broadcast %jit3A_799 : i32 to vector<16xi32>
            %select_n3A_801 = arith.select %eq3A_794, %get3A_798, %broadcast_in_dim3A_800 : vector<16xi1>, vector<16xi32>
            %min3A_802 = arith.minsi %while3A_789, %select_n3A_801 : vector<16xi32>
            scf.yield %min3A_802 : vector<16xi32>
          }
          %while3A_699 = arith.constant 1 : i32
          %while3A_700 = scf.for %while3A_788 = %while3A_696 to %while3A_692 step %while3A_699 iter_args(%while3A_789 = %while3A_698) -> (vector<16xi32>)  : i32 {
            %mul3A_790 = arith.constant 16 : i32
            %mul3A_791 = arith.muli %while3A_788, %mul3A_790 : i32
            %get3A_792 = arith.index_cast %mul3A_791 : i32 to index
            %get3A_793 = tpu.vector_load %arg10[%get3A_792] {strides = array<i32>} : memref<1040xf32, #tpu.memory_space<vmem>>, vector<16xf32>,
            %eq3A_794 = arith.cmpf oeq, %get3A_793, %broadcast_in_dim3A_687 : vector<16xf32>
            %mul3A_795 = arith.constant 16 : i32
            %mul3A_796 = arith.muli %while3A_788, %mul3A_795 : i32
            %get3A_797 = arith.index_cast %mul3A_796 : i32 to index
            %get3A_798 = tpu.vector_load %arg9[%get3A_797] {strides = array<i32>} : memref<1040xi32, #tpu.memory_space<vmem>>, vector<16xi32>,
            %jit3A_799 = arith.constant 1024 : i32
            %broadcast_in_dim3A_800 = vector.broadcast %jit3A_799 : i32 to vector<16xi32>
            %select_n3A_801 = arith.select %eq3A_794, %get3A_798, %broadcast_in_dim3A_800 : vector<16xi1>, vector<16xi32>
            %min3A_802 = arith.minsi %while3A_789, %select_n3A_801 : vector<16xi32>
            scf.yield %min3A_802 : vector<16xi32>
          }
          %reduce_min3A_701 = arith.constant true
          %reduce_min3A_702 = vector.broadcast %reduce_min3A_701 : i1 to vector<16xi1>
          %reduce_min3A_703 = arith.constant -2147483648 : i32
          %reduce_min3A_704 = vector.broadcast %reduce_min3A_703 : i32 to vector<16xi32>
          %reduce_min3A_705 = arith.xori %while3A_700, %reduce_min3A_704 : vector<16xi32>
          %reduce_min3A_706 = tpu.scan <min>, %reduce_min3A_705 masked %reduce_min3A_702 : vector<16xi32>, vector<16xi1> -> vector<16xi32>
          %reduce_min3A_707 = arith.xori %reduce_min3A_706, %reduce_min3A_704 : vector<16xi32>
          %reduce_min3A_708 = vector.extract %reduce_min3A_707[15] : i32 from vector<16xi32>
          %broadcast_in_dim3A_709 = vector.broadcast %reduce_min3A_708 : i32 to vector<16xi32>
          %while3A_710 = arith.constant 0 : i32
          %while3A_711 = arith.constant 0 : i32
          %while3A_712 = arith.subi %select_n3A_310, %while3A_710 : i32
          %while3A_713 = arith.addi %while3A_710, %while3A_712 : i32
          %while3A_714 = arith.constant 1 : i32
          %while3A_715 = arith.divsi %while3A_712, %while3A_714 : i32
          %while3A_716 = arith.muli %while3A_715, %while3A_714 : i32
          %while3A_717 = arith.addi %while3A_710, %while3A_716 : i32
          %while3A_718 = arith.constant 1 : i32
          %while3A_719 = scf.for %while3A_788 = %while3A_710 to %while3A_717 step %while3A_718 iter_args(%while3A_789 = %while3A_711) -> (i32)  : i32 {
            %mul3A_790 = arith.constant 16 : i32
            %mul3A_791 = arith.muli %while3A_788, %mul3A_790 : i32
            %get3A_792 = arith.index_cast %mul3A_791 : i32 to index
            %get3A_793 = tpu.vector_load %arg9[%get3A_792] {strides = array<i32>} : memref<1040xi32, #tpu.memory_space<vmem>>, vector<16xi32>,
            %eq3A_794 = arith.cmpi eq, %get3A_793, %broadcast_in_dim3A_709 : vector<16xi32>
            %mul3A_795 = arith.constant 16 : i32
            %mul3A_796 = arith.muli %while3A_788, %mul3A_795 : i32
            %add3A_797 = vector.broadcast %mul3A_796 : i32 to vector<16xi32>
            %add3A_798 = arith.addi %iota3A, %add3A_797 : vector<16xi32>
            tpu.vector_store_idx %arg10[%add3A_798], %broadcast_in_dim3A_6 masked %eq3A_794 : memref<1040xf32, #tpu.memory_space<vmem>>[vector<16xi32>], vector<16xf32>, vector<16xi1>
            %while3A_799 = arith.constant 0 : i32
            scf.yield %while3A_799 : i32
          }
          %while3A_720 = arith.constant 1 : i32
          %while3A_721 = scf.for %while3A_788 = %while3A_717 to %while3A_713 step %while3A_720 iter_args(%while3A_789 = %while3A_719) -> (i32)  : i32 {
            %mul3A_790 = arith.constant 16 : i32
            %mul3A_791 = arith.muli %while3A_788, %mul3A_790 : i32
            %get3A_792 = arith.index_cast %mul3A_791 : i32 to index
            %get3A_793 = tpu.vector_load %arg9[%get3A_792] {strides = array<i32>} : memref<1040xi32, #tpu.memory_space<vmem>>, vector<16xi32>,
            %eq3A_794 = arith.cmpi eq, %get3A_793, %broadcast_in_dim3A_709 : vector<16xi32>
            %mul3A_795 = arith.constant 16 : i32
            %mul3A_796 = arith.muli %while3A_788, %mul3A_795 : i32
            %add3A_797 = vector.broadcast %mul3A_796 : i32 to vector<16xi32>
            %add3A_798 = arith.addi %iota3A, %add3A_797 : vector<16xi32>
            tpu.vector_store_idx %arg10[%add3A_798], %broadcast_in_dim3A_6 masked %eq3A_794 : memref<1040xf32, #tpu.memory_space<vmem>>[vector<16xi32>], vector<16xf32>, vector<16xi1>
            %while3A_799 = arith.constant 0 : i32
            scf.yield %while3A_799 : i32
          }
          %eq3A_722 = arith.constant 6 : i32
          %eq3A_723 = vector.broadcast %eq3A_722 : i32 to vector<16xi32>
          %eq3A_724 = arith.cmpi eq, %iota3A, %eq3A_723 : vector<16xi32>
          %select_n3A_725 = arith.select %eq3A_724, %broadcast_in_dim3A_687, %select_n3A_667 : vector<16xi1>, vector<16xf32>
          %eq3A_726 = arith.constant 6 : i32
          %eq3A_727 = vector.broadcast %eq3A_726 : i32 to vector<16xi32>
          %eq3A_728 = arith.cmpi eq, %iota3A, %eq3A_727 : vector<16xi32>
          %select_n3A_729 = arith.select %eq3A_728, %broadcast_in_dim3A_709, %select_n3A_671 : vector<16xi1>, vector<16xi32>
          %while3A_730 = arith.constant 0 : i32
          %while3A_731 = arith.subi %select_n3A_310, %while3A_730 : i32
          %while3A_732 = arith.addi %while3A_730, %while3A_731 : i32
          %while3A_733 = arith.constant 1 : i32
          %while3A_734 = arith.divsi %while3A_731, %while3A_733 : i32
          %while3A_735 = arith.muli %while3A_734, %while3A_733 : i32
          %while3A_736 = arith.addi %while3A_730, %while3A_735 : i32
          %while3A_737 = arith.constant 1 : i32
          %while3A_738 = scf.for %while3A_788 = %while3A_730 to %while3A_736 step %while3A_737 iter_args(%while3A_789 = %broadcast_in_dim3A_6) -> (vector<16xf32>)  : i32 {
            %mul3A_790 = arith.constant 16 : i32
            %mul3A_791 = arith.muli %while3A_788, %mul3A_790 : i32
            %get3A_792 = arith.index_cast %mul3A_791 : i32 to index
            %get3A_793 = tpu.vector_load %arg10[%get3A_792] {strides = array<i32>} : memref<1040xf32, #tpu.memory_space<vmem>>, vector<16xf32>,
            %min3A_794 = arith.minimumf %while3A_789, %get3A_793 : vector<16xf32>
            scf.yield %min3A_794 : vector<16xf32>
          }
          %while3A_739 = arith.constant 1 : i32
          %while3A_740 = scf.for %while3A_788 = %while3A_736 to %while3A_732 step %while3A_739 iter_args(%while3A_789 = %while3A_738) -> (vector<16xf32>)  : i32 {
            %mul3A_790 = arith.constant 16 : i32
            %mul3A_791 = arith.muli %while3A_788, %mul3A_790 : i32
            %get3A_792 = arith.index_cast %mul3A_791 : i32 to index
            %get3A_793 = tpu.vector_load %arg10[%get3A_792] {strides = array<i32>} : memref<1040xf32, #tpu.memory_space<vmem>>, vector<16xf32>,
            %min3A_794 = arith.minimumf %while3A_789, %get3A_793 : vector<16xf32>
            scf.yield %min3A_794 : vector<16xf32>
          }
          %reduce_min3A_741 = arith.constant true
          %reduce_min3A_742 = vector.broadcast %reduce_min3A_741 : i1 to vector<16xi1>
          %reduce_min3A_743 = tpu.scan <min>, %while3A_740 masked %reduce_min3A_742 : vector<16xf32>, vector<16xi1> -> vector<16xf32>
          %reduce_min3A_744 = vector.extract %reduce_min3A_743[15] : f32 from vector<16xf32>
          %broadcast_in_dim3A_745 = vector.broadcast %reduce_min3A_744 : f32 to vector<16xf32>
          %broadcast_in_dim3A_746 = arith.constant 1024 : i32
          %broadcast_in_dim3A_747 = vector.broadcast %broadcast_in_dim3A_746 : i32 to vector<16xi32>
          %while3A_748 = arith.constant 0 : i32
          %while3A_749 = arith.subi %select_n3A_310, %while3A_748 : i32
          %while3A_750 = arith.addi %while3A_748, %while3A_749 : i32
          %while3A_751 = arith.constant 1 : i32
          %while3A_752 = arith.divsi %while3A_749, %while3A_751 : i32
          %while3A_753 = arith.muli %while3A_752, %while3A_751 : i32
          %while3A_754 = arith.addi %while3A_748, %while3A_753 : i32
          %while3A_755 = arith.constant 1 : i32
          %while3A_756 = scf.for %while3A_788 = %while3A_748 to %while3A_754 step %while3A_755 iter_args(%while3A_789 = %broadcast_in_dim3A_747) -> (vector<16xi32>)  : i32 {
            %mul3A_790 = arith.constant 16 : i32
            %mul3A_791 = arith.muli %while3A_788, %mul3A_790 : i32
            %get3A_792 = arith.index_cast %mul3A_791 : i32 to index
            %get3A_793 = tpu.vector_load %arg10[%get3A_792] {strides = array<i32>} : memref<1040xf32, #tpu.memory_space<vmem>>, vector<16xf32>,
            %eq3A_794 = arith.cmpf oeq, %get3A_793, %broadcast_in_dim3A_745 : vector<16xf32>
            %mul3A_795 = arith.constant 16 : i32
            %mul3A_796 = arith.muli %while3A_788, %mul3A_795 : i32
            %get3A_797 = arith.index_cast %mul3A_796 : i32 to index
            %get3A_798 = tpu.vector_load %arg9[%get3A_797] {strides = array<i32>} : memref<1040xi32, #tpu.memory_space<vmem>>, vector<16xi32>,
            %jit3A_799 = arith.constant 1024 : i32
            %broadcast_in_dim3A_800 = vector.broadcast %jit3A_799 : i32 to vector<16xi32>
            %select_n3A_801 = arith.select %eq3A_794, %get3A_798, %broadcast_in_dim3A_800 : vector<16xi1>, vector<16xi32>
            %min3A_802 = arith.minsi %while3A_789, %select_n3A_801 : vector<16xi32>
            scf.yield %min3A_802 : vector<16xi32>
          }
          %while3A_757 = arith.constant 1 : i32
          %while3A_758 = scf.for %while3A_788 = %while3A_754 to %while3A_750 step %while3A_757 iter_args(%while3A_789 = %while3A_756) -> (vector<16xi32>)  : i32 {
            %mul3A_790 = arith.constant 16 : i32
            %mul3A_791 = arith.muli %while3A_788, %mul3A_790 : i32
            %get3A_792 = arith.index_cast %mul3A_791 : i32 to index
            %get3A_793 = tpu.vector_load %arg10[%get3A_792] {strides = array<i32>} : memref<1040xf32, #tpu.memory_space<vmem>>, vector<16xf32>,
            %eq3A_794 = arith.cmpf oeq, %get3A_793, %broadcast_in_dim3A_745 : vector<16xf32>
            %mul3A_795 = arith.constant 16 : i32
            %mul3A_796 = arith.muli %while3A_788, %mul3A_795 : i32
            %get3A_797 = arith.index_cast %mul3A_796 : i32 to index
            %get3A_798 = tpu.vector_load %arg9[%get3A_797] {strides = array<i32>} : memref<1040xi32, #tpu.memory_space<vmem>>, vector<16xi32>,
            %jit3A_799 = arith.constant 1024 : i32
            %broadcast_in_dim3A_800 = vector.broadcast %jit3A_799 : i32 to vector<16xi32>
            %select_n3A_801 = arith.select %eq3A_794, %get3A_798, %broadcast_in_dim3A_800 : vector<16xi1>, vector<16xi32>
            %min3A_802 = arith.minsi %while3A_789, %select_n3A_801 : vector<16xi32>
            scf.yield %min3A_802 : vector<16xi32>
          }
          %reduce_min3A_759 = arith.constant true
          %reduce_min3A_760 = vector.broadcast %reduce_min3A_759 : i1 to vector<16xi1>
          %reduce_min3A_761 = arith.constant -2147483648 : i32
          %reduce_min3A_762 = vector.broadcast %reduce_min3A_761 : i32 to vector<16xi32>
          %reduce_min3A_763 = arith.xori %while3A_758, %reduce_min3A_762 : vector<16xi32>
          %reduce_min3A_764 = tpu.scan <min>, %reduce_min3A_763 masked %reduce_min3A_760 : vector<16xi32>, vector<16xi1> -> vector<16xi32>
          %reduce_min3A_765 = arith.xori %reduce_min3A_764, %reduce_min3A_762 : vector<16xi32>
          %reduce_min3A_766 = vector.extract %reduce_min3A_765[15] : i32 from vector<16xi32>
          %broadcast_in_dim3A_767 = vector.broadcast %reduce_min3A_766 : i32 to vector<16xi32>
          %while3A_768 = arith.constant 0 : i32
          %while3A_769 = arith.constant 0 : i32
          %while3A_770 = arith.subi %select_n3A_310, %while3A_768 : i32
          %while3A_771 = arith.addi %while3A_768, %while3A_770 : i32
          %while3A_772 = arith.constant 1 : i32
          %while3A_773 = arith.divsi %while3A_770, %while3A_772 : i32
          %while3A_774 = arith.muli %while3A_773, %while3A_772 : i32
          %while3A_775 = arith.addi %while3A_768, %while3A_774 : i32
          %while3A_776 = arith.constant 1 : i32
          %while3A_777 = scf.for %while3A_788 = %while3A_768 to %while3A_775 step %while3A_776 iter_args(%while3A_789 = %while3A_769) -> (i32)  : i32 {
            %mul3A_790 = arith.constant 16 : i32
            %mul3A_791 = arith.muli %while3A_788, %mul3A_790 : i32
            %get3A_792 = arith.index_cast %mul3A_791 : i32 to index
            %get3A_793 = tpu.vector_load %arg9[%get3A_792] {strides = array<i32>} : memref<1040xi32, #tpu.memory_space<vmem>>, vector<16xi32>,
            %eq3A_794 = arith.cmpi eq, %get3A_793, %broadcast_in_dim3A_767 : vector<16xi32>
            %mul3A_795 = arith.constant 16 : i32
            %mul3A_796 = arith.muli %while3A_788, %mul3A_795 : i32
            %add3A_797 = vector.broadcast %mul3A_796 : i32 to vector<16xi32>
            %add3A_798 = arith.addi %iota3A, %add3A_797 : vector<16xi32>
            tpu.vector_store_idx %arg10[%add3A_798], %broadcast_in_dim3A_6 masked %eq3A_794 : memref<1040xf32, #tpu.memory_space<vmem>>[vector<16xi32>], vector<16xf32>, vector<16xi1>
            %while3A_799 = arith.constant 0 : i32
            scf.yield %while3A_799 : i32
          }
          %while3A_778 = arith.constant 1 : i32
          %while3A_779 = scf.for %while3A_788 = %while3A_775 to %while3A_771 step %while3A_778 iter_args(%while3A_789 = %while3A_777) -> (i32)  : i32 {
            %mul3A_790 = arith.constant 16 : i32
            %mul3A_791 = arith.muli %while3A_788, %mul3A_790 : i32
            %get3A_792 = arith.index_cast %mul3A_791 : i32 to index
            %get3A_793 = tpu.vector_load %arg9[%get3A_792] {strides = array<i32>} : memref<1040xi32, #tpu.memory_space<vmem>>, vector<16xi32>,
            %eq3A_794 = arith.cmpi eq, %get3A_793, %broadcast_in_dim3A_767 : vector<16xi32>
            %mul3A_795 = arith.constant 16 : i32
            %mul3A_796 = arith.muli %while3A_788, %mul3A_795 : i32
            %add3A_797 = vector.broadcast %mul3A_796 : i32 to vector<16xi32>
            %add3A_798 = arith.addi %iota3A, %add3A_797 : vector<16xi32>
            tpu.vector_store_idx %arg10[%add3A_798], %broadcast_in_dim3A_6 masked %eq3A_794 : memref<1040xf32, #tpu.memory_space<vmem>>[vector<16xi32>], vector<16xf32>, vector<16xi1>
            %while3A_799 = arith.constant 0 : i32
            scf.yield %while3A_799 : i32
          }
          %eq3A_780 = arith.constant 7 : i32
          %eq3A_781 = vector.broadcast %eq3A_780 : i32 to vector<16xi32>
          %eq3A_782 = arith.cmpi eq, %iota3A, %eq3A_781 : vector<16xi32>
          %select_n3A_783 = arith.select %eq3A_782, %broadcast_in_dim3A_745, %select_n3A_725 : vector<16xi1>, vector<16xf32>
          %eq3A_784 = arith.constant 7 : i32
          %eq3A_785 = vector.broadcast %eq3A_784 : i32 to vector<16xi32>
          %eq3A_786 = arith.cmpi eq, %iota3A, %eq3A_785 : vector<16xi32>
          %select_n3A_787 = arith.select %eq3A_786, %broadcast_in_dim3A_767, %select_n3A_729 : vector<16xi1>, vector<16xi32>
          scf.yield %select_n3A_783, %select_n3A_787 : vector<16xf32>, vector<16xi32>
        }
        %slice3A_259 = vector.extract_strided_slice %cond3A_258#0 {offsets = [0], sizes = [1], strides = [1]} : vector<16xf32> to vector<1xf32>
        %squeeze3A_260 = vector.extract %slice3A_259[0] : f32 from vector<1xf32>
        %broadcast_in_dim3A_261 = vector.broadcast %squeeze3A_260 : f32 to vector<16xf32>
        %lt3A_262 = arith.constant 8 : i32
        %lt3A_263 = vector.broadcast %lt3A_262 : i32 to vector<16xi32>
        %lt3A_264 = arith.cmpi slt, %iota3A, %lt3A_263 : vector<16xi32>
        %sub3A_265 = arith.subf %broadcast_in_dim3A_261, %cond3A_258#0 : vector<16xf32>
        %exp3A = math.exp %sub3A_265 : vector<16xf32>
        %jit3A_266 = arith.constant 0.000000e+00 : f32
        %broadcast_in_dim3A_267 = vector.broadcast %jit3A_266 : f32 to vector<16xf32>
        %select_n3A_268 = arith.select %lt3A_264, %exp3A, %broadcast_in_dim3A_267 : vector<16xi1>, vector<16xf32>
        %reduce_sum3A = arith.constant true
        %reduce_sum3A_269 = vector.broadcast %reduce_sum3A : i1 to vector<16xi1>
        %reduce_sum3A_270 = tpu.scan <sum>, %select_n3A_268 masked %reduce_sum3A_269 : vector<16xf32>, vector<16xi1> -> vector<16xf32>
        %reduce_sum3A_271 = vector.extract %reduce_sum3A_270[15] : f32 from vector<16xf32>
        %broadcast_in_dim3A_272 = vector.broadcast %reduce_sum3A_271 : f32 to vector<16xf32>
        %div3A_273 = arith.divf %select_n3A_268, %broadcast_in_dim3A_272 : vector<16xf32>
        %lt3A_274 = arith.constant 8 : i32
        %lt3A_275 = vector.broadcast %lt3A_274 : i32 to vector<16xi32>
        %lt3A_276 = arith.cmpi slt, %iota3A, %lt3A_275 : vector<16xi32>
        tpu.vector_store_idx %arg11[%broadcast_in_dim3A_95, %iota3A], %cond3A_258#1 masked %lt3A_276 : memref<32x8xi32, #tpu.memory_space<vmem>>[vector<16xi32>, vector<16xi32>], vector<16xi32>, vector<16xi1>
        %lt3A_277 = arith.constant 8 : i32
        %lt3A_278 = vector.broadcast %lt3A_277 : i32 to vector<16xi32>
        %lt3A_279 = arith.cmpi slt, %iota3A, %lt3A_278 : vector<16xi32>
        tpu.vector_store_idx %arg12[%broadcast_in_dim3A_95, %iota3A], %div3A_273 masked %lt3A_279 : memref<32x8xf32, #tpu.memory_space<vmem>>[vector<16xi32>, vector<16xi32>], vector<16xf32>, vector<16xi1>
        %scan3A_280 = arith.constant 0 : i32
        scf.yield %scan3A_280 : i32
      }
      %scan3A_91 = arith.constant 32 : i32
      "tpu.region"() ({
        %run_scoped3A = tpu.sem_alloc : memref<!tpu.dma_semaphore, #tpu.memory_space<semaphore_mem>>
        %dma_start3A_93 = arith.constant 0 : i32
        %dma_start3A_94 = tpu.memref_slice %arg4[%add3A_48, %dma_start3A_93] : memref<4096x8xi32, #tpu.memory_space<hbm>> -> memref<32x8xi32, #tpu.memory_space<hbm>>
        %dma_start3A_95 = arith.constant 0 : i32
        %dma_start3A_96 = tpu.memref_slice %arg4[%add3A_48, %dma_start3A_95] : memref<4096x8xi32, #tpu.memory_space<hbm>> -> memref<32x8xi32, #tpu.memory_space<hbm>>
        tpu.enqueue_dma source(%arg11 : memref<32x8xi32, #tpu.memory_space<vmem>>) target(%dma_start3A_96 : memref<32x8xi32, #tpu.memory_space<hbm>>) target_semaphore(%run_scoped3A : memref<!tpu.dma_semaphore, #tpu.memory_space<semaphore_mem>>)
        %dma_wait3A_97 = arith.constant 0 : i32
        %dma_wait3A_98 = tpu.memref_slice %arg4[%add3A_48, %dma_wait3A_97] : memref<4096x8xi32, #tpu.memory_space<hbm>> -> memref<32x8xi32, #tpu.memory_space<hbm>>
        %dma_wait3A_99 = arith.constant 0 : i32
        %dma_wait3A_100 = tpu.memref_slice %arg4[%add3A_48, %dma_wait3A_99] : memref<4096x8xi32, #tpu.memory_space<hbm>> -> memref<32x8xi32, #tpu.memory_space<hbm>>
        tpu.wait_dma2 semaphore(%run_scoped3A : memref<!tpu.dma_semaphore, #tpu.memory_space<semaphore_mem>>) src(%arg11 : memref<32x8xi32, #tpu.memory_space<vmem>>) dst(%dma_wait3A_100 : memref<32x8xi32, #tpu.memory_space<hbm>>)
        tpu.yield
      }) : () -> ()
      "tpu.region"() ({
        %run_scoped3A = tpu.sem_alloc : memref<!tpu.dma_semaphore, #tpu.memory_space<semaphore_mem>>
        %dma_start3A_93 = arith.constant 0 : i32
        %dma_start3A_94 = tpu.memref_slice %arg5[%add3A_48, %dma_start3A_93] : memref<4096x8xf32, #tpu.memory_space<hbm>> -> memref<32x8xf32, #tpu.memory_space<hbm>>
        %dma_start3A_95 = arith.constant 0 : i32
        %dma_start3A_96 = tpu.memref_slice %arg5[%add3A_48, %dma_start3A_95] : memref<4096x8xf32, #tpu.memory_space<hbm>> -> memref<32x8xf32, #tpu.memory_space<hbm>>
        tpu.enqueue_dma source(%arg12 : memref<32x8xf32, #tpu.memory_space<vmem>>) target(%dma_start3A_96 : memref<32x8xf32, #tpu.memory_space<hbm>>) target_semaphore(%run_scoped3A : memref<!tpu.dma_semaphore, #tpu.memory_space<semaphore_mem>>)
        %dma_wait3A_97 = arith.constant 0 : i32
        %dma_wait3A_98 = tpu.memref_slice %arg5[%add3A_48, %dma_wait3A_97] : memref<4096x8xf32, #tpu.memory_space<hbm>> -> memref<32x8xf32, #tpu.memory_space<hbm>>
        %dma_wait3A_99 = arith.constant 0 : i32
        %dma_wait3A_100 = tpu.memref_slice %arg5[%add3A_48, %dma_wait3A_99] : memref<4096x8xf32, #tpu.memory_space<hbm>> -> memref<32x8xf32, #tpu.memory_space<hbm>>
        tpu.wait_dma2 semaphore(%run_scoped3A : memref<!tpu.dma_semaphore, #tpu.memory_space<semaphore_mem>>) src(%arg12 : memref<32x8xf32, #tpu.memory_space<vmem>>) dst(%dma_wait3A_100 : memref<32x8xf32, #tpu.memory_space<hbm>>)
        tpu.yield
      }) : () -> ()
      %scan3A_92 = arith.constant 0 : i32
      scf.yield %scan3A_92 : i32
    }
    %scan3A_41 = arith.constant 4 : i32
    return
  }
}

module attributes {stable_mosaic.version = 14 : i64} {
  func.func @_dist_block(%arg0: i32, %arg1: memref<256x256xf32, #tpu.memory_space<vmem>>, %arg2: memref<1024x256xf32, #tpu.memory_space<vmem>>, %arg3: memref<256x1024xf32, #tpu.memory_space<vmem>>, %arg4: memref<256x128xf32, #tpu.memory_space<vmem>>) attributes {dimension_semantics = [#tpu.dimension_semantics<arbitrary>], iteration_bounds = array<i64: 16>, scalar_prefetch = 0 : i64, scratch_operands = 0 : i64, tpu.core_type = #tpu.core_type<tc>, window_params = [{transform_indices = @transform_0, window_bounds = array<i64: 256, 256>}, {pipeline_mode = #tpu.pipeline_mode<synchronous>, transform_indices = @transform_1, window_bounds = array<i64: 1024, 256>}, {transform_indices = @transform_2, window_bounds = array<i64: 256, 1024>}, {transform_indices = @transform_3, window_bounds = array<i64: 256, 128>}]} {
    %get3A = arith.constant 0 : index
    %get3A_0 = arith.constant 0 : index
    %get3A_1 = vector.load %arg1[%get3A, %get3A_0] : memref<256x256xf32, #tpu.memory_space<vmem>>, vector<256x256xf32>
    %get3A_2 = arith.constant 0 : index
    %get3A_3 = arith.constant 0 : index
    %get3A_4 = vector.load %arg2[%get3A_2, %get3A_3] : memref<1024x256xf32, #tpu.memory_space<vmem>>, vector<1024x256xf32>
    %dot_general3A = arith.constant dense<0.000000e+00> : vector<256x1024xf32>
    %dot_general3A_5 = tpu.matmul %get3A_1, %get3A_4, %dot_general3A {dimension_numbers = #tpu.dot_dimension_numbers<[1], [1], [0], [0], [0, 0, 1, 0], [], []>, transpose_lhs_hint = false} : vector<256x256xf32>, vector<1024x256xf32>, vector<256x1024xf32> -> vector<256x1024xf32>
    %mul3A = arith.mulf %get3A_1, %get3A_1 : vector<256x256xf32>
    %reduce_sum3A = arith.constant dense<0.000000e+00> : vector<256xf32>
    %reduce_sum3A_6 = vector.multi_reduction <add>, %mul3A, %reduce_sum3A [1] : vector<256x256xf32> to vector<256xf32>
    %broadcast_in_dim3A = vector.shape_cast %reduce_sum3A_6 : vector<256xf32> to vector<256x1xf32>
    %mul3A_7 = arith.mulf %get3A_4, %get3A_4 : vector<1024x256xf32>
    %reduce_sum3A_8 = arith.constant dense<0.000000e+00> : vector<1024xf32>
    %reduce_sum3A_9 = vector.multi_reduction <add>, %mul3A_7, %reduce_sum3A_8 [1] : vector<1024x256xf32> to vector<1024xf32>
    %broadcast_in_dim3A_10 = vector.shape_cast %reduce_sum3A_9 : vector<1024xf32> to vector<1x1024xf32>
    %mul3A_11 = arith.constant 2.000000e+00 : f32
    %mul3A_12 = vector.broadcast %mul3A_11 : f32 to vector<256x1024xf32>
    %mul3A_13 = arith.mulf %mul3A_12, %dot_general3A_5 : vector<256x1024xf32>
    %sub3A = vector.broadcast %broadcast_in_dim3A : vector<256x1xf32> to vector<256x1024xf32>
    %sub3A_14 = arith.subf %sub3A, %mul3A_13 : vector<256x1024xf32>
    %add3A = vector.broadcast %broadcast_in_dim3A_10 : vector<1x1024xf32> to vector<256x1024xf32>
    %add3A_15 = arith.addf %sub3A_14, %add3A : vector<256x1024xf32>
    %swap3A = arith.constant 0 : index
    %swap3A_16 = arith.constant 0 : index
    %swap3A_17 = vector.load %arg3[%swap3A, %swap3A_16] : memref<256x1024xf32, #tpu.memory_space<vmem>>, vector<256x1024xf32>
    tpu.vector_store %arg3[%swap3A, %swap3A_16], %add3A_15 {strides = array<i32>} : memref<256x1024xf32, #tpu.memory_space<vmem>>, vector<256x1024xf32>,
    %slice3A = vector.extract_strided_slice %add3A_15 {offsets = [0, 0], sizes = [256, 128], strides = [1, 1]} : vector<256x1024xf32> to vector<256x128xf32>
    %slice3A_18 = vector.extract_strided_slice %add3A_15 {offsets = [0, 128], sizes = [256, 128], strides = [1, 1]} : vector<256x1024xf32> to vector<256x128xf32>
    %min3A = arith.minimumf %slice3A, %slice3A_18 : vector<256x128xf32>
    %slice3A_19 = vector.extract_strided_slice %add3A_15 {offsets = [0, 256], sizes = [256, 128], strides = [1, 1]} : vector<256x1024xf32> to vector<256x128xf32>
    %min3A_20 = arith.minimumf %min3A, %slice3A_19 : vector<256x128xf32>
    %slice3A_21 = vector.extract_strided_slice %add3A_15 {offsets = [0, 384], sizes = [256, 128], strides = [1, 1]} : vector<256x1024xf32> to vector<256x128xf32>
    %min3A_22 = arith.minimumf %min3A_20, %slice3A_21 : vector<256x128xf32>
    %slice3A_23 = vector.extract_strided_slice %add3A_15 {offsets = [0, 512], sizes = [256, 128], strides = [1, 1]} : vector<256x1024xf32> to vector<256x128xf32>
    %min3A_24 = arith.minimumf %min3A_22, %slice3A_23 : vector<256x128xf32>
    %slice3A_25 = vector.extract_strided_slice %add3A_15 {offsets = [0, 640], sizes = [256, 128], strides = [1, 1]} : vector<256x1024xf32> to vector<256x128xf32>
    %min3A_26 = arith.minimumf %min3A_24, %slice3A_25 : vector<256x128xf32>
    %slice3A_27 = vector.extract_strided_slice %add3A_15 {offsets = [0, 768], sizes = [256, 128], strides = [1, 1]} : vector<256x1024xf32> to vector<256x128xf32>
    %min3A_28 = arith.minimumf %min3A_26, %slice3A_27 : vector<256x128xf32>
    %slice3A_29 = vector.extract_strided_slice %add3A_15 {offsets = [0, 896], sizes = [256, 128], strides = [1, 1]} : vector<256x1024xf32> to vector<256x128xf32>
    %min3A_30 = arith.minimumf %min3A_28, %slice3A_29 : vector<256x128xf32>
    %swap3A_31 = arith.constant 0 : index
    %swap3A_32 = arith.constant 0 : index
    %swap3A_33 = vector.load %arg4[%swap3A_31, %swap3A_32] : memref<256x128xf32, #tpu.memory_space<vmem>>, vector<256x128xf32>
    tpu.vector_store %arg4[%swap3A_31, %swap3A_32], %min3A_30 {strides = array<i32>} : memref<256x128xf32, #tpu.memory_space<vmem>>, vector<256x128xf32>,
    return
  }
  func.func @transform_0(%arg0: i32) -> (i32, i32) {
    %c0_i32 = arith.constant 0 : i32
    %c0_i32_0 = arith.constant 0 : i32
    return %arg0, %c0_i32 : i32, i32
  }
  func.func @transform_1(%arg0: i32) -> (i32, i32) {
    %c0_i32 = arith.constant 0 : i32
    %c0_i32_0 = arith.constant 0 : i32
    %c0_i32_1 = arith.constant 0 : i32
    return %c0_i32, %c0_i32_0 : i32, i32
  }
  func.func @transform_2(%arg0: i32) -> (i32, i32) {
    %c0_i32 = arith.constant 0 : i32
    %c0_i32_0 = arith.constant 0 : i32
    return %arg0, %c0_i32 : i32, i32
  }
  func.func @transform_3(%arg0: i32) -> (i32, i32) {
    %c0_i32 = arith.constant 0 : i32
    %c0_i32_0 = arith.constant 0 : i32
    return %arg0, %c0_i32 : i32, i32
  }
}

module attributes {stable_mosaic.version = 14 : i64} {
  func.func @_ent_block(%arg0: i32, %arg1: memref<256x1024xf32, #tpu.memory_space<vmem>>, %arg2: memref<1x1xf32, #tpu.memory_space<vmem>>, %arg3: memref<1x1024xf32, #tpu.memory_space<vmem>>, %arg4: memref<2xf32, #tpu.memory_space<smem>>) attributes {dimension_semantics = [#tpu.dimension_semantics<arbitrary>], iteration_bounds = array<i64: 16>, scalar_prefetch = 0 : i64, scratch_operands = 2 : i64, tpu.core_type = #tpu.core_type<tc>, window_params = [{transform_indices = @transform_0, window_bounds = array<i64: 256, 1024>}, {pipeline_mode = #tpu.pipeline_mode<synchronous>, transform_indices = @transform_1, window_bounds = array<i64: 1, 1>}]} {
    %eq3A = arith.constant 0 : i32
    %eq3A_0 = arith.cmpi eq, %arg0, %eq3A : i32
    %convert_element_type3A = arith.extui %eq3A_0 : i1 to i32
    %cond3A = arith.constant 0 : i32
    %cond3A_1 = arith.cmpi ne, %convert_element_type3A, %cond3A : i32
    scf.if %cond3A_1 {
      %broadcast_in_dim3A_42 = arith.constant 0.000000e+00 : f32
      %broadcast_in_dim3A_43 = vector.broadcast %broadcast_in_dim3A_42 : f32 to vector<1x1024xf32>
      %swap3A_44 = arith.constant 0 : index
      %swap3A_45 = arith.constant 0 : index
      %swap3A_46 = vector.load %arg3[%swap3A_44, %swap3A_45] : memref<1x1024xf32, #tpu.memory_space<vmem>>, vector<1x1024xf32>
      tpu.vector_store %arg3[%swap3A_44, %swap3A_45], %broadcast_in_dim3A_43 {strides = array<i32>} : memref<1x1024xf32, #tpu.memory_space<vmem>>, vector<1x1024xf32>,
      %swap3A_47 = arith.constant 0.000000e+00 : f32
      %swap3A_48 = arith.constant 0 : index
      %swap3A_49 = memref.load %arg4[%swap3A_48] : memref<2xf32, #tpu.memory_space<smem>>
      memref.store %swap3A_47, %arg4[%swap3A_48] : memref<2xf32, #tpu.memory_space<smem>>
    } else {
    }
    %get3A = arith.constant 0 : index
    %get3A_2 = arith.constant 0 : index
    %get3A_3 = vector.load %arg1[%get3A, %get3A_2] : memref<256x1024xf32, #tpu.memory_space<vmem>>, vector<256x1024xf32>
    %mul3A = arith.constant -1.000000e+02 : f32
    %mul3A_4 = vector.broadcast %mul3A : f32 to vector<256x1024xf32>
    %mul3A_5 = arith.mulf %get3A_3, %mul3A_4 : vector<256x1024xf32>
    %reduce_max3A = arith.constant dense<0xFF800000> : vector<256xf32>
    %reduce_max3A_6 = vector.multi_reduction <maximumf>, %mul3A_5, %reduce_max3A [1] : vector<256x1024xf32> to vector<256xf32>
    %broadcast_in_dim3A = vector.shape_cast %reduce_max3A_6 : vector<256xf32> to vector<256x1xf32>
    %sub3A = vector.broadcast %broadcast_in_dim3A : vector<256x1xf32> to vector<256x1024xf32>
    %sub3A_7 = arith.subf %mul3A_5, %sub3A : vector<256x1024xf32>
    %exp3A = math.exp %sub3A_7 : vector<256x1024xf32>
    %reduce_sum3A = arith.constant dense<0.000000e+00> : vector<256xf32>
    %reduce_sum3A_8 = vector.multi_reduction <add>, %exp3A, %reduce_sum3A [1] : vector<256x1024xf32> to vector<256xf32>
    %broadcast_in_dim3A_9 = vector.shape_cast %reduce_sum3A_8 : vector<256xf32> to vector<256x1xf32>
    %div3A = vector.broadcast %broadcast_in_dim3A_9 : vector<256x1xf32> to vector<256x1024xf32>
    %div3A_10 = arith.divf %exp3A, %div3A : vector<256x1024xf32>
    %squeeze3A = vector.shape_cast %broadcast_in_dim3A_9 : vector<256x1xf32> to vector<256xf32>
    %log3A = math.log %squeeze3A : vector<256xf32>
    %sub3A_11 = vector.broadcast %broadcast_in_dim3A : vector<256x1xf32> to vector<256x1024xf32>
    %sub3A_12 = arith.subf %mul3A_5, %sub3A_11 : vector<256x1024xf32>
    %mul3A_13 = arith.mulf %exp3A, %sub3A_12 : vector<256x1024xf32>
    %reduce_sum3A_14 = arith.constant dense<0.000000e+00> : vector<256xf32>
    %reduce_sum3A_15 = vector.multi_reduction <add>, %mul3A_13, %reduce_sum3A_14 [1] : vector<256x1024xf32> to vector<256xf32>
    %squeeze3A_16 = vector.shape_cast %broadcast_in_dim3A_9 : vector<256x1xf32> to vector<256xf32>
    %div3A_17 = arith.divf %reduce_sum3A_15, %squeeze3A_16 : vector<256xf32>
    %sub3A_18 = arith.subf %log3A, %div3A_17 : vector<256xf32>
    %get3A_19 = arith.constant 0 : index
    %get3A_20 = arith.constant 0 : index
    %get3A_21 = vector.load %arg3[%get3A_19, %get3A_20] : memref<1x1024xf32, #tpu.memory_space<vmem>>, vector<1x1024xf32>
    %reduce_sum3A_22 = arith.constant dense<0.000000e+00> : vector<1024xf32>
    %reduce_sum3A_23 = vector.multi_reduction <add>, %div3A_10, %reduce_sum3A_22 [0] : vector<256x1024xf32> to vector<1024xf32>
    %broadcast_in_dim3A_24 = vector.shape_cast %reduce_sum3A_23 : vector<1024xf32> to vector<1x1024xf32>
    %add3A = arith.addf %get3A_21, %broadcast_in_dim3A_24 : vector<1x1024xf32>
    %swap3A = arith.constant 0 : index
    %swap3A_25 = arith.constant 0 : index
    %swap3A_26 = vector.load %arg3[%swap3A, %swap3A_25] : memref<1x1024xf32, #tpu.memory_space<vmem>>, vector<1x1024xf32>
    tpu.vector_store %arg3[%swap3A, %swap3A_25], %add3A {strides = array<i32>} : memref<1x1024xf32, #tpu.memory_space<vmem>>, vector<1x1024xf32>,
    %get3A_27 = arith.constant 0 : index
    %get3A_28 = memref.load %arg4[%get3A_27] : memref<2xf32, #tpu.memory_space<smem>>
    %reduce_sum3A_29 = vector.shape_cast %sub3A_18 : vector<256xf32> to vector<1x256xf32>
    %reduce_sum3A_30 = arith.constant dense<0.000000e+00> : vector<1xf32>
    %reduce_sum3A_31 = vector.multi_reduction <add>, %reduce_sum3A_29, %reduce_sum3A_30 [1] : vector<1x256xf32> to vector<1xf32>
    %reduce_sum3A_32 = vector.shape_cast %reduce_sum3A_31 : vector<1xf32> to vector<1x1xf32>
    %reduce_sum3A_33 = vector.extract %reduce_sum3A_32[0, 0] : f32 from vector<1x1xf32>
    %add3A_34 = arith.addf %get3A_28, %reduce_sum3A_33 : f32
    %swap3A_35 = arith.constant 0 : index
    %swap3A_36 = memref.load %arg4[%swap3A_35] : memref<2xf32, #tpu.memory_space<smem>>
    memref.store %add3A_34, %arg4[%swap3A_35] : memref<2xf32, #tpu.memory_space<smem>>
    %eq3A_37 = arith.constant 15 : i32
    %eq3A_38 = arith.cmpi eq, %arg0, %eq3A_37 : i32
    %convert_element_type3A_39 = arith.extui %eq3A_38 : i1 to i32
    %cond3A_40 = arith.constant 0 : i32
    %cond3A_41 = arith.cmpi ne, %convert_element_type3A_39, %cond3A_40 : i32
    scf.if %cond3A_41 {
      %get3A_42 = arith.constant 0 : index
      %get3A_43 = arith.constant 0 : index
      %get3A_44 = vector.load %arg3[%get3A_42, %get3A_43] : memref<1x1024xf32, #tpu.memory_space<vmem>>, vector<1x1024xf32>
      %mul3A_45 = arith.constant 2.44140625E-4 : f32
      %mul3A_46 = vector.broadcast %mul3A_45 : f32 to vector<1x1024xf32>
      %mul3A_47 = arith.mulf %get3A_44, %mul3A_46 : vector<1x1024xf32>
      %add3A_48 = arith.constant 9.99999974E-6 : f32
      %add3A_49 = vector.broadcast %add3A_48 : f32 to vector<1x1024xf32>
      %add3A_50 = arith.addf %mul3A_47, %add3A_49 : vector<1x1024xf32>
      %log3A_51 = math.log %add3A_50 : vector<1x1024xf32>
      %mul3A_52 = arith.mulf %mul3A_47, %log3A_51 : vector<1x1024xf32>
      %reduce_sum3A_53 = vector.shape_cast %mul3A_52 : vector<1x1024xf32> to vector<1x1x1024xf32>
      %reduce_sum3A_54 = arith.constant dense<0.000000e+00> : vector<1xf32>
      %reduce_sum3A_55 = vector.multi_reduction <add>, %reduce_sum3A_53, %reduce_sum3A_54 [1, 2] : vector<1x1x1024xf32> to vector<1xf32>
      %reduce_sum3A_56 = vector.shape_cast %reduce_sum3A_55 : vector<1xf32> to vector<1x1x1xf32>
      %reduce_sum3A_57 = vector.extract %reduce_sum3A_56[0, 0, 0] : f32 from vector<1x1x1xf32>
      %neg3A = arith.constant 0.000000e+00 : f32
      %neg3A_58 = arith.subf %neg3A, %reduce_sum3A_57 : f32
      %get3A_59 = arith.constant 0 : index
      %get3A_60 = memref.load %arg4[%get3A_59] : memref<2xf32, #tpu.memory_space<smem>>
      %mul3A_61 = arith.constant 2.44140625E-4 : f32
      %mul3A_62 = arith.mulf %get3A_60, %mul3A_61 : f32
      %sub3A_63 = arith.subf %mul3A_62, %neg3A_58 : f32
      %mul3A_64 = arith.constant 1.000000e-01 : f32
      %mul3A_65 = arith.mulf %mul3A_64, %sub3A_63 : f32
      %reshape3A = vector.broadcast %mul3A_65 : f32 to vector<1x1xf32>
      %swap3A_66 = arith.constant 0 : index
      %swap3A_67 = arith.constant 0 : index
      %swap3A_68 = vector.load %arg2[%swap3A_66, %swap3A_67] : memref<1x1xf32, #tpu.memory_space<vmem>>, vector<1x1xf32>
      tpu.vector_store %arg2[%swap3A_66, %swap3A_67], %reshape3A {strides = array<i32>} : memref<1x1xf32, #tpu.memory_space<vmem>>, vector<1x1xf32>,
    } else {
    }
    return
  }
  func.func @transform_0(%arg0: i32) -> (i32, i32) {
    %c0_i32 = arith.constant 0 : i32
    %c0_i32_0 = arith.constant 0 : i32
    return %arg0, %c0_i32 : i32, i32
  }
  func.func @transform_1(%arg0: i32) -> (i32, i32) {
    %c0_i32 = arith.constant 0 : i32
    %c0_i32_0 = arith.constant 0 : i32
    %c0_i32_1 = arith.constant 0 : i32
    return %c0_i32, %c0_i32_0 : i32, i32
  }
}

module attributes {stable_mosaic.version = 14 : i64} {
  func.func @_finish_block(%arg0: i32, %arg1: memref<256x256xf32, #tpu.memory_space<vmem>>, %arg2: memref<1024x256xf32, #tpu.memory_space<vmem>>, %arg3: memref<256x8xi32, #tpu.memory_space<vmem>>, %arg4: memref<256x8xf32, #tpu.memory_space<vmem>>, %arg5: memref<1x1xf32, #tpu.memory_space<vmem>>, %arg6: memref<256x1024xf32, #tpu.memory_space<vmem>>, %arg7: memref<256x256xf32, #tpu.memory_space<vmem>>, %arg8: memref<1x1xf32, #tpu.memory_space<vmem>>, %arg9: memref<2xf32, #tpu.memory_space<smem>>) attributes {dimension_semantics = [#tpu.dimension_semantics<arbitrary>], iteration_bounds = array<i64: 16>, scalar_prefetch = 0 : i64, scratch_operands = 1 : i64, tpu.core_type = #tpu.core_type<tc>, window_params = [{transform_indices = @transform_0, window_bounds = array<i64: 256, 256>}, {pipeline_mode = #tpu.pipeline_mode<synchronous>, transform_indices = @transform_1, window_bounds = array<i64: 1024, 256>}, {transform_indices = @transform_2, window_bounds = array<i64: 256, 8>}, {transform_indices = @transform_3, window_bounds = array<i64: 256, 8>}, {pipeline_mode = #tpu.pipeline_mode<synchronous>, transform_indices = @transform_4, window_bounds = array<i64: 1, 1>}, {transform_indices = @transform_5, window_bounds = array<i64: 256, 1024>}, {transform_indices = @transform_6, window_bounds = array<i64: 256, 256>}, {pipeline_mode = #tpu.pipeline_mode<synchronous>, transform_indices = @transform_7, window_bounds = array<i64: 1, 1>}]} {
    %eq3A = arith.constant 0 : i32
    %eq3A_0 = arith.cmpi eq, %arg0, %eq3A : i32
    %convert_element_type3A = arith.extui %eq3A_0 : i1 to i32
    %cond3A = arith.constant 0 : i32
    %cond3A_1 = arith.cmpi ne, %convert_element_type3A, %cond3A : i32
    scf.if %cond3A_1 {
      %swap3A_87 = arith.constant 0.000000e+00 : f32
      %swap3A_88 = arith.constant 0 : index
      %swap3A_89 = memref.load %arg9[%swap3A_88] : memref<2xf32, #tpu.memory_space<smem>>
      memref.store %swap3A_87, %arg9[%swap3A_88] : memref<2xf32, #tpu.memory_space<smem>>
    } else {
    }
    %get3A = arith.constant 0 : index
    %get3A_2 = arith.constant 0 : index
    %get3A_3 = vector.load %arg1[%get3A, %get3A_2] : memref<256x256xf32, #tpu.memory_space<vmem>>, vector<256x256xf32>
    %get3A_4 = arith.constant 0 : index
    %get3A_5 = arith.constant 0 : index
    %get3A_6 = vector.load %arg2[%get3A_4, %get3A_5] : memref<1024x256xf32, #tpu.memory_space<vmem>>, vector<1024x256xf32>
    %get3A_7 = arith.constant 0 : index
    %get3A_8 = arith.constant 0 : index
    %get3A_9 = vector.load %arg3[%get3A_7, %get3A_8] : memref<256x8xi32, #tpu.memory_space<vmem>>, vector<256x8xi32>
    %get3A_10 = arith.constant 0 : index
    %get3A_11 = arith.constant 0 : index
    %get3A_12 = vector.load %arg4[%get3A_10, %get3A_11] : memref<256x8xf32, #tpu.memory_space<vmem>>, vector<256x8xf32>
    %iota3A = tpu.iota {dimensions = array<i32: 1>} : vector<256x1024xi32>
    %broadcast_in_dim3A = arith.constant 0.000000e+00 : f32
    %broadcast_in_dim3A_13 = vector.broadcast %broadcast_in_dim3A : f32 to vector<256x1024xf32>
    %slice3A = vector.extract_strided_slice %get3A_9 {offsets = [0, 0], sizes = [256, 1], strides = [1, 1]} : vector<256x8xi32> to vector<256x1xi32>
    %eq3A_14 = vector.broadcast %slice3A : vector<256x1xi32> to vector<256x1024xi32>
    %eq3A_15 = arith.cmpi eq, %iota3A, %eq3A_14 : vector<256x1024xi32>
    %slice3A_16 = vector.extract_strided_slice %get3A_12 {offsets = [0, 0], sizes = [256, 1], strides = [1, 1]} : vector<256x8xf32> to vector<256x1xf32>
    %broadcast_in_dim3A_17 = vector.shape_cast %slice3A_16 : vector<256x1xf32> to vector<256x1xf32>
    %broadcast_in_dim3A_18 = vector.broadcast %broadcast_in_dim3A_17 : vector<256x1xf32> to vector<256x1024xf32>
    %select_n3A = arith.select %eq3A_15, %broadcast_in_dim3A_18, %broadcast_in_dim3A_13 : vector<256x1024xi1>, vector<256x1024xf32>
    %slice3A_19 = vector.extract_strided_slice %get3A_9 {offsets = [0, 1], sizes = [256, 1], strides = [1, 1]} : vector<256x8xi32> to vector<256x1xi32>
    %eq3A_20 = vector.broadcast %slice3A_19 : vector<256x1xi32> to vector<256x1024xi32>
    %eq3A_21 = arith.cmpi eq, %iota3A, %eq3A_20 : vector<256x1024xi32>
    %slice3A_22 = vector.extract_strided_slice %get3A_12 {offsets = [0, 1], sizes = [256, 1], strides = [1, 1]} : vector<256x8xf32> to vector<256x1xf32>
    %broadcast_in_dim3A_23 = vector.shape_cast %slice3A_22 : vector<256x1xf32> to vector<256x1xf32>
    %broadcast_in_dim3A_24 = vector.broadcast %broadcast_in_dim3A_23 : vector<256x1xf32> to vector<256x1024xf32>
    %select_n3A_25 = arith.select %eq3A_21, %broadcast_in_dim3A_24, %select_n3A : vector<256x1024xi1>, vector<256x1024xf32>
    %slice3A_26 = vector.extract_strided_slice %get3A_9 {offsets = [0, 2], sizes = [256, 1], strides = [1, 1]} : vector<256x8xi32> to vector<256x1xi32>
    %eq3A_27 = vector.broadcast %slice3A_26 : vector<256x1xi32> to vector<256x1024xi32>
    %eq3A_28 = arith.cmpi eq, %iota3A, %eq3A_27 : vector<256x1024xi32>
    %slice3A_29 = vector.extract_strided_slice %get3A_12 {offsets = [0, 2], sizes = [256, 1], strides = [1, 1]} : vector<256x8xf32> to vector<256x1xf32>
    %broadcast_in_dim3A_30 = vector.shape_cast %slice3A_29 : vector<256x1xf32> to vector<256x1xf32>
    %broadcast_in_dim3A_31 = vector.broadcast %broadcast_in_dim3A_30 : vector<256x1xf32> to vector<256x1024xf32>
    %select_n3A_32 = arith.select %eq3A_28, %broadcast_in_dim3A_31, %select_n3A_25 : vector<256x1024xi1>, vector<256x1024xf32>
    %slice3A_33 = vector.extract_strided_slice %get3A_9 {offsets = [0, 3], sizes = [256, 1], strides = [1, 1]} : vector<256x8xi32> to vector<256x1xi32>
    %eq3A_34 = vector.broadcast %slice3A_33 : vector<256x1xi32> to vector<256x1024xi32>
    %eq3A_35 = arith.cmpi eq, %iota3A, %eq3A_34 : vector<256x1024xi32>
    %slice3A_36 = vector.extract_strided_slice %get3A_12 {offsets = [0, 3], sizes = [256, 1], strides = [1, 1]} : vector<256x8xf32> to vector<256x1xf32>
    %broadcast_in_dim3A_37 = vector.shape_cast %slice3A_36 : vector<256x1xf32> to vector<256x1xf32>
    %broadcast_in_dim3A_38 = vector.broadcast %broadcast_in_dim3A_37 : vector<256x1xf32> to vector<256x1024xf32>
    %select_n3A_39 = arith.select %eq3A_35, %broadcast_in_dim3A_38, %select_n3A_32 : vector<256x1024xi1>, vector<256x1024xf32>
    %slice3A_40 = vector.extract_strided_slice %get3A_9 {offsets = [0, 4], sizes = [256, 1], strides = [1, 1]} : vector<256x8xi32> to vector<256x1xi32>
    %eq3A_41 = vector.broadcast %slice3A_40 : vector<256x1xi32> to vector<256x1024xi32>
    %eq3A_42 = arith.cmpi eq, %iota3A, %eq3A_41 : vector<256x1024xi32>
    %slice3A_43 = vector.extract_strided_slice %get3A_12 {offsets = [0, 4], sizes = [256, 1], strides = [1, 1]} : vector<256x8xf32> to vector<256x1xf32>
    %broadcast_in_dim3A_44 = vector.shape_cast %slice3A_43 : vector<256x1xf32> to vector<256x1xf32>
    %broadcast_in_dim3A_45 = vector.broadcast %broadcast_in_dim3A_44 : vector<256x1xf32> to vector<256x1024xf32>
    %select_n3A_46 = arith.select %eq3A_42, %broadcast_in_dim3A_45, %select_n3A_39 : vector<256x1024xi1>, vector<256x1024xf32>
    %slice3A_47 = vector.extract_strided_slice %get3A_9 {offsets = [0, 5], sizes = [256, 1], strides = [1, 1]} : vector<256x8xi32> to vector<256x1xi32>
    %eq3A_48 = vector.broadcast %slice3A_47 : vector<256x1xi32> to vector<256x1024xi32>
    %eq3A_49 = arith.cmpi eq, %iota3A, %eq3A_48 : vector<256x1024xi32>
    %slice3A_50 = vector.extract_strided_slice %get3A_12 {offsets = [0, 5], sizes = [256, 1], strides = [1, 1]} : vector<256x8xf32> to vector<256x1xf32>
    %broadcast_in_dim3A_51 = vector.shape_cast %slice3A_50 : vector<256x1xf32> to vector<256x1xf32>
    %broadcast_in_dim3A_52 = vector.broadcast %broadcast_in_dim3A_51 : vector<256x1xf32> to vector<256x1024xf32>
    %select_n3A_53 = arith.select %eq3A_49, %broadcast_in_dim3A_52, %select_n3A_46 : vector<256x1024xi1>, vector<256x1024xf32>
    %slice3A_54 = vector.extract_strided_slice %get3A_9 {offsets = [0, 6], sizes = [256, 1], strides = [1, 1]} : vector<256x8xi32> to vector<256x1xi32>
    %eq3A_55 = vector.broadcast %slice3A_54 : vector<256x1xi32> to vector<256x1024xi32>
    %eq3A_56 = arith.cmpi eq, %iota3A, %eq3A_55 : vector<256x1024xi32>
    %slice3A_57 = vector.extract_strided_slice %get3A_12 {offsets = [0, 6], sizes = [256, 1], strides = [1, 1]} : vector<256x8xf32> to vector<256x1xf32>
    %broadcast_in_dim3A_58 = vector.shape_cast %slice3A_57 : vector<256x1xf32> to vector<256x1xf32>
    %broadcast_in_dim3A_59 = vector.broadcast %broadcast_in_dim3A_58 : vector<256x1xf32> to vector<256x1024xf32>
    %select_n3A_60 = arith.select %eq3A_56, %broadcast_in_dim3A_59, %select_n3A_53 : vector<256x1024xi1>, vector<256x1024xf32>
    %slice3A_61 = vector.extract_strided_slice %get3A_9 {offsets = [0, 7], sizes = [256, 1], strides = [1, 1]} : vector<256x8xi32> to vector<256x1xi32>
    %eq3A_62 = vector.broadcast %slice3A_61 : vector<256x1xi32> to vector<256x1024xi32>
    %eq3A_63 = arith.cmpi eq, %iota3A, %eq3A_62 : vector<256x1024xi32>
    %slice3A_64 = vector.extract_strided_slice %get3A_12 {offsets = [0, 7], sizes = [256, 1], strides = [1, 1]} : vector<256x8xf32> to vector<256x1xf32>
    %broadcast_in_dim3A_65 = vector.shape_cast %slice3A_64 : vector<256x1xf32> to vector<256x1xf32>
    %broadcast_in_dim3A_66 = vector.broadcast %broadcast_in_dim3A_65 : vector<256x1xf32> to vector<256x1024xf32>
    %select_n3A_67 = arith.select %eq3A_63, %broadcast_in_dim3A_66, %select_n3A_60 : vector<256x1024xi1>, vector<256x1024xf32>
    %swap3A = arith.constant 0 : index
    %swap3A_68 = arith.constant 0 : index
    %swap3A_69 = vector.load %arg6[%swap3A, %swap3A_68] : memref<256x1024xf32, #tpu.memory_space<vmem>>, vector<256x1024xf32>
    tpu.vector_store %arg6[%swap3A, %swap3A_68], %select_n3A_67 {strides = array<i32>} : memref<256x1024xf32, #tpu.memory_space<vmem>>, vector<256x1024xf32>,
    %dot_general3A = arith.constant dense<0.000000e+00> : vector<256x256xf32>
    %dot_general3A_70 = tpu.matmul %select_n3A_67, %get3A_6, %dot_general3A {dimension_numbers = #tpu.dot_dimension_numbers<[1], [0], [0], [1], [0, 0, 1, 1], [], []>, transpose_lhs_hint = false} : vector<256x1024xf32>, vector<1024x256xf32>, vector<256x256xf32> -> vector<256x256xf32>
    %swap3A_71 = arith.constant 0 : index
    %swap3A_72 = arith.constant 0 : index
    %swap3A_73 = vector.load %arg7[%swap3A_71, %swap3A_72] : memref<256x256xf32, #tpu.memory_space<vmem>>, vector<256x256xf32>
    tpu.vector_store %arg7[%swap3A_71, %swap3A_72], %dot_general3A_70 {strides = array<i32>} : memref<256x256xf32, #tpu.memory_space<vmem>>, vector<256x256xf32>,
    %sub3A = arith.subf %dot_general3A_70, %get3A_3 : vector<256x256xf32>
    %get3A_74 = arith.constant 0 : index
    %get3A_75 = memref.load %arg9[%get3A_74] : memref<2xf32, #tpu.memory_space<smem>>
    %mul3A = arith.mulf %sub3A, %sub3A : vector<256x256xf32>
    %reduce_sum3A = vector.shape_cast %mul3A : vector<256x256xf32> to vector<1x256x256xf32>
    %reduce_sum3A_76 = arith.constant dense<0.000000e+00> : vector<1xf32>
    %reduce_sum3A_77 = vector.multi_reduction <add>, %reduce_sum3A, %reduce_sum3A_76 [1, 2] : vector<1x256x256xf32> to vector<1xf32>
    %reduce_sum3A_78 = vector.shape_cast %reduce_sum3A_77 : vector<1xf32> to vector<1x1x1xf32>
    %reduce_sum3A_79 = vector.extract %reduce_sum3A_78[0, 0, 0] : f32 from vector<1x1x1xf32>
    %add3A = arith.addf %get3A_75, %reduce_sum3A_79 : f32
    %swap3A_80 = arith.constant 0 : index
    %swap3A_81 = memref.load %arg9[%swap3A_80] : memref<2xf32, #tpu.memory_space<smem>>
    memref.store %add3A, %arg9[%swap3A_80] : memref<2xf32, #tpu.memory_space<smem>>
    %eq3A_82 = arith.constant 15 : i32
    %eq3A_83 = arith.cmpi eq, %arg0, %eq3A_82 : i32
    %convert_element_type3A_84 = arith.extui %eq3A_83 : i1 to i32
    %cond3A_85 = arith.constant 0 : i32
    %cond3A_86 = arith.cmpi ne, %convert_element_type3A_84, %cond3A_85 : i32
    scf.if %cond3A_86 {
      %get3A_87 = arith.constant 0 : index
      %get3A_88 = memref.load %arg9[%get3A_87] : memref<2xf32, #tpu.memory_space<smem>>
      %mul3A_89 = arith.constant 9.53674316E-7 : f32
      %mul3A_90 = arith.mulf %get3A_88, %mul3A_89 : f32
      %mul3A_91 = arith.constant 1.250000e+00 : f32
      %mul3A_92 = arith.mulf %mul3A_91, %mul3A_90 : f32
      %get3A_93 = arith.constant 0 : index
      %get3A_94 = arith.constant 0 : index
      %get3A_95 = vector.load %arg5[%get3A_93, %get3A_94] : memref<1x1xf32, #tpu.memory_space<vmem>>, vector<1x1xf32>
      %get3A_96 = vector.extract %get3A_95[0, 0] : f32 from vector<1x1xf32>
      %add3A_97 = arith.addf %mul3A_92, %get3A_96 : f32
      %reshape3A = vector.broadcast %add3A_97 : f32 to vector<1x1xf32>
      %swap3A_98 = arith.constant 0 : index
      %swap3A_99 = arith.constant 0 : index
      %swap3A_100 = vector.load %arg8[%swap3A_98, %swap3A_99] : memref<1x1xf32, #tpu.memory_space<vmem>>, vector<1x1xf32>
      tpu.vector_store %arg8[%swap3A_98, %swap3A_99], %reshape3A {strides = array<i32>} : memref<1x1xf32, #tpu.memory_space<vmem>>, vector<1x1xf32>,
    } else {
    }
    return
  }
  func.func @transform_0(%arg0: i32) -> (i32, i32) {
    %c0_i32 = arith.constant 0 : i32
    %c0_i32_0 = arith.constant 0 : i32
    return %arg0, %c0_i32 : i32, i32
  }
  func.func @transform_1(%arg0: i32) -> (i32, i32) {
    %c0_i32 = arith.constant 0 : i32
    %c0_i32_0 = arith.constant 0 : i32
    %c0_i32_1 = arith.constant 0 : i32
    return %c0_i32, %c0_i32_0 : i32, i32
  }
  func.func @transform_2(%arg0: i32) -> (i32, i32) {
    %c0_i32 = arith.constant 0 : i32
    %c0_i32_0 = arith.constant 0 : i32
    return %arg0, %c0_i32 : i32, i32
  }
  func.func @transform_3(%arg0: i32) -> (i32, i32) {
    %c0_i32 = arith.constant 0 : i32
    %c0_i32_0 = arith.constant 0 : i32
    return %arg0, %c0_i32 : i32, i32
  }
  func.func @transform_4(%arg0: i32) -> (i32, i32) {
    %c0_i32 = arith.constant 0 : i32
    %c0_i32_0 = arith.constant 0 : i32
    %c0_i32_1 = arith.constant 0 : i32
    return %c0_i32, %c0_i32_0 : i32, i32
  }
  func.func @transform_5(%arg0: i32) -> (i32, i32) {
    %c0_i32 = arith.constant 0 : i32
    %c0_i32_0 = arith.constant 0 : i32
    return %arg0, %c0_i32 : i32, i32
  }
  func.func @transform_6(%arg0: i32) -> (i32, i32) {
    %c0_i32 = arith.constant 0 : i32
    %c0_i32_0 = arith.constant 0 : i32
    return %arg0, %c0_i32 : i32, i32
  }
  func.func @transform_7(%arg0: i32) -> (i32, i32) {
    %c0_i32 = arith.constant 0 : i32
    %c0_i32_0 = arith.constant 0 : i32
    %c0_i32_1 = arith.constant 0 : i32
    return %c0_i32, %c0_i32_0 : i32, i32
  }
}

</mosaic_0001>

<sc_bundles>
// kernel: _vq.6.cloned.1.call-start
scs
__scs_entry_jumppad:
0x0: {  	(pc) =	sbr.rel $0x88, $3  }
0x1: {  	(tag) =	ssettag $0x0;
	lr =	simm.s32 $0x1  }
0x2: {  	[smem:$0x3F9F] =	sst lr;
	_ =	strace $0xD0000000  }
0x3: {  	_ = 	snop  }
0x4: {  	_ = 	snop  }
0x5: {  	_ = 	snop  }
0x6: {  	_ = 	snop  }
0x7: {  	_ = 	snop  }
__scs_overlays_trampoline_lowered:
0x8: {  	[smem:$0x3FAE] =	sst s0  }
0x9: {  	[smem:$0x3FAF] =	sst s1  }
0xa: {  	[smem:$0x3FB0] =	sst s2  }
0xb: {  	[smem:$0x3FB1] =	sst s3  }
0xc: {  	[smem:$0x3FB2] =	sst s4  }
0xd: {  	[smem:$0x3FB3] =	sst s5  }
0xe: {  	[smem:$0x3FB4] =	sst s6  }
0xf: {  	[smem:$0x3FB5] =	sst s7  }
0x10: {  	[smem:$0x3FB6] =	sst s8  }
0x11: {  	[smem:$0x3FB7] =	sst s9;
	s0 =	simm.s32 @!p0 $0x0  }
0x12: {  	s1 =	sld [smem:$0x3F9D];
	s0 =	simm.s32 @p0 $0x1  }
0x13: {  	[smem:$0x3FB8] =	sst s0;
	s0 =	simm.s32 @!p1 $0x0  }
0x14: {  	s2 =	sld [smem:$0x3F9C];
	s0 =	simm.s32 @p1 $0x1  }
0x15: {  	[smem:$0x3FB9] =	sst s0;
	s0 =	simm.s32 @!p2 $0x0  }
0x16: {  	s3 =	sld [smem:$0x3FDB];
	s0 =	simm.s32 @p2 $0x1  }
0x17: {  	s4 =	simm.s32 $0x1BF5;
	[smem:$0x3FBB] =	sst s0  }
0x18: {  	s0 =	sld [smem:$0x3F9E];
	_ =	swait.ge [sflag:s4], $0x0  }
0x19: {  	s7 =	sld [smem:$0x3F9F]  }
0x1a: {  	s8 =	sadd.s32 $0xFFFFE003, lr  }
0x1b: {  	s9 =	sadd.s32 $0xFFFFFEF7, lr;
	s5 =	simm.s32 $0xFFFFFFFF;
	p2 =	slt.u32 s8, $0xFFFFF086  }
0x1c: {  	p1 =	slt.u32 s9, $0xF7A;
	s5 =	simm.s32 @!p2 $0x0  }
0x1d: {  	s5 =	simm.s32 @p1 $0x1;
	p0 =	seq.s32 s7, s2  }
0x1e: {  	s7 =	smul.u32 @!p0 $0xF7A, s2;
	p2 =	seq.s32 @!p0 s5, $0x0  }
0x1f: {  	s9 =	smul.u32 $0xF7A, s1;
	s8 =	simm.s32 @!p0 $0x1BF5;
	p2 =	por !p2, p0  }
0x20: {  	[sflag:s8] =	ssyncset.s32 @!p0 $0xFFFFF086;
	s6 =	sadd.s32 @!p0 s3, s7;
	s7 =	simm.s32 @!p0 $0x108  }
0x21: {  	s3 =	sadd.s32 s3, s9;
	s6 =	sadd.s32 @!p0 $0x88, s6;
	s7 =	simm.s32 @p2 $0x1082  }
0x22: {  	[simem:s7], [sflag:s8] =	dma.local @!p0 [hbm:s6], $0xF7A  }
0x23: {  	s9 =	sor.u32 $0xD0000000, s2;
	s6 =	simm.s32 $0x108;
	_ =	swait.ge @!p0 [sflag:s8], $0x0  }
0x24: {  	s3 =	sadd.s32 $0x88, s3;
	s6 =	simm.s32 @!p1 $0x1082;
	[sflag:s4] =	ssyncset.s32 $0xFFFFF086  }
0x25: {  	[simem:s6], [sflag:s4] =	dma.local [hbm:s3], $0xF7A  }
0x26: {  	[smem:$0x3F9F] =	sst s1;
	(tag) =	ssettag s2;
	_ =	strace s9  }
0x27: {  	s1 =	sld [smem:$0x3FAF]  }
0x28: {  	s2 =	sld [smem:$0x3FB0]  }
0x29: {  	s4 =	sld [smem:$0x3FB2]  }
0x2a: {  	p0 =	seq.s32 s5, $0x0;
	s5 =	sld [smem:$0x3FB3]  }
0x2b: {  	s6 =	sld [smem:$0x3FB4]  }
0x2c: {  	s7 =	sld [smem:$0x3FB5]  }
0x2d: {  	s3 =	simm.s32 $0x108;
	s8 =	sld [smem:$0x3FB6]  }
0x2e: {  	s3 =	simm.s32 @!p0 $0x1082;
	s9 =	sld [smem:$0x3FB7]  }
0x2f: {  	lr =	sadd.s32 s0, s3;
	s0 =	sld [smem:$0x3FAE]  }
0x30: {  	s3 =	sld [smem:$0x3FB1]  }
0x31: {  	[smem:$0x3FBA] =	sst s10  }
0x32: {  	s10 =	sld [smem:$0x3FB8];
	_ =	sdelay $0x3  }
0x33: {  	p0 =	seq.s32 s10, $0x1;
	s10 =	sld [smem:$0x3FBA];
	_ =	sdelay $0x3  }
0x34: {  	[smem:$0x3FBA] =	sst s10  }
0x35: {  	s10 =	sld [smem:$0x3FB9];
	_ =	sdelay $0x3  }
0x36: {  	p1 =	seq.s32 s10, $0x1;
	s10 =	sld [smem:$0x3FBA];
	_ =	sdelay $0x3  }
0x37: {  	[smem:$0x3FBA] =	sst s10  }
0x38: {  	s10 =	sld [smem:$0x3FBB]  }
0x39: {  	_ = 	snop;
	(pc) =	sbr.ind lr, $3  }
0x3a: {  	_ = 	snop  }
0x3b: {  	_ = 	snop  }
0x3c: {  	p2 =	seq.s32 s10, $0x1;
	s10 =	sld [smem:$0x3FBA]  }
0x3d: {  	_ =	shalt  }
0x3e: {  	_ =	shalt  }
0x3f: {  	_ =	shalt  }
0x40: {  	_ =	shalt  }
0x41: {  	_ =	shalt  }
0x42: {  	_ =	shalt  }
0x43: {  	_ =	shalt  }
0x44: {  	_ =	shalt  }
0x45: {  	_ =	shalt  }
0x46: {  	_ =	shalt  }
0x47: {  	_ =	shalt  }
0x48: {  	_ =	shalt  }
0x49: {  	_ =	shalt  }
0x4a: {  	_ =	shalt  }
0x4b: {  	_ =	shalt  }
0x4c: {  	_ =	shalt  }
0x4d: {  	_ =	shalt  }
0x4e: {  	_ =	shalt  }
0x4f: {  	_ =	shalt  }
0x50: {  	_ =	shalt  }
0x51: {  	_ =	shalt  }
0x52: {  	_ =	shalt  }
0x53: {  	_ =	shalt  }
0x54: {  	_ =	shalt  }
0x55: {  	_ =	shalt  }
0x56: {  	_ =	shalt  }
0x57: {  	_ =	shalt  }
0x58: {  	_ =	shalt  }
0x59: {  	_ =	shalt  }
0x5a: {  	_ =	shalt  }
0x5b: {  	_ =	shalt  }
0x5c: {  	_ =	shalt  }
0x5d: {  	_ =	shalt  }
0x5e: {  	_ =	shalt  }
0x5f: {  	_ =	shalt  }
0x60: {  	_ =	shalt  }
0x61: {  	_ =	shalt  }
0x62: {  	_ =	shalt  }
0x63: {  	_ =	shalt  }
0x64: {  	_ =	shalt  }
0x65: {  	_ =	shalt  }
0x66: {  	_ =	shalt  }
0x67: {  	_ =	shalt  }
0x68: {  	_ =	shalt  }
0x69: {  	_ =	shalt  }
0x6a: {  	_ =	shalt  }
0x6b: {  	_ =	shalt  }
0x6c: {  	_ =	shalt  }
0x6d: {  	_ =	shalt  }
0x6e: {  	_ =	shalt  }
0x6f: {  	_ =	shalt  }
0x70: {  	_ =	shalt  }
0x71: {  	_ =	shalt  }
0x72: {  	_ =	shalt  }
0x73: {  	_ =	shalt  }
0x74: {  	_ =	shalt  }
0x75: {  	_ =	shalt  }
0x76: {  	_ =	shalt  }
0x77: {  	_ =	shalt  }
0x78: {  	_ =	shalt  }
0x79: {  	_ =	shalt  }
0x7a: {  	_ =	shalt  }
0x7b: {  	_ =	shalt  }
0x7c: {  	_ =	shalt  }
0x7d: {  	_ =	shalt  }
0x7e: {  	_ =	shalt  }
0x7f: {  	_ =	shalt  }
0x80: {  	_ =	shalt  }
0x81: {  	_ =	shalt  }
0x82: {  	_ =	shalt  }
0x83: {  	_ =	shalt  }
0x84: {  	_ =	shalt  }
0x85: {  	_ =	shalt  }
0x86: {  	_ =	shalt  }
0x87: {  	_ =	shalt  }
.Lfunc_end0:
.L_simem_size_0:
called_computation_lowered:
.L_overlay_start_0:
0x88: {  	s2 =	sld [smem:$0x3FD9]  }
0x89: {  	s3 =	sld [smem:$0x3FFE];
	_ =	sdelay $0x1  }
0x8a: {  	s1 =	srdreg.scid  }
0x8b: {  	s0 =	sand.u32 $0x1, s1  }
0x8c: {  	s14 =	sshll.u32 s0, $0xA;
	s2 =	sadd.s32 s3, s2  }
0x8d: {  	s2 =	sadd.s32 s2, s14  }
0x8e: {  	[smem:$0x3FC6] =	sst s2  }
0x8f: {  	_ = 	snop  }
0x90: {  	s2 =	sld [smem:$0x3FD0];
	_ =	sdelay $0x2  }
0x91: {  	s15 =	simm.s32 $0xA;
	s4 =	simm.s32 $0x10  }
0x92: {  	[smem:s4], [sflag:s15] =	dma.local [hbm:s2], $0x1  }
0x93: {  	_ =	swait.eq [sflag:s15], $0x1  }
0x94: {  	[sflag:s15] =	ssyncset.done $0x0  }
0x95: {  	s16 =	sld [smem:$0x10];
	[sflag:s15] =	ssyncadd.s32 $0xFFFFFFFF  }
0x96: {  	s17 =	sld [smem:$0x14];
	(tm) =	ssettm $0x1  }
0x97: {  	s18 =	sld [smem:$0x3FFB];
	_ =	sdelay $0x3  }
0x98: {  	_ =	strace s18  }
0x99: {  	s4 =	sld [smem:$0x3FFC];
	_ =	sdelay $0x3  }
0x9a: {  	_ =	strace s4  }
0x9b: {  	s4 =	sld [smem:$0x3FFD];
	_ =	sdelay $0x3  }
0x9c: {  	_ =	strace s4  }
0x9d: {  	_ =	strace $0x8FFFFFFF  }
0x9e: {  	s19 =	sld [smem:$0x3FDB];
	_ =	sdelay $0x1  }
0x9f: {  	s5 =	simm.s32 $_scs_section_size  }
0xa0: {  	s6 =	simm.s32 $_size__tile_overlayer_lowered;
	s7 =	simm.s32 $_tile_overlayer_lowered  }
0xa1: {  	s22 =	simm.s32 $0x1BFF;
	s21 =	sshll.u32 s7, $0x1;
	s4 =	sadd.s32 s5, s19  }
0xa2: {  	s8 =	simm.s32 $0x0;
	s20 =	sshll.u32 s6, $0x1;
	s6 =	sadd.s32 s21, s4  }
0xa3: {  	[timem:s8], [sflag:s22] =	dma.local [hbm:s6], s20  }
0xa4: {  	_ =	swait.ge [sflag:s22], s20  }
0xa5: {  	s5 =	ssub.s32 $0x0, s20;
	[sflag:s22] =	ssyncset.done $0x0  }
0xa6: {  	[sflag:s22] =	ssyncadd.s32 s5;
	_ =	sdelay $0x1  }
0xa7: {  	s23 =	simm.s32 $0x1B8B  }
0xa8: {  	_ =	swait.ge [sflag:s23], $0x1  }
0xa9: {  	[sflag:s23] =	ssyncset.done $0x0  }
0xaa: {  	s25 =	simm.s32 $0x1B8E;
	s24 =	sld [smem:$0x3FFE];
	[sflag:s23] =	ssyncadd.s32 $0xFFFFFFFF  }
0xab: {  	s26 =	simm.s32 $execute0_lowered;
	[smem:$0x3FD2] =	sst s25  }
0xac: {  	s6 =	sshll.u32 s26, $0x1;
	_ =	strace $0x80000046;
	[dreg:$0x1] =	wrdreg $0xFFFFFFFF  }
0xad: {  	s28 =	simm.s32 $_size_execute0_lowered;
	s4 =	sadd.s32 s4, s6;
	[dreg:$0x0] =	wrdreg $0x0  }
0xae: {  	s6 =	sshll.u32 s28, $0x1;
	[dreg:$0x2] =	wrdreg s4  }
0xaf: {  	[dreg:$0x3] =	wrdreg s6  }
0xb0: {  	[dreg:$0x4] =	wrdreg $0xC0  }
0xb1: {  	_ =	task [dreg:s8], $0x5FFFF  }
0xb2: {  	[dreg:$0x1] =	wrdreg $0xFFFFFFFF  }
0xb3: {  	[dreg:$0x0] =	wrdreg $0x60  }
0xb4: {  	[dreg:$0x2] =	wrdreg s17  }
0xb5: {  	[dreg:$0x3] =	wrdreg s16  }
0xb6: {  	[dreg:$0x4] =	wrdreg s24  }
0xb7: {  	[dreg:$0x5] =	wrdreg $0x9  }
0xb8: {  	_ =	task.clear_ibuf [dreg:s8], $0x6FFFF;
	_ =	strace $0x90000046  }
0xb9: {  	s29 =	simm.s32 $0x9;
	_ =	strace $0x80000048  }
0xba: {  	_ =	swait.ge [sflag:s29], $0x1  }
0xbb: {  	[sflag:s29] =	ssyncadd.s32 $0xFFFFFFFF  }
0xbc: {  	_ =	strace $0x90000048  }
0xbd: {  	_ =	sfence  }
0xbe: {  	s30 =	sld [smem:$0x0];
	_ =	sdelay $0x2  }
0xbf: {  	s31 =	sshll.u32 s1, $0xD;
	s1 =	sshrl.u32 s1, $0x2  }
0xc0: {  	s3 =	sand.u32 $0x4000, s31;
	s1 =	sadd.s32 s1, s30  }
0xc1: {  	s0 =	sor.u32 s3, s0;
	s1 =	sshll.u32 s1, $0x11  }
0xc2: {  	s0 =	sor.u32 s1, s0  }
0xc3: {  	s0 =	sadd.s32 $0x8F2B, s0  }
0xc4: {  	[sflag:s0] =	ssyncadd.remote.s32 $0x1  }
0xc5: {  	_ =	sfence.sel $0xFFFF  }
0xc6: {  	[dreg:$0x0] =	wrdreg $0xFFFFFFFF;
	(pc) =	sbr.abs _section_cstart, $3  }
0xc7: {  	[dreg:$0x1] =	wrdreg $0xFFFFFFFF  }
0xc8: {  	_ =	task.clear_ibuf [dreg:s8], $0x2FFFF;
	_ =	strace $0x9FFFFFFF  }
0xc9: {  	(tm) =	ssettm $0x7FFFFFFF  }
tec
execute0_lowered:
.L_overlay_start_1:
0x0: {  	(tag) =	ssettag $0x1  }
0x1: {  	s1 =	rddreg [dreg:$0x0]  }
0x2: {  	s2 =	rddreg [dreg:$0x1];
	s3 =	simm.s32 $0x0  }
0x3: {  	[smem:$0x7FF] =	sst s3  }
0x4: {  	s6 =	rddreg [dreg:$0x2];
	v0 =	vimm.f32 $+Inf;
	_ =	strace $0x80000047  }
0x5: {  	v1 =	vimm.s32 $0x80000400;
	(xrf0) =	vmin.scan.msk.f32 $0xffff, v0  }
0x6: {  	(xrf0) =	vmin.scan.msk.u32 $0xffff, v1;
	_ =	sdelay $0x4  }
0x7: {  	v1, _, _ =	vpop (xrf0)  }
0x8: {  	v2, _, _ =	vpop (xrf0)  }
0x9: {  	(v2sf) =	vpush v2, $0xF;
	_ =	sdelay $0x7  }
0xa: {  	vm0 =	vmmov $0x1;
	vm1 =	vcmask $0x320;
	vm2 =	vcmask $0x720  }
0xb: {  	vm3 =	vcmask $0xB20;
	vm4 =	vcmask $0xF20;
	vm5 =	vcmask $0x1320  }
0xc: {  	vm6 =	vcmask $0x1720;
	v3 =	vlaneseq.u32;
	vm7 =	vcmask $0x1F00  }
0xd: {  	v10 =	vimm.s32 $0xFFEDCBA9;
	v11 =	vimm.s32 $0x87654321;
	vm8 =	vcmask $0x1B20  }
0xe: {  	s5 =	srdreg.scid;
	s0 =	stileid.u32;
	s13 =	simm.s32 $0x1;
	v15 =	vand.u32 $0x7, v3;
	v7 =	vor.u32 $0x10, v3;
	v1 =	vbroadcast v1, $0xF  }
0xf: {  	s14 =	simm.s32 $0x12000;
	s15 =	simm.s32 $0x12580;
	s16 =	simm.s32 $0x12A00;
	v8 =	vor.u32 $0x20, v3;
	v9 =	vor.u32 $0x30, v3;
	v14 =	vunpack.c.l.s4.s8 v10  }
0x10: {  	s17 =	simm.s32 $0x13A00;
	s18 =	simm.s32 $0x2;
	s19 =	simm.s32 $0x0;
	v16 =	vunpack.c.l.s4.s8 v11;
	v10 =	vor.u32 $0x40, v3;
	v2 =	vnsel vm0, $0x7F800000, v1  }
0x11: {  	s8 =	sand.u32 $0x1, s5;
	s30 =	sshll.u32 s0, $0x8;
	v11 =	vor.u32 $0x50, v3;
	v12 =	vor.u32 $0x60, v3;
	v2 =	vsel vm1, v2, v1;
	s4 =	spop (v2sf)  }
.Ltmp0:
0x12: {  	v13 =	vor.u32 $0x70, v3;
	s9 =	sshll.u32 s8, $0x7;
	v6 =	vmul.u32 $0x400, v15;
	v2 =	vsel vm2, v2, v1;
	s7 =	sxor.u32 $0x80000000, s4;
	(pc) =	sbr.rel .LBB2_1-.Ltmp0, $4  }
0x13: {  	s5 =	sadd.s32 $0x1C00, s6;
	s10 =	ssub.s32 $0x2, s8;
	v15 =	vmul.u32 $0x80, v15;
	v2 =	vsel vm3, v2, v1;
	v4 =	vmov s7;
	s7 =	sor.u32 s9, s30  }
0x14: {  	s6 =	sadd.s32 $0x11C00, s6;
	s31 =	sshrl.u32 s10, $0x1;
	v17 =	vunpack.c.0.s8.s32 v14;
	v18 =	vunpack.c.0.s8.s32 v16;
	v2 =	vsel vm4, v2, v1;
	s11 =	sshll.u32 s7, $0x7  }
0x15: {  	v14 =	vshrl.u32 v3, $0x3;
	v16 =	vimm.s32 $0x3FF;
	s12 =	ssub.s32 s10, s31;
	v2 =	vsel vm5, v2, v1;
	s8 =	sshll.u32 s7, $0x4;
	s9 =	sadd.s32 s1, s11  }
0x16: {  	v17 =	vcombine.low v18, v17;
	v2 =	vsel vm6, v2, v1;
	v5 =	vnsel vm7, $0x0, v4;
	s10 =	sadd.s32 s2, s8;
	s11 =	smax.u32 s12, $0x1;
	s12 =	simm.s32 $0x10000  }
.LBB2_96:
0x17: {  	s19 =	sadd.s32 $0x1, s19  }
0x18: {  	p0 =	sne.s32 s19, s11  }
.Ltmp1:
0x19: {  	_ = 	snop;
	(pc) =	sbr.rel @!p0 .LBB2_97-.Ltmp1, $1  }
0x1a: {  	_ =	sdelay $0x3  }
.LBB2_1:
.Ltmp2:
0x1b: {  	(pc) =	sbr.rel .LBB2_2-.Ltmp2, $4  }
0x1c: {  	_ = 	snop  }
0x1d: {  	[tilespmem:s3], [sflag:$0x1] =	stream.linear.gather [hbm4b:s9+s3], $0x8000, $0x38;
	[tilespmem:$0x14A00] =	vst v63  }
0x1e: {  	s20 =	simm.s32 $0x0  }
0x1f: {  	[tilespmem:s12], [sflag:$0x1] =	stream.linear.gather [hbm4b:s10+s3], $0x1000, $0x38;
	[tilespmem:$0x14A00] =	vst v63  }
.LBB2_95:
0x20: {  	s0 =	sshll.u32 s20, $0x9  }
0x21: {  	s0 =	sadd.s32 s8, s0  }
0x22: {  	s4 =	sadd.s32 s5, s0  }
0x23: {  	[hbm4b:s4+s3] =	stream.linear.scatter [tilespmem:s16], [sflag:$0x2], $0x1000, $0x38;
	[tilespmem:$0x14A00] =	vst v63  }
0x24: {  	s20 =	sadd.s32 $0x1, s20;
	_ =	swait.ge [sflag:s18], $0x1000  }
0x25: {  	p0 =	sne.s32 s20, $0x4;
	[sflag:s18] =	ssyncset.done $0x0  }
.Ltmp3:
0x26: {  	s0 =	sadd.s32 s6, s0;
	[sflag:s18] =	ssyncadd.s32 $0xFFFFF000;
	(pc) =	sbr.rel @!p0 .LBB2_96-.Ltmp3, $4  }
0x27: {  	[hbm4b:s0+s3] =	stream.linear.scatter [tilespmem:s17], [sflag:$0x2], $0x1000, $0x38;
	[tilespmem:$0x14A00] =	vst v63  }
0x28: {  	_ =	swait.ge [sflag:s18], $0x1000  }
0x29: {  	[sflag:s18] =	ssyncset.done $0x0  }
0x2a: {  	[sflag:s18] =	ssyncadd.s32 $0xFFFFF000  }
.LBB2_2:
0x2b: {  	p0 =	seq.s32 s20, $0x3  }
0x2c: {  	s21 =	sadd.s32 @!p0 $0x1, s20  }
0x2d: {  	s22 =	sshll.u32 @!p0 s21, $0x5  }
0x2e: {  	s21 =	sand.u32 @!p0 $0x1, s21;
	s22 =	sadd.s32 @!p0 s7, s22  }
0x2f: {  	s25 =	simm.s32 @!p0 $0x0;
	s24 =	sshll.u32 @!p0 s21, $0xF;
	s23 =	sshll.u32 @!p0 s22, $0x7  }
0x30: {  	s21 =	sshll.u32 @!p0 s21, $0xC;
	s22 =	sshll.u32 @!p0 s22, $0x4;
	s23 =	sadd.s32 @!p0 s1, s23  }
0x31: {  	[tilespmem:s24], [sflag:$0x1] =	stream.linear.gather @!p0 [hbm4b:s23+s25], $0x8000, $0x38;
	[tilespmem:$0x14A00] =	vst v63  }
0x32: {  	s21 =	sor.u32 @!p0 $0x10000, s21;
	s22 =	sadd.s32 @!p0 s2, s22  }
0x33: {  	[tilespmem:s21], [sflag:$0x1] =	stream.linear.gather @!p0 [hbm4b:s22+s25], $0x1000, $0x38;
	[tilespmem:$0x14A00] =	vst v63  }
0x34: {  	s30 =	sand.u32 $0x1, s20;
	_ =	swait.ge [sflag:s13], $0x8000  }
.Ltmp4:
0x35: {  	v18 =	vmov s30;
	[sflag:s13] =	ssyncset.done $0x0;
	(pc) =	sbr.rel .LBB2_3-.Ltmp4, $4  }
0x36: {  	v18 =	vshll.u32 v18, $0xF;
	[sflag:s13] =	ssyncadd.s32 $0xFFFF8000  }
0x37: {  	v18 =	vbroadcast v18, $0x0;
	s21 =	sshll.u32 s30, $0xC;
	_ =	swait.ge [sflag:s13], $0x1000  }
0x38: {  	s31 =	sor.u32 $0x10000, s21;
	[sflag:s13] =	ssyncset.done $0x0  }
0x39: {  	v19 =	vor.u32 v6, v18;
	s21 =	simm.s32 $0x0;
	v20 =	vmov s31;
	[sflag:s13] =	ssyncadd.s32 $0xFFFFF000  }
.LBB2_11:
0x3a: {  	v24 =	vld [tilespmem:$0x12100];
	_ =	sdelay $0x2  }
0x3b: {  	v21 =	vmov s24  }
0x3c: {  	vm7 =	vgt.s32 v21, v3  }
0x3d: {  	v25 =	vnsel vm7, $0x0, v24  }
0x3e: {  	v26 =	vshll.u32 v25, $0x3  }
0x3f: {  	v21 =	vor.u32 v18, v22;
	v22 =	vand.u32 $0xFFFFFC00, v26  }
0x40: {  	v26 =	vand.u32 $0x7F, v25;
	v22 =	vadd.s32 v21, v22  }
0x41: {  	v25 =	vand.u32 $0x380, v23;
	v22 =	vor.u32 v26, v22  }
0x42: {  	v22 =	vor.u32 v25, v22;
	_ =	sdelay $0x4  }
0x43: {  	v22 =	vld.idx.msk [tilespmem:v22+s3+$0x0], $0xffff;
	_ =	sdelay $0x4  }
0x44: {  	v26 =	vnsel vm7, $0x800, v24;
	v22 =	vnsel vm7, $0x7F800000, v22  }
0x45: {  	(xrf1) =	vsort.ascd.msk.f32 $0xffff, v22, v26;
	_ =	sdelay $0xd  }
0x46: {  	v22, v24, _ =	vpop (xrf1)  }
0x47: {  	v27 =	vperm.xlane v22, v17;
	_ =	sdelay $0x1  }
0x48: {  	vm9 =	vmmov $0xff;
	vm7 =	veq.f32 v22, v27  }
0x49: {  	vm7 =	vmand vm7, vm9  }
0x4a: {  	v27 =	vmpcnt.ones.xlane vm7;
	_ =	sdelay $0x1  }
0x4b: {  	(v2sf) =	vpush v27, $0x0;
	_ =	sdelay $0xe  }
0x4c: {  	s0 =	spop (v2sf)  }
0x4d: {  	p0 =	seq.s32 s0, $0x0  }
.Ltmp5:
0x4e: {  	_ = 	snop;
	(pc) =	sbr.rel @p0 .LBB2_12-.Ltmp5, $1  }
0x4f: {  	_ =	sdelay $0x3  }
0x50: {  	v22 =	vxor.u32 $0x80000000, v26  }
0x51: {  	(xrf1) =	vsort.ascd.msk.u32 $0xffff, v22, v3;
	_ =	sdelay $0xd  }
0x52: {  	v22, _, _ =	vpop (xrf1)  }
0x53: {  	v24 =	vxor.u32 $0x80000000, v22  }
0x54: {  	vm7 =	vlt.s32 v24, $0x3FF  }
0x55: {  	v22 =	vnsel vm7, $0x3FF, v24  }
0x56: {  	v26 =	vshll.u32 v22, $0x3  }
0x57: {  	v26 =	vand.u32 $0xFFFFFC00, v26  }
0x58: {  	v22 =	vand.u32 $0x7F, v22;
	v21 =	vadd.s32 v21, v26  }
0x59: {  	v21 =	vor.u32 v22, v21  }
0x5a: {  	v21 =	vor.u32 v25, v21;
	_ =	sdelay $0x4  }
0x5b: {  	v21 =	vld.idx.msk [tilespmem:v21+s3+$0x0], $0xffff;
	_ =	sdelay $0x3  }
0x5c: {  	vm7 =	vlt.s32 v24, $0x800  }
0x5d: {  	v21 =	vnsel vm7, $0x7F800000, v21  }
0x5e: {  	(xrf1) =	vsort.ascd.msk.f32 $0xffff, v21, v3;
	_ =	sdelay $0xd  }
0x5f: {  	v22, _, _ =	vpop (xrf1)  }
0x60: {  	v25 =	vbroadcast v22, $0x0;
	_ =	sdelay $0x1  }
0x61: {  	vm7 =	vle.s32 v24, $0x7FF;
	vm9 =	veq.f32 v21, v25  }
0x62: {  	vm7 =	vmand vm9, vm7  }
0x63: {  	v25 =	vmctz.xlane vm7;
	_ =	sdelay $0x1  }
0x64: {  	v26 =	vbroadcast v22, $0x1;
	vm7 =	vgt.s32 v24, $0x7FF;
	vm9 =	veq.s32 v25, v3  }
0x65: {  	vm7 =	vmor vm7, vm9  }
0x66: {  	vm9 =	veq.f32 v21, v26;
	vm10 =	vmneg vm7  }
0x67: {  	vm9 =	vmand vm9, vm10  }
0x68: {  	v26 =	vmctz.xlane vm9;
	_ =	sdelay $0x1  }
0x69: {  	v27 =	vbroadcast v22, $0x2;
	vm9 =	veq.s32 v26, v3  }
0x6a: {  	vm7 =	vmor vm7, vm9  }
0x6b: {  	vm9 =	veq.f32 v21, v27;
	vm10 =	vmneg vm7  }
0x6c: {  	vm9 =	vmand vm9, vm10  }
0x6d: {  	v27 =	vmctz.xlane vm9;
	_ =	sdelay $0x1  }
0x6e: {  	v28 =	vbroadcast v22, $0x3;
	vm9 =	veq.s32 v27, v3  }
0x6f: {  	vm7 =	vmor vm7, vm9  }
0x70: {  	vm9 =	veq.f32 v21, v28;
	vm10 =	vmneg vm7  }
0x71: {  	vm9 =	vmand vm9, vm10  }
0x72: {  	v60 =	vmctz.xlane vm9;
	_ =	sdelay $0x1  }
0x73: {  	v29 =	vbroadcast v22, $0x4;
	vm9 =	veq.s32 v60, v3  }
0x74: {  	vm7 =	vmor vm7, vm9  }
0x75: {  	vm9 =	veq.f32 v21, v29;
	vm10 =	vmneg vm7  }
0x76: {  	vm9 =	vmand vm9, vm10  }
0x77: {  	v61 =	vmctz.xlane vm9;
	_ =	sdelay $0x1  }
0x78: {  	v30 =	vbroadcast v22, $0x5;
	vm9 =	veq.s32 v61, v3  }
0x79: {  	vm7 =	vmor vm7, vm9  }
0x7a: {  	vm9 =	veq.f32 v21, v30;
	vm10 =	vmneg vm7  }
0x7b: {  	vm9 =	vmand vm9, vm10  }
0x7c: {  	v62 =	vmctz.xlane vm9;
	_ =	sdelay $0x1  }
0x7d: {  	v31 =	vbroadcast v22, $0x6;
	vm9 =	veq.s32 v62, v3  }
0x7e: {  	vm7 =	vmor vm7, vm9  }
0x7f: {  	v32 =	vbroadcast v22, $0x7;
	vm9 =	veq.f32 v21, v31;
	vm10 =	vmneg vm7  }
0x80: {  	v25 =	vperm.xlane v24, v25;
	vm9 =	vmand vm9, vm10  }
0x81: {  	v63 =	vmctz.xlane vm9;
	vm9 =	veq.f32 v21, v32;
	v21 =	vperm.xlane v24, v26  }
0x82: {  	v25 =	vnsel vm0, $0x0, v25;
	v26 =	vperm.xlane v24, v27  }
0x83: {  	vm10 =	veq.s32 v63, v3;
	v21 =	vsel vm1, v25, v21;
	v25 =	vperm.xlane v24, v60  }
0x84: {  	vm7 =	vmor vm7, vm10;
	v21 =	vsel vm2, v21, v26;
	v26 =	vperm.xlane v24, v61  }
0x85: {  	vm7 =	vmneg vm7;
	v21 =	vsel vm3, v21, v25;
	v25 =	vperm.xlane v24, v62  }
0x86: {  	vm7 =	vmand vm9, vm7;
	v21 =	vsel vm4, v21, v26;
	v26 =	vperm.xlane v24, v63  }
0x87: {  	v27 =	vmctz.xlane vm7;
	v21 =	vsel vm5, v21, v25  }
0x88: {  	v21 =	vsel vm6, v21, v26  }
0x89: {  	v24 =	vperm.xlane v24, v27;
	_ =	sdelay $0x1  }
0x8a: {  	v24 =	vsel vm8, v21, v24;
	v21 =	vmov v23  }
.LBB2_94:
0x8b: {  	v23 =	vbroadcast v22, $0x0;
	_ =	sdelay $0x1  }
0x8c: {  	v22 =	vsub.f32 v23, v22;
	_ =	sdelay $0x1  }
0x8d: {  	v22 =	vmul.f32 $1.442695020e+00, v22;
	_ =	sdelay $0x1  }
0x8e: {  	(erf) = vpow2.f32 v22;
	_ =	sdelay $0x8  }
0x8f: {  	vm7 =	vmmov $0xff;
	v22 =	vpop (erf)  }
0x90: {  	v22 =	vnsel vm7, $0x0, v22  }
0x91: {  	(xrf2) =	vadd.scan.msk.f32 $0xffff, v22;
	_ =	sdelay $0x9  }
0x92: {  	v23, _, _ =	vpop (xrf2)  }
0x93: {  	v23 =	vbroadcast v23, $0xF;
	_ =	sdelay $0x1  }
0x94: {  	(erf) = vrcp.f32 v23;
	_ =	sdelay $0x5  }
0x95: {  	v21 =	vor.u32 v3, v21;
	s21 =	sadd.s32 $0x1, s21  }
0x96: {  	p0 =	sne.s32 s21, $0x20  }
.Ltmp6:
0x97: {  	_ = 	snop;
	(pc) =	sbr.rel @!p0 .LBB2_95-.Ltmp6, $4  }
0x98: {  	v23 =	vpop (erf)  }
0x99: {  	v22 =	vmul.f32 v23, v22  }
0x9a: {  	[tilespmem:v21+s16+$0x0] =	vst.idx.msk $0xff, v24  }
0x9b: {  	[tilespmem:v21+s17+$0x0] =	vst.idx.msk $0xff, v22  }
.LBB2_3:
0x9c: {  	_ =	sdelay $0x1  }
0x9d: {  	s22 =	sshll.u32 s21, $0x7  }
0x9e: {  	s22 =	sand.u32 $0x3FFFFF80, s22  }
0x9f: {  	v21 =	vld.idx.msk [tilespmem:v20+s22+$0x0 ss:$0x1], $0xffff  }
0xa0: {  	v22 =	vld.idx.msk [tilespmem:v20+s22+$0x10 ss:$0x1], $0xffff  }
0xa1: {  	v23 =	vld.idx.msk [tilespmem:v20+s22+$0x20 ss:$0x1], $0xffff  }
0xa2: {  	v24 =	vld.idx.msk [tilespmem:v20+s22+$0x30 ss:$0x1], $0xffff  }
0xa3: {  	v26 =	vld.idx.msk [tilespmem:v20+s22+$0x40 ss:$0x1], $0xffff  }
0xa4: {  	v27 =	vld.idx.msk [tilespmem:v20+s22+$0x50 ss:$0x1], $0xffff  }
0xa5: {  	v28 =	vld.idx.msk [tilespmem:v20+s22+$0x60 ss:$0x1], $0xffff  }
0xa6: {  	v29 =	vld.idx.msk [tilespmem:v20+s22+$0x70 ss:$0x1], $0xffff;
	_ =	sdelay $0x3  }
0xa7: {  	v25 =	vmin.f32 v21, v22  }
0xa8: {  	v30 =	vmin.f32 v23, v24;
	v31 =	vmin.f32 v26, v27;
	v32 =	vmin.f32 v28, v29  }
0xa9: {  	v25 =	vmin.f32 v25, v30;
	v63 =	vmin.f32 v31, v32  }
0xaa: {  	v25 =	vmin.f32 v25, v63  }
0xab: {  	(xrf1) =	vsort.ascd.msk.f32 $0xffff, v25, v3;
	_ =	sdelay $0xd  }
0xac: {  	v25, _, _ =	vpop (xrf1)  }
0xad: {  	v25 =	vbroadcast v25, $0x7;
	_ =	sdelay $0x1  }
0xae: {  	vm7 =	vle.f32 v21, v25  }
0xaf: {  	vm15 =	vle.f32 v22, v25;
	v21 =	vmpcnt.ones.xlane vm7  }
0xb0: {  	vm13 =	vle.f32 v23, v25;
	v22 =	vmpcnt.ones.xlane vm15  }
0xb1: {  	vm14 =	vle.f32 v24, v25;
	(v2sf) =	vpush v21, $0x0;
	v21 =	vmpcnt.ones.xlane vm13  }
0xb2: {  	vm9 =	vle.f32 v26, v25;
	(v2sf) =	vpush v22, $0x0;
	v22 =	vmpcnt.ones.xlane vm14  }
0xb3: {  	vm10 =	vle.f32 v27, v25;
	(v2sf) =	vpush v21, $0x0;
	v21 =	vmpcnt.ones.xlane vm9  }
0xb4: {  	vm11 =	vle.f32 v28, v25;
	(v2sf) =	vpush v22, $0x0;
	v22 =	vmpcnt.ones.xlane vm10  }
0xb5: {  	vm12 =	vle.f32 v29, v25;
	(v2sf) =	vpush v21, $0x0;
	v21 =	vmpcnt.ones.xlane vm11  }
0xb6: {  	(v2sf) =	vpush v22, $0x0;
	v22 =	vmpcnt.ones.xlane vm12  }
0xb7: {  	(v2sf) =	vpush v21, $0x0  }
0xb8: {  	(v2sf) =	vpush v22, $0x0;
	_ =	sdelay $0x7  }
0xb9: {  	s22 =	spop (v2sf)  }
0xba: {  	s23 =	spop (v2sf)  }
0xbb: {  	s24 =	spop (v2sf);
	s25 =	sadd.s32 s22, s23  }
0xbc: {  	s31 =	spop (v2sf);
	s24 =	sadd.s32 s25, s24  }
0xbd: {  	s26 =	spop (v2sf);
	s28 =	sadd.s32 s24, s31  }
0xbe: {  	s0 =	spop (v2sf);
	s26 =	sadd.s32 s28, s26  }
0xbf: {  	s29 =	spop (v2sf);
	s30 =	sadd.s32 s26, s0  }
0xc0: {  	s29 =	sadd.s32 s30, s29;
	s4 =	spop (v2sf)  }
0xc1: {  	s23 =	sadd.s32 s29, s4  }
0xc2: {  	s0 =	simm.s32 $0x1;
	s31 =	sadd.s32 $0x1, s23;
	p0 =	slt.u32 s23, $0x7FFFFFFF  }
0xc3: {  	s0 =	simm.s32 @!p0 $0x0;
	s4 =	sshra.s32 s31, $0x1F  }
0xc4: {  	[tilespmem:s14+$0x0] =	vst.msk vm7, v3;
	s0 =	sadd.s32 s0, s4;
	s4 =	sand.u32 $0x1, s31  }
0xc5: {  	[tilespmem:s22+$0x12000] =	vst.msk vm15, v7;
	p6 =	sne.s32 s0, $0x1;
	p1 =	seq.s32 s4, $0x1  }
0xc6: {  	[tilespmem:s25+$0x12000] =	vst.msk vm13, v8;
	s25 =	sshrl.u32 s31, $0x1F;
	p0 =	por !p6, !p1  }
0xc7: {  	s0 =	sadd.s32 s25, s31;
	s4 =	simm.s32 $0x1;
	p0 =	por !p0, !p0  }
0xc8: {  	s0 =	sshra.s32 s0, $0x1;
	s4 =	simm.s32 @!p0 $0x0  }
0xc9: {  	s25 =	ssub.s32 s0, s4  }
0xca: {  	p0 =	slt.s32 s25, $0x1  }
.Ltmp7:
0xcb: {  	[tilespmem:s24+$0x12000] =	vst.msk vm14, v9;
	(pc) =	sbr.rel @p0 .LBB2_11-.Ltmp7, $4  }
0xcc: {  	[tilespmem:s28+$0x12000] =	vst.msk vm9, v10  }
0xcd: {  	v21 =	vmov s21;
	[tilespmem:s26+$0x12000] =	vst.msk vm10, v11  }
0xce: {  	v22 =	vshll.u32 v21, $0xA;
	[tilespmem:s30+$0x12000] =	vst.msk vm11, v12  }
0xcf: {  	v23 =	vshll.u32 v21, $0x7;
	v22 =	vand.u32 $0x6000, v22;
	s24 =	simm.s32 $0x0;
	[tilespmem:s29+$0x12000] =	vst.msk vm12, v13  }
0xd0: {  	p1 =	sne.s32 s25, $0x1  }
.Ltmp8:
0xd1: {  	_ = 	snop;
	(pc) =	sbr.rel @!p1 .LBB2_5-.Ltmp8, $4  }
0xd2: {  	_ = 	snop  }
0xd3: {  	v21 =	vshll.u32 v21, $0x7  }
0xd4: {  	v27 =	vor.u32 v19, v22;
	s22 =	simm.s32 $0x0;
	v24 =	vand.u32 $0x380, v21  }
0xd5: {  	v26 =	vmov s23;
	s23 =	sadd.s32 $0xFFFFFFFF, s25;
	p0 =	por $0x0, $0x0;
	v28 =	vor.u32 v24, v27;
	v27 =	vor.u32 s22, v14  }
0xd6: {  	_ =	sdelay $0x3  }
0xd7: {  	v29 =	vld.idx.msk [tilespmem:v27+s14+$0x0], $0xffff;
	_ =	sdelay $0x4  }
0xd8: {  	vm7 =	vgt.s32 v29, $0x0  }
0xd9: {  	v29 =	vnsel vm7, $0x0, v29  }
0xda: {  	v29 =	vmin.u32 v29, $0x7F  }
0xdb: {  	v30 =	vor.u32 v28, v29;
	_ =	sdelay $0x2  }
0xdc: {  	p1 =	sne.s32 s23, $0x1  }
.Ltmp9:
0xdd: {  	_ = 	snop;
	(pc) =	sbr.rel @!p1 .LBB2_7-.Ltmp9, $3  }
0xde: {  	v30 =	vld.idx.msk [tilespmem:v30+s3+$0x0], $0xffff;
	_ =	sdelay $0x1  }
0xdf: {  	s24 =	simm.s32 $0x2  }
0xe0: {  	s25 =	sadd.s32 $0xFFFFFFFF, s23;
	p0 =	por $0x1, $0x1;
	s23 =	simm.s32 $0x0;
	v31 =	vor.u32 s24, v14;
	v29 =	vor.u32 v15, v29  }
.LBB2_8:
0xe1: {  	p1 =	sne.s32 s25, $0x1  }
0xe2: {  	vm7 =	vle.f32 v30, v25;
	vm9 =	vlt.s32 v27, v26;
	v27 =	vmov v31  }
0xe3: {  	vm7 =	vmand vm9, vm7  }
0xe4: {  	[tilespmem:s23+$0x12100] =	vst.msk vm7, v29;
	v29 =	vmpcnt.ones.xlane vm7  }
0xe5: {  	v30 =	vld.idx.msk [tilespmem:v31+s14+$0x0], $0xffff  }
0xe6: {  	(v2sf) =	vpush v29, $0x0;
	_ =	sdelay $0x4  }
0xe7: {  	vm7 =	vgt.s32 v30, $0x0  }
0xe8: {  	v29 =	vnsel vm7, $0x0, v30  }
0xe9: {  	v30 =	vmin.u32 v29, $0x7F  }
0xea: {  	v29 =	vor.u32 v15, v30;
	v30 =	vor.u32 v28, v30;
	_ =	sdelay $0x4  }
.Ltmp10:
0xeb: {  	v30 =	vld.idx.msk [tilespmem:v30+s3+$0x0], $0xffff;
	(pc) =	sbr.rel @p1 .LBB2_8-.Ltmp10, $4  }
0xec: {  	_ = 	snop  }
0xed: {  	s0 =	spop (v2sf)  }
0xee: {  	s24 =	sadd.s32 $0x2, s24;
	s23 =	sadd.s32 s23, s0  }
0xef: {  	s25 =	sadd.s32 $0xFFFFFFFF, s25;
	v31 =	vor.u32 s24, v14  }
0xf0: {  	v32 =	vmov v27;
	v27 =	vmov v31  }
.LBB2_10:
0xf1: {  	_ = 	snop  }
0xf2: {  	vm7 =	vle.f32 @p0 v30, v25;
	vm9 =	vlt.s32 @p0 v32, v26  }
0xf3: {  	vm7 =	vmand @p0 vm9, vm7  }
0xf4: {  	[tilespmem:s23+$0x12100] =	vst.msk @p0 vm7, v29  }
0xf5: {  	v29 =	vld.idx.msk [tilespmem:v27+s14+$0x0], $0xffff;
	_ =	sdelay $0x4  }
0xf6: {  	vm9 =	vgt.s32 v29, $0x0  }
0xf7: {  	v29 =	vnsel vm9, $0x0, v29  }
0xf8: {  	v29 =	vmin.u32 v29, $0x7F  }
0xf9: {  	v28 =	vor.u32 v28, v29;
	_ =	sdelay $0x4  }
0xfa: {  	v28 =	vld.idx.msk [tilespmem:v28+s3+$0x0], $0xffff;
	_ =	sdelay $0x4  }
0xfb: {  	v30 =	vmpcnt.ones.xlane @p0 vm7;
	vm9 =	vlt.s32 v27, v26;
	vm7 =	vle.f32 v28, v25  }
0xfc: {  	vm7 =	vmand vm9, vm7  }
0xfd: {  	(v2sf) =	vpush @p0 v30, $0x0;
	v25 =	vmpcnt.ones.xlane vm7;
	_ =	sdelay $0x1  }
0xfe: {  	(v2sf) =	vpush v25, $0x0;
	_ =	sdelay $0xc  }
0xff: {  	s0 =	spop @p0 (v2sf)  }
0x100: {  	s0 =	sadd.s32 @p0 s23, s0  }
0x101: {  	s22 =	smov.u32 @p0 s0;
	s31 =	spop (v2sf)  }
0x102: {  	s24 =	sadd.s32 s22, s31  }
0x103: {  	p0 =	sgt.s32 s24, $0x10  }
.Ltmp11:
0x104: {  	_ = 	snop;
	(pc) =	sbr.rel @!p0 .LBB2_11-.Ltmp11, $3  }
0x105: {  	_ =	sdelay $0x1  }
0x106: {  	v25 =	vor.u32 v15, v29  }
0x107: {  	[tilespmem:s22+$0x12100] =	vst.msk vm7, v25  }
0x108: {  	s0 =	sadd.s32 $0xF, s24  }
0x109: {  	s4 =	sand.u32 $0xF, s0  }
0x10a: {  	s22 =	sshra.s32 s0, $0x1F;
	p0 =	slt.s32 s0, $0x0;
	p1 =	sne.s32 s4, $0x0  }
0x10b: {  	s31 =	sshrl.u32 s22, $0x1C;
	p0 =	por !p0, !p1  }
0x10c: {  	s4 =	simm.s32 $0x1;
	s0 =	sadd.s32 s31, s0;
	p0 =	por !p0, !p0  }
0x10d: {  	s0 =	sshra.s32 s0, $0x4;
	s4 =	simm.s32 @!p0 $0x0  }
0x10e: {  	s22 =	ssub.s32 s0, s4  }
0x10f: {  	v23 =	vadd.s32 s24, v3;
	p0 =	slt.s32 s22, $0x1  }
.Ltmp12:
0x110: {  	_ = 	snop;
	(pc) =	sbr.rel @p0 .LBB2_93-.Ltmp12, $3  }
0x111: {  	_ =	sdelay $0x1  }
0x112: {  	s26 =	simm.s32 $0x12100  }
0x113: {  	v27 =	vmovc v4;
	v25 =	vmov v2;
	v26 =	vmov v1;
	[tilespmem:v23+s26+$0x0] =	vst.idx.msk $0xffff, v16;
	v23 =	vmov v5  }
0x114: {  	p0 =	sne.s32 s22, $0x1  }
.Ltmp13:
0x115: {  	_ = 	snop;
	(pc) =	sbr.rel @!p0 .LBB2_16-.Ltmp13, $3  }
0x116: {  	_ =	sdelay $0x1  }
0x117: {  	s23 =	simm.s32 $0x12580  }
0x118: {  	v23 =	vmov s24;
	s25 =	simm.s32 $0x0;
	v26 =	vld [tilespmem:s26+$0x0];
	s24 =	sadd.s32 $0xFFFFFFFF, s22;
	p1 =	por $0x0, $0x0  }
0x119: {  	_ =	sdelay $0x3  }
0x11a: {  	v25 =	vand.u32 $0x7F, v26  }
0x11b: {  	v25 =	vor.u32 v25, v24  }
0x11c: {  	v26 =	vshll.u32 v26, $0x3;
	v25 =	vor.u32 v22, v25  }
0x11d: {  	v26 =	vand.u32 $0xFFFFFC00, v26;
	v25 =	vor.u32 v18, v25  }
0x11e: {  	v25 =	vadd.s32 v26, v25;
	_ =	sdelay $0x4  }
0x11f: {  	v26 =	vld.idx.msk [tilespmem:v25+s3+$0x0], $0xffff;
	_ =	sdelay $0x1  }
0x120: {  	v25 =	vor.u32 s25, v3  }
0x121: {  	p2 =	sne.s32 s24, $0x1;
	vm7 =	vlt.s32 v25, v23;
	v25 =	vimm.f32 $+Inf  }
.Ltmp14:
0x122: {  	v27 =	vsel vm7, $0x0, v25;
	(pc) =	sbr.rel @!p2 .LBB2_18-.Ltmp14, $3  }
0x123: {  	v26 =	vadd.f32 v26, v27;
	_ =	sdelay $0x1  }
0x124: {  	s29 =	simm.s32 $0x12110;
	s30 =	sadd.s32 $0xFFFFFFFF, s24;
	[tilespmem:s23+$0x0] =	vst v26  }
0x125: {  	p1 =	por $0x1, $0x1;
	s28 =	simm.s32 $0x0;
	s26 =	simm.s32 $0x12580;
	v26 =	vld [tilespmem:s29+$0x0]  }
.LBB2_19:
0x126: {  	p2 =	sne.s32 s30, $0x1;
	_ =	sdelay $0x3  }
0x127: {  	v27 =	vand.u32 $0x7F, v26  }
0x128: {  	v27 =	vor.u32 v27, v24  }
0x129: {  	v26 =	vshll.u32 v26, $0x3;
	v27 =	vor.u32 v22, v27  }
0x12a: {  	v26 =	vand.u32 $0xFFFFFC00, v26;
	v27 =	vor.u32 v18, v27  }
0x12b: {  	v26 =	vadd.s32 v26, v27;
	_ =	sdelay $0x4  }
0x12c: {  	v26 =	vld.idx.msk [tilespmem:v26+s3+$0x0], $0xffff;
	_ =	sdelay $0x1  }
0x12d: {  	s28 =	sadd.s32 $0x10, s28  }
0x12e: {  	v27 =	vor.u32 s28, v3  }
0x12f: {  	vm7 =	vlt.s32 v27, v23  }
.Ltmp15:
0x130: {  	v27 =	vsel vm7, $0x0, v25;
	(pc) =	sbr.rel @p2 .LBB2_19-.Ltmp15, $4  }
0x131: {  	v26 =	vadd.f32 v26, v27  }
0x132: {  	s26 =	sadd.s32 $0x10, s26  }
0x133: {  	s29 =	sadd.s32 $0x10, s29;
	[tilespmem:s26+$0x0] =	vst v26  }
0x134: {  	s30 =	sadd.s32 $0xFFFFFFFF, s30;
	v26 =	vld [tilespmem:s29+$0x0]  }
.LBB2_20:
0x135: {  	_ =	sdelay $0x3  }
0x136: {  	v25 =	vand.u32 $0x7F, v26  }
0x137: {  	v24 =	vor.u32 v25, v24  }
0x138: {  	v62 =	vshll.u32 v26, $0x3;
	v22 =	vor.u32 v22, v24  }
0x139: {  	v63 =	vand.u32 $0xFFFFFC00, v62;
	v22 =	vor.u32 v18, v22  }
0x13a: {  	v22 =	vadd.s32 v63, v22;
	_ =	sdelay $0x4  }
0x13b: {  	s0 =	sadd.s32 @p1 $0x10, s28;
	v24 =	vld.idx.msk [tilespmem:v22+s3+$0x0], $0xffff  }
0x13c: {  	s25 =	smov.u32 @p1 s0  }
0x13d: {  	v22 =	vor.u32 s25, v3  }
0x13e: {  	vm7 =	vlt.s32 v22, v23;
	v22 =	vimm.f32 $+Inf  }
.Ltmp16:
0x13f: {  	v23 =	vsel vm7, $0x0, v22;
	(pc) =	sbr.rel @!p0 .LBB2_22-.Ltmp16, $4  }
0x140: {  	s4 =	simm.s32 $0x12580;
	s0 =	sadd.s32 @p1 $0x10, s26;
	v23 =	vadd.f32 v24, v23  }
0x141: {  	s4 =	smov.u32 @p1 s0  }
0x142: {  	[tilespmem:s4+$0x0] =	vst v23  }
0x143: {  	v23 =	vld [tilespmem:s23+$0x0]  }
.LBB2_21:
0x144: {  	p1 =	sne.s32 s24, $0x1  }
.Ltmp17:
0x145: {  	_ = 	snop;
	(pc) =	sbr.rel @p1 .LBB2_21-.Ltmp17, $3  }
0x146: {  	_ =	sdelay $0x1  }
0x147: {  	s24 =	sadd.s32 $0xFFFFFFFF, s24;
	s23 =	sadd.s32 $0x10, s23;
	v22 =	vmin.f32 v22, v23  }
0x148: {  	v23 =	vld [tilespmem:s23+$0x0]  }
.LBB2_22:
0x149: {  	_ =	sdelay $0x3  }
0x14a: {  	v22 =	vmin.f32 v22, v23  }
0x14b: {  	(xrf0) =	vmin.scan.msk.f32 $0xffff, v22;
	_ =	sdelay $0x2  }
0x14c: {  	s0 =	simm.s32 $0x12580  }
0x14d: {  	s23 =	simm.s32 $0x12100;
	v25 =	vld [tilespmem:s0+$0x0]  }
.Ltmp18:
0x14e: {  	v24 =	vld [tilespmem:s23+$0x0];
	(pc) =	sbr.rel @!p0 .LBB2_24-.Ltmp18, $3  }
0x14f: {  	v22, _, _ =	vpop (xrf0)  }
0x150: {  	v22 =	vbroadcast v22, $0xF;
	_ =	sdelay $0x1  }
0x151: {  	s24 =	sadd.s32 $0xFFFFFFFF, s22;
	s25 =	simm.s32 $0x12590;
	s26 =	simm.s32 $0x12100;
	v23 =	vimm.s32 $0x400;
	vm7 =	veq.f32 v25, v22  }
.LBB2_23:
0x152: {  	v25 =	vld [tilespmem:s25+$0x0];
	p1 =	sne.s32 s24, $0x1;
	s24 =	sadd.s32 $0xFFFFFFFF, s24;
	v26 =	vnsel vm7, $0x400, v24;
	s26 =	sadd.s32 $0x10, s26  }
.Ltmp19:
0x153: {  	v24 =	vld [tilespmem:s26+$0x0];
	vm7 =	vlt.s32 v23, v26;
	(pc) =	sbr.rel @p1 .LBB2_23-.Ltmp19, $2  }
0x154: {  	v23 =	vsel vm7, v23, v26;
	_ =	sdelay $0x2  }
0x155: {  	s25 =	sadd.s32 $0x10, s25;
	vm7 =	veq.f32 v25, v22  }
.LBB2_24:
0x156: {  	v24 =	vnsel vm7, $0x400, v24  }
0x157: {  	vm7 =	vlt.s32 v23, v24  }
0x158: {  	v23 =	vsel vm7, v23, v24  }
0x159: {  	v23 =	vxor.u32 $0x80000000, v23  }
0x15a: {  	(xrf0) =	vmin.scan.msk.u32 $0xffff, v23;
	_ =	sdelay $0x5  }
0x15b: {  	v23, _, _ =	vpop (xrf0)  }
0x15c: {  	(v2sf) =	vpush v23, $0xF;
	_ =	sdelay $0xc  }
.Ltmp20:
0x15d: {  	_ = 	snop;
	(pc) =	sbr.rel @!p0 .LBB2_25-.Ltmp20, $4  }
0x15e: {  	_ = 	snop  }
0x15f: {  	s0 =	spop (v2sf)  }
0x160: {  	s0 =	sxor.u32 $0x80000000, s0  }
0x161: {  	s24 =	simm.s32 $0x0;
	p1 =	por $0x0, $0x0;
	v24 =	vld [tilespmem:s23+$0x0];
	s23 =	sadd.s32 $0xFFFFFFFF, s22;
	v23 =	vmov s0  }
0x162: {  	_ =	sdelay $0x3  }
0x163: {  	vm7 =	veq.s32 v24, v23  }
0x164: {  	v24 =	vor.u32 s24, v3  }
0x165: {  	p2 =	sne.s32 s23, $0x1  }
.Ltmp21:
0x166: {  	_ = 	snop;
	(pc) =	sbr.rel @!p2 .LBB2_27-.Ltmp21, $3  }
0x167: {  	_ =	sdelay $0x1  }
0x168: {  	s26 =	simm.s32 $0x12110;
	[tilespmem:v24+s15+$0x0] =	vst.idx.msk vm7, v0  }
0x169: {  	s28 =	sadd.s32 $0xFFFFFFFF, s23;
	p1 =	por $0x1, $0x1;
	s25 =	simm.s32 $0x0;
	v24 =	vld [tilespmem:s26+$0x0]  }
.LBB2_28:
0x16a: {  	p2 =	sne.s32 s28, $0x1;
	_ =	sdelay $0x3  }
0x16b: {  	s25 =	sadd.s32 $0x10, s25;
	vm7 =	veq.s32 v24, v23  }
0x16c: {  	v24 =	vor.u32 s25, v3;
	_ =	sdelay $0x1  }
.Ltmp22:
0x16d: {  	(pc) =	sbr.rel @p2 .LBB2_28-.Ltmp22, $3  }
0x16e: {  	_ =	sdelay $0x1  }
0x16f: {  	s26 =	sadd.s32 $0x10, s26;
	[tilespmem:v24+s15+$0x0] =	vst.idx.msk vm7, v0  }
0x170: {  	s28 =	sadd.s32 $0xFFFFFFFF, s28;
	v24 =	vld [tilespmem:s26+$0x0]  }
.LBB2_29:
0x171: {  	_ =	sdelay $0x2  }
0x172: {  	s0 =	sadd.s32 @p1 $0x10, s25  }
0x173: {  	s24 =	smov.u32 @p1 s0;
	vm7 =	veq.s32 v24, v23  }
0x174: {  	v24 =	vor.u32 s24, v3;
	_ =	sdelay $0x1  }
.Ltmp23:
0x175: {  	_ = 	snop;
	(pc) =	sbr.rel @!p0 .LBB2_31-.Ltmp23, $3  }
0x176: {  	_ =	sdelay $0x1  }
0x177: {  	s24 =	simm.s32 $0x12580;
	[tilespmem:v24+s15+$0x0] =	vst.idx.msk vm7, v0;
	vm7 =	vcmask $0x300  }
0x178: {  	v22 =	vnsel vm0, $0x7F800000, v22;
	s25 =	simm.s32 $0x12580;
	v24 =	vimm.f32 $+Inf;
	v23 =	vnsel vm7, $0x0, v23;
	v25 =	vld [tilespmem:s24+$0x0]  }
.LBB2_30:
0x179: {  	p1 =	sne.s32 s23, $0x1  }
.Ltmp24:
0x17a: {  	_ = 	snop;
	(pc) =	sbr.rel @p1 .LBB2_30-.Ltmp24, $3  }
0x17b: {  	_ =	sdelay $0x1  }
0x17c: {  	s23 =	sadd.s32 $0xFFFFFFFF, s23;
	s25 =	sadd.s32 $0x10, s25;
	v24 =	vmin.f32 v24, v25  }
0x17d: {  	v25 =	vld [tilespmem:s25+$0x0]  }
.LBB2_31:
0x17e: {  	_ =	sdelay $0x3  }
0x17f: {  	v24 =	vmin.f32 v24, v25  }
0x180: {  	(xrf0) =	vmin.scan.msk.f32 $0xffff, v24;
	_ =	sdelay $0x3  }
0x181: {  	v27 =	vld [tilespmem:s24+$0x0];
	s23 =	simm.s32 $0x12100  }
.Ltmp25:
0x182: {  	v26 =	vld [tilespmem:s23+$0x0];
	(pc) =	sbr.rel @!p0 .LBB2_33-.Ltmp25, $3  }
0x183: {  	v24, _, _ =	vpop (xrf0)  }
0x184: {  	v24 =	vbroadcast v24, $0xF;
	_ =	sdelay $0x1  }
0x185: {  	s24 =	sadd.s32 $0xFFFFFFFF, s22;
	s25 =	simm.s32 $0x12590;
	s26 =	simm.s32 $0x12100;
	v25 =	vimm.s32 $0x400;
	vm7 =	veq.f32 v27, v24  }
.LBB2_32:
0x186: {  	v27 =	vld [tilespmem:s25+$0x0];
	p1 =	sne.s32 s24, $0x1;
	s24 =	sadd.s32 $0xFFFFFFFF, s24;
	v28 =	vnsel vm7, $0x400, v26;
	s26 =	sadd.s32 $0x10, s26  }
.Ltmp26:
0x187: {  	v26 =	vld [tilespmem:s26+$0x0];
	vm7 =	vlt.s32 v25, v28;
	(pc) =	sbr.rel @p1 .LBB2_32-.Ltmp26, $2  }
0x188: {  	v25 =	vsel vm7, v25, v28;
	_ =	sdelay $0x2  }
0x189: {  	s25 =	sadd.s32 $0x10, s25;
	vm7 =	veq.f32 v27, v24  }
.LBB2_33:
0x18a: {  	v26 =	vnsel vm7, $0x400, v26  }
0x18b: {  	vm7 =	vlt.s32 v25, v26  }
0x18c: {  	v25 =	vsel vm7, v25, v26  }
0x18d: {  	v25 =	vxor.u32 $0x80000000, v25  }
0x18e: {  	(xrf0) =	vmin.scan.msk.u32 $0xffff, v25;
	_ =	sdelay $0x5  }
0x18f: {  	v25, _, _ =	vpop (xrf0)  }
0x190: {  	(v2sf) =	vpush v25, $0xF;
	_ =	sdelay $0xc  }
.Ltmp27:
0x191: {  	_ = 	snop;
	(pc) =	sbr.rel @!p0 .LBB2_34-.Ltmp27, $4  }
0x192: {  	_ = 	snop  }
0x193: {  	s0 =	spop (v2sf)  }
0x194: {  	s0 =	sxor.u32 $0x80000000, s0  }
0x195: {  	s24 =	simm.s32 $0x0;
	p1 =	por $0x0, $0x0;
	v26 =	vld [tilespmem:s23+$0x0];
	s23 =	sadd.s32 $0xFFFFFFFF, s22;
	v25 =	vmov s0  }
0x196: {  	_ =	sdelay $0x3  }
0x197: {  	vm7 =	veq.s32 v26, v25  }
0x198: {  	v26 =	vor.u32 s24, v3  }
0x199: {  	p2 =	sne.s32 s23, $0x1  }
.Ltmp28:
0x19a: {  	_ = 	snop;
	(pc) =	sbr.rel @!p2 .LBB2_36-.Ltmp28, $3  }
0x19b: {  	_ =	sdelay $0x1  }
0x19c: {  	s26 =	simm.s32 $0x12110;
	[tilespmem:v26+s15+$0x0] =	vst.idx.msk vm7, v0  }
0x19d: {  	s28 =	sadd.s32 $0xFFFFFFFF, s23;
	p1 =	por $0x1, $0x1;
	s25 =	simm.s32 $0x0;
	v26 =	vld [tilespmem:s26+$0x0]  }
.LBB2_37:
0x19e: {  	p2 =	sne.s32 s28, $0x1;
	_ =	sdelay $0x3  }
0x19f: {  	s25 =	sadd.s32 $0x10, s25;
	vm7 =	veq.s32 v26, v25  }
0x1a0: {  	v26 =	vor.u32 s25, v3;
	_ =	sdelay $0x1  }
.Ltmp29:
0x1a1: {  	(pc) =	sbr.rel @p2 .LBB2_37-.Ltmp29, $3  }
0x1a2: {  	_ =	sdelay $0x1  }
0x1a3: {  	s26 =	sadd.s32 $0x10, s26;
	[tilespmem:v26+s15+$0x0] =	vst.idx.msk vm7, v0  }
0x1a4: {  	s28 =	sadd.s32 $0xFFFFFFFF, s28;
	v26 =	vld [tilespmem:s26+$0x0]  }
.LBB2_38:
0x1a5: {  	_ =	sdelay $0x2  }
0x1a6: {  	s0 =	sadd.s32 @p1 $0x10, s25  }
0x1a7: {  	s24 =	smov.u32 @p1 s0;
	vm7 =	veq.s32 v26, v25  }
0x1a8: {  	v26 =	vor.u32 s24, v3;
	_ =	sdelay $0x1  }
.Ltmp30:
0x1a9: {  	_ = 	snop;
	(pc) =	sbr.rel @!p0 .LBB2_40-.Ltmp30, $3  }
0x1aa: {  	_ =	sdelay $0x1  }
0x1ab: {  	s24 =	simm.s32 $0x12580;
	[tilespmem:v26+s15+$0x0] =	vst.idx.msk vm7, v0  }
0x1ac: {  	v22 =	vsel vm1, v22, v24;
	v23 =	vsel vm1, v23, v25;
	v24 =	vimm.f32 $+Inf;
	s25 =	simm.s32 $0x12580;
	v25 =	vld [tilespmem:s24+$0x0]  }
.LBB2_39:
0x1ad: {  	p1 =	sne.s32 s23, $0x1  }
.Ltmp31:
0x1ae: {  	_ = 	snop;
	(pc) =	sbr.rel @p1 .LBB2_39-.Ltmp31, $3  }
0x1af: {  	_ =	sdelay $0x1  }
0x1b0: {  	s23 =	sadd.s32 $0xFFFFFFFF, s23;
	s25 =	sadd.s32 $0x10, s25;
	v24 =	vmin.f32 v24, v25  }
0x1b1: {  	v25 =	vld [tilespmem:s25+$0x0]  }
.LBB2_40:
0x1b2: {  	_ =	sdelay $0x3  }
0x1b3: {  	v24 =	vmin.f32 v24, v25  }
0x1b4: {  	(xrf0) =	vmin.scan.msk.f32 $0xffff, v24;
	_ =	sdelay $0x3  }
0x1b5: {  	v27 =	vld [tilespmem:s24+$0x0];
	s23 =	simm.s32 $0x12100  }
.Ltmp32:
0x1b6: {  	v26 =	vld [tilespmem:s23+$0x0];
	(pc) =	sbr.rel @!p0 .LBB2_42-.Ltmp32, $3  }
0x1b7: {  	v24, _, _ =	vpop (xrf0)  }
0x1b8: {  	v24 =	vbroadcast v24, $0xF;
	_ =	sdelay $0x1  }
0x1b9: {  	s24 =	sadd.s32 $0xFFFFFFFF, s22;
	s25 =	simm.s32 $0x12590;
	s26 =	simm.s32 $0x12100;
	v25 =	vimm.s32 $0x400;
	vm7 =	veq.f32 v27, v24  }
.LBB2_41:
0x1ba: {  	v27 =	vld [tilespmem:s25+$0x0];
	p1 =	sne.s32 s24, $0x1;
	s24 =	sadd.s32 $0xFFFFFFFF, s24;
	v28 =	vnsel vm7, $0x400, v26;
	s26 =	sadd.s32 $0x10, s26  }
.Ltmp33:
0x1bb: {  	v26 =	vld [tilespmem:s26+$0x0];
	vm7 =	vlt.s32 v25, v28;
	(pc) =	sbr.rel @p1 .LBB2_41-.Ltmp33, $2  }
0x1bc: {  	v25 =	vsel vm7, v25, v28;
	_ =	sdelay $0x2  }
0x1bd: {  	s25 =	sadd.s32 $0x10, s25;
	vm7 =	veq.f32 v27, v24  }
.LBB2_42:
0x1be: {  	v26 =	vnsel vm7, $0x400, v26  }
0x1bf: {  	vm7 =	vlt.s32 v25, v26  }
0x1c0: {  	v25 =	vsel vm7, v25, v26  }
0x1c1: {  	v25 =	vxor.u32 $0x80000000, v25  }
0x1c2: {  	(xrf0) =	vmin.scan.msk.u32 $0xffff, v25;
	_ =	sdelay $0x5  }
0x1c3: {  	v25, _, _ =	vpop (xrf0)  }
0x1c4: {  	(v2sf) =	vpush v25, $0xF;
	_ =	sdelay $0xc  }
.Ltmp34:
0x1c5: {  	_ = 	snop;
	(pc) =	sbr.rel @!p0 .LBB2_43-.Ltmp34, $4  }
0x1c6: {  	_ = 	snop  }
0x1c7: {  	s0 =	spop (v2sf)  }
0x1c8: {  	s0 =	sxor.u32 $0x80000000, s0  }
0x1c9: {  	s24 =	simm.s32 $0x0;
	p1 =	por $0x0, $0x0;
	v26 =	vld [tilespmem:s23+$0x0];
	s23 =	sadd.s32 $0xFFFFFFFF, s22;
	v25 =	vmov s0  }
0x1ca: {  	_ =	sdelay $0x3  }
0x1cb: {  	vm7 =	veq.s32 v26, v25  }
0x1cc: {  	v26 =	vor.u32 s24, v3  }
0x1cd: {  	p2 =	sne.s32 s23, $0x1  }
.Ltmp35:
0x1ce: {  	_ = 	snop;
	(pc) =	sbr.rel @!p2 .LBB2_45-.Ltmp35, $3  }
0x1cf: {  	_ =	sdelay $0x1  }
0x1d0: {  	s26 =	simm.s32 $0x12110;
	[tilespmem:v26+s15+$0x0] =	vst.idx.msk vm7, v0  }
0x1d1: {  	s28 =	sadd.s32 $0xFFFFFFFF, s23;
	p1 =	por $0x1, $0x1;
	s25 =	simm.s32 $0x0;
	v26 =	vld [tilespmem:s26+$0x0]  }
.LBB2_46:
0x1d2: {  	p2 =	sne.s32 s28, $0x1;
	_ =	sdelay $0x3  }
0x1d3: {  	s25 =	sadd.s32 $0x10, s25;
	vm7 =	veq.s32 v26, v25  }
0x1d4: {  	v26 =	vor.u32 s25, v3;
	_ =	sdelay $0x1  }
.Ltmp36:
0x1d5: {  	(pc) =	sbr.rel @p2 .LBB2_46-.Ltmp36, $3  }
0x1d6: {  	_ =	sdelay $0x1  }
0x1d7: {  	s26 =	sadd.s32 $0x10, s26;
	[tilespmem:v26+s15+$0x0] =	vst.idx.msk vm7, v0  }
0x1d8: {  	s28 =	sadd.s32 $0xFFFFFFFF, s28;
	v26 =	vld [tilespmem:s26+$0x0]  }
.LBB2_47:
0x1d9: {  	_ =	sdelay $0x2  }
0x1da: {  	s0 =	sadd.s32 @p1 $0x10, s25  }
0x1db: {  	s24 =	smov.u32 @p1 s0;
	vm7 =	veq.s32 v26, v25  }
0x1dc: {  	v26 =	vor.u32 s24, v3;
	_ =	sdelay $0x1  }
.Ltmp37:
0x1dd: {  	_ = 	snop;
	(pc) =	sbr.rel @!p0 .LBB2_49-.Ltmp37, $3  }
0x1de: {  	_ =	sdelay $0x1  }
0x1df: {  	s24 =	simm.s32 $0x12580;
	[tilespmem:v26+s15+$0x0] =	vst.idx.msk vm7, v0  }
0x1e0: {  	v22 =	vsel vm2, v22, v24;
	v23 =	vsel vm2, v23, v25;
	v24 =	vimm.f32 $+Inf;
	s25 =	simm.s32 $0x12580;
	v25 =	vld [tilespmem:s24+$0x0]  }
.LBB2_48:
0x1e1: {  	p1 =	sne.s32 s23, $0x1  }
.Ltmp38:
0x1e2: {  	_ = 	snop;
	(pc) =	sbr.rel @p1 .LBB2_48-.Ltmp38, $3  }
0x1e3: {  	_ =	sdelay $0x1  }
0x1e4: {  	s23 =	sadd.s32 $0xFFFFFFFF, s23;
	s25 =	sadd.s32 $0x10, s25;
	v24 =	vmin.f32 v24, v25  }
0x1e5: {  	v25 =	vld [tilespmem:s25+$0x0]  }
.LBB2_49:
0x1e6: {  	_ =	sdelay $0x3  }
0x1e7: {  	v24 =	vmin.f32 v24, v25  }
0x1e8: {  	(xrf0) =	vmin.scan.msk.f32 $0xffff, v24;
	_ =	sdelay $0x3  }
0x1e9: {  	v27 =	vld [tilespmem:s24+$0x0];
	s23 =	simm.s32 $0x12100  }
.Ltmp39:
0x1ea: {  	v26 =	vld [tilespmem:s23+$0x0];
	(pc) =	sbr.rel @!p0 .LBB2_51-.Ltmp39, $3  }
0x1eb: {  	v24, _, _ =	vpop (xrf0)  }
0x1ec: {  	v24 =	vbroadcast v24, $0xF;
	_ =	sdelay $0x1  }
0x1ed: {  	s24 =	sadd.s32 $0xFFFFFFFF, s22;
	s25 =	simm.s32 $0x12590;
	s26 =	simm.s32 $0x12100;
	v25 =	vimm.s32 $0x400;
	vm7 =	veq.f32 v27, v24  }
.LBB2_50:
0x1ee: {  	v27 =	vld [tilespmem:s25+$0x0];
	p1 =	sne.s32 s24, $0x1;
	s24 =	sadd.s32 $0xFFFFFFFF, s24;
	v28 =	vnsel vm7, $0x400, v26;
	s26 =	sadd.s32 $0x10, s26  }
.Ltmp40:
0x1ef: {  	v26 =	vld [tilespmem:s26+$0x0];
	vm7 =	vlt.s32 v25, v28;
	(pc) =	sbr.rel @p1 .LBB2_50-.Ltmp40, $2  }
0x1f0: {  	v25 =	vsel vm7, v25, v28;
	_ =	sdelay $0x2  }
0x1f1: {  	s25 =	sadd.s32 $0x10, s25;
	vm7 =	veq.f32 v27, v24  }
.LBB2_51:
0x1f2: {  	v26 =	vnsel vm7, $0x400, v26  }
0x1f3: {  	vm7 =	vlt.s32 v25, v26  }
0x1f4: {  	v25 =	vsel vm7, v25, v26  }
0x1f5: {  	v25 =	vxor.u32 $0x80000000, v25  }
0x1f6: {  	(xrf0) =	vmin.scan.msk.u32 $0xffff, v25;
	_ =	sdelay $0x5  }
0x1f7: {  	v25, _, _ =	vpop (xrf0)  }
0x1f8: {  	(v2sf) =	vpush v25, $0xF;
	_ =	sdelay $0xc  }
.Ltmp41:
0x1f9: {  	_ = 	snop;
	(pc) =	sbr.rel @!p0 .LBB2_52-.Ltmp41, $4  }
0x1fa: {  	_ = 	snop  }
0x1fb: {  	s0 =	spop (v2sf)  }
0x1fc: {  	s0 =	sxor.u32 $0x80000000, s0  }
0x1fd: {  	s24 =	simm.s32 $0x0;
	p1 =	por $0x0, $0x0;
	v26 =	vld [tilespmem:s23+$0x0];
	s23 =	sadd.s32 $0xFFFFFFFF, s22;
	v25 =	vmov s0  }
0x1fe: {  	_ =	sdelay $0x3  }
0x1ff: {  	vm7 =	veq.s32 v26, v25  }
0x200: {  	v26 =	vor.u32 s24, v3  }
0x201: {  	p2 =	sne.s32 s23, $0x1  }
.Ltmp42:
0x202: {  	_ = 	snop;
	(pc) =	sbr.rel @!p2 .LBB2_54-.Ltmp42, $3  }
0x203: {  	_ =	sdelay $0x1  }
0x204: {  	s26 =	simm.s32 $0x12110;
	[tilespmem:v26+s15+$0x0] =	vst.idx.msk vm7, v0  }
0x205: {  	s28 =	sadd.s32 $0xFFFFFFFF, s23;
	p1 =	por $0x1, $0x1;
	s25 =	simm.s32 $0x0;
	v26 =	vld [tilespmem:s26+$0x0]  }
.LBB2_55:
0x206: {  	p2 =	sne.s32 s28, $0x1;
	_ =	sdelay $0x3  }
0x207: {  	s25 =	sadd.s32 $0x10, s25;
	vm7 =	veq.s32 v26, v25  }
0x208: {  	v26 =	vor.u32 s25, v3;
	_ =	sdelay $0x1  }
.Ltmp43:
0x209: {  	(pc) =	sbr.rel @p2 .LBB2_55-.Ltmp43, $3  }
0x20a: {  	_ =	sdelay $0x1  }
0x20b: {  	s26 =	sadd.s32 $0x10, s26;
	[tilespmem:v26+s15+$0x0] =	vst.idx.msk vm7, v0  }
0x20c: {  	s28 =	sadd.s32 $0xFFFFFFFF, s28;
	v26 =	vld [tilespmem:s26+$0x0]  }
.LBB2_56:
0x20d: {  	_ =	sdelay $0x2  }
0x20e: {  	s0 =	sadd.s32 @p1 $0x10, s25  }
0x20f: {  	s24 =	smov.u32 @p1 s0;
	vm7 =	veq.s32 v26, v25  }
0x210: {  	v26 =	vor.u32 s24, v3;
	_ =	sdelay $0x1  }
.Ltmp44:
0x211: {  	_ = 	snop;
	(pc) =	sbr.rel @!p0 .LBB2_58-.Ltmp44, $3  }
0x212: {  	_ =	sdelay $0x1  }
0x213: {  	s24 =	simm.s32 $0x12580;
	[tilespmem:v26+s15+$0x0] =	vst.idx.msk vm7, v0  }
0x214: {  	v22 =	vsel vm3, v22, v24;
	v23 =	vsel vm3, v23, v25;
	v24 =	vimm.f32 $+Inf;
	s25 =	simm.s32 $0x12580;
	v25 =	vld [tilespmem:s24+$0x0]  }
.LBB2_57:
0x215: {  	p1 =	sne.s32 s23, $0x1  }
.Ltmp45:
0x216: {  	_ = 	snop;
	(pc) =	sbr.rel @p1 .LBB2_57-.Ltmp45, $3  }
0x217: {  	_ =	sdelay $0x1  }
0x218: {  	s23 =	sadd.s32 $0xFFFFFFFF, s23;
	s25 =	sadd.s32 $0x10, s25;
	v24 =	vmin.f32 v24, v25  }
0x219: {  	v25 =	vld [tilespmem:s25+$0x0]  }
.LBB2_58:
0x21a: {  	_ =	sdelay $0x3  }
0x21b: {  	v24 =	vmin.f32 v24, v25  }
0x21c: {  	(xrf0) =	vmin.scan.msk.f32 $0xffff, v24;
	_ =	sdelay $0x3  }
0x21d: {  	v27 =	vld [tilespmem:s24+$0x0];
	s23 =	simm.s32 $0x12100  }
.Ltmp46:
0x21e: {  	v26 =	vld [tilespmem:s23+$0x0];
	(pc) =	sbr.rel @!p0 .LBB2_60-.Ltmp46, $3  }
0x21f: {  	v24, _, _ =	vpop (xrf0)  }
0x220: {  	v24 =	vbroadcast v24, $0xF;
	_ =	sdelay $0x1  }
0x221: {  	s24 =	sadd.s32 $0xFFFFFFFF, s22;
	s25 =	simm.s32 $0x12590;
	s26 =	simm.s32 $0x12100;
	v25 =	vimm.s32 $0x400;
	vm7 =	veq.f32 v27, v24  }
.LBB2_59:
0x222: {  	v27 =	vld [tilespmem:s25+$0x0];
	p1 =	sne.s32 s24, $0x1;
	s24 =	sadd.s32 $0xFFFFFFFF, s24;
	v28 =	vnsel vm7, $0x400, v26;
	s26 =	sadd.s32 $0x10, s26  }
.Ltmp47:
0x223: {  	v26 =	vld [tilespmem:s26+$0x0];
	vm7 =	vlt.s32 v25, v28;
	(pc) =	sbr.rel @p1 .LBB2_59-.Ltmp47, $2  }
0x224: {  	v25 =	vsel vm7, v25, v28;
	_ =	sdelay $0x2  }
0x225: {  	s25 =	sadd.s32 $0x10, s25;
	vm7 =	veq.f32 v27, v24  }
.LBB2_60:
0x226: {  	v26 =	vnsel vm7, $0x400, v26  }
0x227: {  	vm7 =	vlt.s32 v25, v26  }
0x228: {  	v25 =	vsel vm7, v25, v26  }
0x229: {  	v25 =	vxor.u32 $0x80000000, v25  }
0x22a: {  	(xrf0) =	vmin.scan.msk.u32 $0xffff, v25;
	_ =	sdelay $0x5  }
0x22b: {  	v25, _, _ =	vpop (xrf0)  }
0x22c: {  	(v2sf) =	vpush v25, $0xF;
	_ =	sdelay $0xc  }
.Ltmp48:
0x22d: {  	_ = 	snop;
	(pc) =	sbr.rel @!p0 .LBB2_61-.Ltmp48, $4  }
0x22e: {  	_ = 	snop  }
0x22f: {  	s0 =	spop (v2sf)  }
0x230: {  	s0 =	sxor.u32 $0x80000000, s0  }
0x231: {  	s24 =	simm.s32 $0x0;
	p1 =	por $0x0, $0x0;
	v26 =	vld [tilespmem:s23+$0x0];
	s23 =	sadd.s32 $0xFFFFFFFF, s22;
	v25 =	vmov s0  }
0x232: {  	_ =	sdelay $0x3  }
0x233: {  	vm7 =	veq.s32 v26, v25  }
0x234: {  	v26 =	vor.u32 s24, v3  }
0x235: {  	p2 =	sne.s32 s23, $0x1  }
.Ltmp49:
0x236: {  	_ = 	snop;
	(pc) =	sbr.rel @!p2 .LBB2_63-.Ltmp49, $3  }
0x237: {  	_ =	sdelay $0x1  }
0x238: {  	s26 =	simm.s32 $0x12110;
	[tilespmem:v26+s15+$0x0] =	vst.idx.msk vm7, v0  }
0x239: {  	s28 =	sadd.s32 $0xFFFFFFFF, s23;
	p1 =	por $0x1, $0x1;
	s25 =	simm.s32 $0x0;
	v26 =	vld [tilespmem:s26+$0x0]  }
.LBB2_64:
0x23a: {  	p2 =	sne.s32 s28, $0x1;
	_ =	sdelay $0x3  }
0x23b: {  	s25 =	sadd.s32 $0x10, s25;
	vm7 =	veq.s32 v26, v25  }
0x23c: {  	v26 =	vor.u32 s25, v3;
	_ =	sdelay $0x1  }
.Ltmp50:
0x23d: {  	(pc) =	sbr.rel @p2 .LBB2_64-.Ltmp50, $3  }
0x23e: {  	_ =	sdelay $0x1  }
0x23f: {  	s26 =	sadd.s32 $0x10, s26;
	[tilespmem:v26+s15+$0x0] =	vst.idx.msk vm7, v0  }
0x240: {  	s28 =	sadd.s32 $0xFFFFFFFF, s28;
	v26 =	vld [tilespmem:s26+$0x0]  }
.LBB2_65:
0x241: {  	_ =	sdelay $0x2  }
0x242: {  	s0 =	sadd.s32 @p1 $0x10, s25  }
0x243: {  	s24 =	smov.u32 @p1 s0;
	vm7 =	veq.s32 v26, v25  }
0x244: {  	v26 =	vor.u32 s24, v3;
	_ =	sdelay $0x1  }
.Ltmp51:
0x245: {  	_ = 	snop;
	(pc) =	sbr.rel @!p0 .LBB2_67-.Ltmp51, $3  }
0x246: {  	_ =	sdelay $0x1  }
0x247: {  	s24 =	simm.s32 $0x12580;
	[tilespmem:v26+s15+$0x0] =	vst.idx.msk vm7, v0  }
0x248: {  	v22 =	vsel vm4, v22, v24;
	v23 =	vsel vm4, v23, v25;
	v24 =	vimm.f32 $+Inf;
	s25 =	simm.s32 $0x12580;
	v25 =	vld [tilespmem:s24+$0x0]  }
.LBB2_66:
0x249: {  	p1 =	sne.s32 s23, $0x1  }
.Ltmp52:
0x24a: {  	_ = 	snop;
	(pc) =	sbr.rel @p1 .LBB2_66-.Ltmp52, $3  }
0x24b: {  	_ =	sdelay $0x1  }
0x24c: {  	s23 =	sadd.s32 $0xFFFFFFFF, s23;
	s25 =	sadd.s32 $0x10, s25;
	v24 =	vmin.f32 v24, v25  }
0x24d: {  	v25 =	vld [tilespmem:s25+$0x0]  }
.LBB2_67:
0x24e: {  	_ =	sdelay $0x3  }
0x24f: {  	v24 =	vmin.f32 v24, v25  }
0x250: {  	(xrf0) =	vmin.scan.msk.f32 $0xffff, v24;
	_ =	sdelay $0x3  }
0x251: {  	v27 =	vld [tilespmem:s24+$0x0];
	s23 =	simm.s32 $0x12100  }
.Ltmp53:
0x252: {  	v26 =	vld [tilespmem:s23+$0x0];
	(pc) =	sbr.rel @!p0 .LBB2_69-.Ltmp53, $3  }
0x253: {  	v24, _, _ =	vpop (xrf0)  }
0x254: {  	v24 =	vbroadcast v24, $0xF;
	_ =	sdelay $0x1  }
0x255: {  	s24 =	sadd.s32 $0xFFFFFFFF, s22;
	s25 =	simm.s32 $0x12590;
	s26 =	simm.s32 $0x12100;
	v25 =	vimm.s32 $0x400;
	vm7 =	veq.f32 v27, v24  }
.LBB2_68:
0x256: {  	v27 =	vld [tilespmem:s25+$0x0];
	p1 =	sne.s32 s24, $0x1;
	s24 =	sadd.s32 $0xFFFFFFFF, s24;
	v28 =	vnsel vm7, $0x400, v26;
	s26 =	sadd.s32 $0x10, s26  }
.Ltmp54:
0x257: {  	v26 =	vld [tilespmem:s26+$0x0];
	vm7 =	vlt.s32 v25, v28;
	(pc) =	sbr.rel @p1 .LBB2_68-.Ltmp54, $2  }
0x258: {  	v25 =	vsel vm7, v25, v28;
	_ =	sdelay $0x2  }
0x259: {  	s25 =	sadd.s32 $0x10, s25;
	vm7 =	veq.f32 v27, v24  }
.LBB2_69:
0x25a: {  	v26 =	vnsel vm7, $0x400, v26  }
0x25b: {  	vm7 =	vlt.s32 v25, v26  }
0x25c: {  	v25 =	vsel vm7, v25, v26  }
0x25d: {  	v25 =	vxor.u32 $0x80000000, v25  }
0x25e: {  	(xrf0) =	vmin.scan.msk.u32 $0xffff, v25;
	_ =	sdelay $0x5  }
0x25f: {  	v25, _, _ =	vpop (xrf0)  }
0x260: {  	(v2sf) =	vpush v25, $0xF;
	_ =	sdelay $0xc  }
.Ltmp55:
0x261: {  	_ = 	snop;
	(pc) =	sbr.rel @!p0 .LBB2_70-.Ltmp55, $4  }
0x262: {  	_ = 	snop  }
0x263: {  	s0 =	spop (v2sf)  }
0x264: {  	s0 =	sxor.u32 $0x80000000, s0  }
0x265: {  	s24 =	simm.s32 $0x0;
	p1 =	por $0x0, $0x0;
	v26 =	vld [tilespmem:s23+$0x0];
	s23 =	sadd.s32 $0xFFFFFFFF, s22;
	v25 =	vmov s0  }
0x266: {  	_ =	sdelay $0x3  }
0x267: {  	vm7 =	veq.s32 v26, v25  }
0x268: {  	v26 =	vor.u32 s24, v3  }
0x269: {  	p2 =	sne.s32 s23, $0x1  }
.Ltmp56:
0x26a: {  	_ = 	snop;
	(pc) =	sbr.rel @!p2 .LBB2_72-.Ltmp56, $3  }
0x26b: {  	_ =	sdelay $0x1  }
0x26c: {  	s26 =	simm.s32 $0x12110;
	[tilespmem:v26+s15+$0x0] =	vst.idx.msk vm7, v0  }
0x26d: {  	s28 =	sadd.s32 $0xFFFFFFFF, s23;
	p1 =	por $0x1, $0x1;
	s25 =	simm.s32 $0x0;
	v26 =	vld [tilespmem:s26+$0x0]  }
.LBB2_73:
0x26e: {  	p2 =	sne.s32 s28, $0x1;
	_ =	sdelay $0x3  }
0x26f: {  	s25 =	sadd.s32 $0x10, s25;
	vm7 =	veq.s32 v26, v25  }
0x270: {  	v26 =	vor.u32 s25, v3;
	_ =	sdelay $0x1  }
.Ltmp57:
0x271: {  	(pc) =	sbr.rel @p2 .LBB2_73-.Ltmp57, $3  }
0x272: {  	_ =	sdelay $0x1  }
0x273: {  	s26 =	sadd.s32 $0x10, s26;
	[tilespmem:v26+s15+$0x0] =	vst.idx.msk vm7, v0  }
0x274: {  	s28 =	sadd.s32 $0xFFFFFFFF, s28;
	v26 =	vld [tilespmem:s26+$0x0]  }
.LBB2_74:
0x275: {  	_ =	sdelay $0x2  }
0x276: {  	s0 =	sadd.s32 @p1 $0x10, s25  }
0x277: {  	s24 =	smov.u32 @p1 s0;
	vm7 =	veq.s32 v26, v25  }
0x278: {  	v26 =	vor.u32 s24, v3;
	_ =	sdelay $0x1  }
.Ltmp58:
0x279: {  	_ = 	snop;
	(pc) =	sbr.rel @!p0 .LBB2_76-.Ltmp58, $3  }
0x27a: {  	_ =	sdelay $0x1  }
0x27b: {  	s24 =	simm.s32 $0x12580;
	[tilespmem:v26+s15+$0x0] =	vst.idx.msk vm7, v0  }
0x27c: {  	v22 =	vsel vm5, v22, v24;
	v23 =	vsel vm5, v23, v25;
	v24 =	vimm.f32 $+Inf;
	s25 =	simm.s32 $0x12580;
	v25 =	vld [tilespmem:s24+$0x0]  }
.LBB2_75:
0x27d: {  	p1 =	sne.s32 s23, $0x1  }
.Ltmp59:
0x27e: {  	_ = 	snop;
	(pc) =	sbr.rel @p1 .LBB2_75-.Ltmp59, $3  }
0x27f: {  	_ =	sdelay $0x1  }
0x280: {  	s23 =	sadd.s32 $0xFFFFFFFF, s23;
	s25 =	sadd.s32 $0x10, s25;
	v24 =	vmin.f32 v24, v25  }
0x281: {  	v25 =	vld [tilespmem:s25+$0x0]  }
.LBB2_76:
0x282: {  	_ =	sdelay $0x3  }
0x283: {  	v24 =	vmin.f32 v24, v25  }
0x284: {  	(xrf0) =	vmin.scan.msk.f32 $0xffff, v24;
	_ =	sdelay $0x3  }
0x285: {  	v27 =	vld [tilespmem:s24+$0x0];
	s23 =	simm.s32 $0x12100  }
.Ltmp60:
0x286: {  	v26 =	vld [tilespmem:s23+$0x0];
	(pc) =	sbr.rel @!p0 .LBB2_78-.Ltmp60, $3  }
0x287: {  	v24, _, _ =	vpop (xrf0)  }
0x288: {  	v24 =	vbroadcast v24, $0xF;
	_ =	sdelay $0x1  }
0x289: {  	s24 =	sadd.s32 $0xFFFFFFFF, s22;
	s25 =	simm.s32 $0x12590;
	s26 =	simm.s32 $0x12100;
	v25 =	vimm.s32 $0x400;
	vm7 =	veq.f32 v27, v24  }
.LBB2_77:
0x28a: {  	v27 =	vld [tilespmem:s25+$0x0];
	p1 =	sne.s32 s24, $0x1;
	s24 =	sadd.s32 $0xFFFFFFFF, s24;
	v28 =	vnsel vm7, $0x400, v26;
	s26 =	sadd.s32 $0x10, s26  }
.Ltmp61:
0x28b: {  	v26 =	vld [tilespmem:s26+$0x0];
	vm7 =	vlt.s32 v25, v28;
	(pc) =	sbr.rel @p1 .LBB2_77-.Ltmp61, $2  }
0x28c: {  	v25 =	vsel vm7, v25, v28;
	_ =	sdelay $0x2  }
0x28d: {  	s25 =	sadd.s32 $0x10, s25;
	vm7 =	veq.f32 v27, v24  }
.LBB2_78:
0x28e: {  	v26 =	vnsel vm7, $0x400, v26  }
0x28f: {  	vm7 =	vlt.s32 v25, v26  }
0x290: {  	v25 =	vsel vm7, v25, v26  }
0x291: {  	v25 =	vxor.u32 $0x80000000, v25  }
0x292: {  	(xrf0) =	vmin.scan.msk.u32 $0xffff, v25;
	_ =	sdelay $0x5  }
0x293: {  	v25, _, _ =	vpop (xrf0)  }
0x294: {  	(v2sf) =	vpush v25, $0xF;
	_ =	sdelay $0xc  }
.Ltmp62:
0x295: {  	_ = 	snop;
	(pc) =	sbr.rel @!p0 .LBB2_79-.Ltmp62, $4  }
0x296: {  	_ = 	snop  }
0x297: {  	s0 =	spop (v2sf)  }
0x298: {  	s0 =	sxor.u32 $0x80000000, s0  }
0x299: {  	s24 =	simm.s32 $0x0;
	p1 =	por $0x0, $0x0;
	v25 =	vld [tilespmem:s23+$0x0];
	s23 =	sadd.s32 $0xFFFFFFFF, s22;
	v26 =	vmov s0  }
0x29a: {  	_ =	sdelay $0x3  }
0x29b: {  	vm7 =	veq.s32 v25, v26  }
0x29c: {  	v25 =	vor.u32 s24, v3  }
0x29d: {  	p2 =	sne.s32 s23, $0x1  }
.Ltmp63:
0x29e: {  	_ = 	snop;
	(pc) =	sbr.rel @!p2 .LBB2_81-.Ltmp63, $3  }
0x29f: {  	_ =	sdelay $0x1  }
0x2a0: {  	s26 =	simm.s32 $0x12110;
	[tilespmem:v25+s15+$0x0] =	vst.idx.msk vm7, v0  }
0x2a1: {  	s28 =	sadd.s32 $0xFFFFFFFF, s23;
	p1 =	por $0x1, $0x1;
	s25 =	simm.s32 $0x0;
	v25 =	vld [tilespmem:s26+$0x0]  }
.LBB2_82:
0x2a2: {  	p2 =	sne.s32 s28, $0x1;
	_ =	sdelay $0x3  }
0x2a3: {  	s25 =	sadd.s32 $0x10, s25;
	vm7 =	veq.s32 v25, v26  }
0x2a4: {  	v25 =	vor.u32 s25, v3;
	_ =	sdelay $0x1  }
.Ltmp64:
0x2a5: {  	(pc) =	sbr.rel @p2 .LBB2_82-.Ltmp64, $3  }
0x2a6: {  	_ =	sdelay $0x1  }
0x2a7: {  	s26 =	sadd.s32 $0x10, s26;
	[tilespmem:v25+s15+$0x0] =	vst.idx.msk vm7, v0  }
0x2a8: {  	s28 =	sadd.s32 $0xFFFFFFFF, s28;
	v25 =	vld [tilespmem:s26+$0x0]  }
.LBB2_83:
0x2a9: {  	_ =	sdelay $0x2  }
0x2aa: {  	s0 =	sadd.s32 @p1 $0x10, s25  }
0x2ab: {  	s24 =	smov.u32 @p1 s0;
	vm7 =	veq.s32 v25, v26  }
0x2ac: {  	v25 =	vor.u32 s24, v3;
	_ =	sdelay $0x1  }
.Ltmp65:
0x2ad: {  	_ = 	snop;
	(pc) =	sbr.rel @!p0 .LBB2_85-.Ltmp65, $3  }
0x2ae: {  	_ =	sdelay $0x1  }
0x2af: {  	s24 =	simm.s32 $0x12580;
	[tilespmem:v25+s15+$0x0] =	vst.idx.msk vm7, v0  }
0x2b0: {  	v23 =	vsel vm6, v23, v26;
	s25 =	simm.s32 $0x12580;
	v25 =	vsel vm6, v22, v24;
	v22 =	vimm.f32 $+Inf;
	v24 =	vld [tilespmem:s24+$0x0]  }
.LBB2_84:
0x2b1: {  	p1 =	sne.s32 s23, $0x1  }
.Ltmp66:
0x2b2: {  	_ = 	snop;
	(pc) =	sbr.rel @p1 .LBB2_84-.Ltmp66, $3  }
0x2b3: {  	_ =	sdelay $0x1  }
0x2b4: {  	s23 =	sadd.s32 $0xFFFFFFFF, s23;
	s25 =	sadd.s32 $0x10, s25;
	v22 =	vmin.f32 v22, v24  }
0x2b5: {  	v24 =	vld [tilespmem:s25+$0x0]  }
.LBB2_85:
0x2b6: {  	_ =	sdelay $0x3  }
0x2b7: {  	v22 =	vmin.f32 v22, v24  }
0x2b8: {  	(xrf0) =	vmin.scan.msk.f32 $0xffff, v22;
	_ =	sdelay $0x3  }
0x2b9: {  	v27 =	vld [tilespmem:s24+$0x0];
	s24 =	simm.s32 $0x12100  }
.Ltmp67:
0x2ba: {  	v24 =	vld [tilespmem:s24+$0x0];
	(pc) =	sbr.rel @!p0 .LBB2_87-.Ltmp67, $3  }
0x2bb: {  	v22, _, _ =	vpop (xrf0)  }
0x2bc: {  	v26 =	vbroadcast v22, $0xF;
	_ =	sdelay $0x1  }
0x2bd: {  	s23 =	sadd.s32 $0xFFFFFFFF, s22;
	s25 =	simm.s32 $0x12590;
	s26 =	simm.s32 $0x12100;
	v22 =	vimm.s32 $0x400;
	vm7 =	veq.f32 v27, v26  }
.LBB2_86:
0x2be: {  	v27 =	vld [tilespmem:s25+$0x0];
	p1 =	sne.s32 s23, $0x1;
	s23 =	sadd.s32 $0xFFFFFFFF, s23;
	v28 =	vnsel vm7, $0x400, v24;
	s26 =	sadd.s32 $0x10, s26  }
.Ltmp68:
0x2bf: {  	v24 =	vld [tilespmem:s26+$0x0];
	vm7 =	vlt.s32 v22, v28;
	(pc) =	sbr.rel @p1 .LBB2_86-.Ltmp68, $2  }
0x2c0: {  	v22 =	vsel vm7, v22, v28;
	_ =	sdelay $0x2  }
0x2c1: {  	s25 =	sadd.s32 $0x10, s25;
	vm7 =	veq.f32 v27, v26  }
.LBB2_87:
0x2c2: {  	v24 =	vnsel vm7, $0x400, v24  }
0x2c3: {  	vm7 =	vlt.s32 v22, v24  }
0x2c4: {  	v22 =	vsel vm7, v22, v24  }
0x2c5: {  	v22 =	vxor.u32 $0x80000000, v22  }
0x2c6: {  	(xrf0) =	vmin.scan.msk.u32 $0xffff, v22;
	_ =	sdelay $0x5  }
0x2c7: {  	v22, _, _ =	vpop (xrf0)  }
0x2c8: {  	(v2sf) =	vpush v22, $0xF;
	_ =	sdelay $0xc  }
.Ltmp69:
0x2c9: {  	_ = 	snop;
	(pc) =	sbr.rel @!p0 .LBB2_88-.Ltmp69, $4  }
0x2ca: {  	_ = 	snop  }
0x2cb: {  	s0 =	spop (v2sf)  }
0x2cc: {  	s0 =	sxor.u32 $0x80000000, s0  }
0x2cd: {  	s23 =	simm.s32 $0x0;
	s22 =	sadd.s32 $0xFFFFFFFF, s22;
	p1 =	por $0x0, $0x0;
	v22 =	vld [tilespmem:s24+$0x0];
	v27 =	vmov s0  }
0x2ce: {  	_ =	sdelay $0x3  }
0x2cf: {  	vm7 =	veq.s32 v22, v27  }
0x2d0: {  	v22 =	vor.u32 s23, v3  }
0x2d1: {  	p0 =	sne.s32 s22, $0x1  }
.Ltmp70:
0x2d2: {  	_ = 	snop;
	(pc) =	sbr.rel @!p0 .LBB2_90-.Ltmp70, $3  }
0x2d3: {  	_ =	sdelay $0x1  }
0x2d4: {  	s24 =	simm.s32 $0x12110;
	[tilespmem:v22+s15+$0x0] =	vst.idx.msk vm7, v0  }
0x2d5: {  	s25 =	sadd.s32 $0xFFFFFFFF, s22;
	p1 =	por $0x1, $0x1;
	s22 =	simm.s32 $0x0;
	v22 =	vld [tilespmem:s24+$0x0]  }
.LBB2_91:
0x2d6: {  	p0 =	sne.s32 s25, $0x1;
	_ =	sdelay $0x3  }
0x2d7: {  	s22 =	sadd.s32 $0x10, s22;
	vm7 =	veq.s32 v22, v27  }
0x2d8: {  	v22 =	vor.u32 s22, v3;
	_ =	sdelay $0x1  }
.Ltmp71:
0x2d9: {  	(pc) =	sbr.rel @p0 .LBB2_91-.Ltmp71, $3  }
0x2da: {  	_ =	sdelay $0x1  }
0x2db: {  	s24 =	sadd.s32 $0x10, s24;
	[tilespmem:v22+s15+$0x0] =	vst.idx.msk vm7, v0  }
0x2dc: {  	s25 =	sadd.s32 $0xFFFFFFFF, s25;
	v22 =	vld [tilespmem:s24+$0x0]  }
.LBB2_92:
0x2dd: {  	_ =	sdelay $0x2  }
0x2de: {  	s0 =	sadd.s32 @p1 $0x10, s22  }
0x2df: {  	s23 =	smov.u32 @p1 s0;
	vm7 =	veq.s32 v22, v27  }
0x2e0: {  	v22 =	vor.u32 s23, v3;
	_ =	sdelay $0x4  }
0x2e1: {  	[tilespmem:v22+s15+$0x0] =	vst.idx.msk vm7, v0  }
.LBB2_93:
.Ltmp72:
0x2e2: {  	(pc) =	sbr.rel .LBB2_94-.Ltmp72, $2  }
0x2e3: {  	_ =	sdelay $0x2  }
0x2e4: {  	v22 =	vsel vm8, v25, v26;
	v24 =	vsel vm8, v23, v27  }
.LBB2_12:
.Ltmp73:
0x2e5: {  	(pc) =	sbr.rel .LBB2_94-.Ltmp73, $2  }
0x2e6: {  	_ =	sdelay $0x2  }
0x2e7: {  	v21 =	vmov v23  }
.LBB2_5:
.Ltmp74:
0x2e8: {  	(pc) =	sbr.rel .LBB2_10-.Ltmp74, $2  }
0x2e9: {  	_ =	sdelay $0x2  }
0x2ea: {  	s23 =	simm.s32 $0x0  }
.LBB2_7:
.Ltmp75:
0x2eb: {  	(pc) =	sbr.rel .LBB2_10-.Ltmp75, $2  }
0x2ec: {  	_ =	sdelay $0x2  }
0x2ed: {  	v32 =	vmov v27;
	v27 =	vmov v31;
	s23 =	simm.s32 $0x0  }
.LBB2_16:
.Ltmp76:
0x2ee: {  	(pc) =	sbr.rel .LBB2_20-.Ltmp76, $2  }
0x2ef: {  	_ =	sdelay $0x2  }
0x2f0: {  	s28 =	simm.s32 $0x0;
	s26 =	simm.s32 $0x12580  }
.LBB2_25:
.Ltmp77:
0x2f1: {  	(pc) =	sbr.rel .LBB2_29-.Ltmp77, $2  }
0x2f2: {  	_ =	sdelay $0x2  }
0x2f3: {  	s25 =	simm.s32 $0x0  }
.LBB2_34:
.Ltmp78:
0x2f4: {  	(pc) =	sbr.rel .LBB2_38-.Ltmp78, $2  }
0x2f5: {  	_ =	sdelay $0x2  }
0x2f6: {  	s25 =	simm.s32 $0x0  }
.LBB2_43:
.Ltmp79:
0x2f7: {  	(pc) =	sbr.rel .LBB2_47-.Ltmp79, $2  }
0x2f8: {  	_ =	sdelay $0x2  }
0x2f9: {  	s25 =	simm.s32 $0x0  }
.LBB2_52:
.Ltmp80:
0x2fa: {  	(pc) =	sbr.rel .LBB2_56-.Ltmp80, $2  }
0x2fb: {  	_ =	sdelay $0x2  }
0x2fc: {  	s25 =	simm.s32 $0x0  }
.LBB2_61:
.Ltmp81:
0x2fd: {  	(pc) =	sbr.rel .LBB2_65-.Ltmp81, $2  }
0x2fe: {  	_ =	sdelay $0x2  }
0x2ff: {  	s25 =	simm.s32 $0x0  }
.LBB2_70:
.Ltmp82:
0x300: {  	(pc) =	sbr.rel .LBB2_74-.Ltmp82, $2  }
0x301: {  	_ =	sdelay $0x2  }
0x302: {  	s25 =	simm.s32 $0x0  }
.LBB2_79:
.Ltmp83:
0x303: {  	(pc) =	sbr.rel .LBB2_83-.Ltmp83, $2  }
0x304: {  	_ =	sdelay $0x2  }
0x305: {  	s25 =	simm.s32 $0x0  }
.LBB2_88:
.Ltmp84:
0x306: {  	(pc) =	sbr.rel .LBB2_92-.Ltmp84, $2  }
0x307: {  	_ =	sdelay $0x2  }
0x308: {  	s22 =	simm.s32 $0x0  }
.LBB2_18:
.Ltmp85:
0x309: {  	(pc) =	sbr.rel .LBB2_20-.Ltmp85, $2  }
0x30a: {  	_ =	sdelay $0x2  }
0x30b: {  	s28 =	simm.s32 $0x0;
	s26 =	simm.s32 $0x12580  }
.LBB2_27:
.Ltmp86:
0x30c: {  	(pc) =	sbr.rel .LBB2_29-.Ltmp86, $2  }
0x30d: {  	_ =	sdelay $0x2  }
0x30e: {  	s25 =	simm.s32 $0x0  }
.LBB2_36:
.Ltmp87:
0x30f: {  	(pc) =	sbr.rel .LBB2_38-.Ltmp87, $2  }
0x310: {  	_ =	sdelay $0x2  }
0x311: {  	s25 =	simm.s32 $0x0  }
.LBB2_45:
.Ltmp88:
0x312: {  	(pc) =	sbr.rel .LBB2_47-.Ltmp88, $2  }
0x313: {  	_ =	sdelay $0x2  }
0x314: {  	s25 =	simm.s32 $0x0  }
.LBB2_54:
.Ltmp89:
0x315: {  	(pc) =	sbr.rel .LBB2_56-.Ltmp89, $2  }
0x316: {  	_ =	sdelay $0x2  }
0x317: {  	s25 =	simm.s32 $0x0  }
.LBB2_63:
.Ltmp90:
0x318: {  	(pc) =	sbr.rel .LBB2_65-.Ltmp90, $2  }
0x319: {  	_ =	sdelay $0x2  }
0x31a: {  	s25 =	simm.s32 $0x0  }
.LBB2_72:
.Ltmp91:
0x31b: {  	(pc) =	sbr.rel .LBB2_74-.Ltmp91, $2  }
0x31c: {  	_ =	sdelay $0x2  }
0x31d: {  	s25 =	simm.s32 $0x0  }
.LBB2_81:
.Ltmp92:
0x31e: {  	(pc) =	sbr.rel .LBB2_83-.Ltmp92, $2  }
0x31f: {  	_ =	sdelay $0x2  }
0x320: {  	s25 =	simm.s32 $0x0  }
.LBB2_90:
.Ltmp93:
0x321: {  	(pc) =	sbr.rel .LBB2_92-.Ltmp93, $2  }
0x322: {  	_ =	sdelay $0x2  }
0x323: {  	s22 =	simm.s32 $0x0  }
.LBB2_97:
0x324: {  	_ =	sfence.sel $0x180000  }
0x325: {  	[bflag:$0x0] =	sbarrier.arrive $0xFFFF  }
0x326: {  	_ =	strace $0x90000047  }
0x327: {  	s0 =	stileid.u32;
	[bflag:$0x2] =	sbarrier.arrive $0xFFFF  }
0x328: {  	p0 =	sne.s32 s0, $0x0;
	s0 =	rddreg [dreg:$0x3]  }
0x329: {  	s0 =	sadd.s32 @!p0 $0x100000, s0  }
0x32a: {  	[sflag:s0] =	ssyncadd.tile.s32 @!p0 $0x1;
	_ =	shalt  }
.Lfunc_end2:
_tile_overlayer_lowered:
.L_overlay_start_2:
0x32b: {  	(tag) =	ssettag $0x2  }
0x32c: {  	s0 =	rddreg [dreg:$0x0];
	s2 =	stileid.u32  }
0x32d: {  	s1 =	rddreg [dreg:$0x1];
	p0 =	sne.s32 s2, $0x0  }
0x32e: {  	s3 =	rddreg [dreg:$0x2];
	[bflag:$0x3] =	sbarrier.arrive $0xFFFF;
	s2 =	simm.s32 @!p0 $0x1C02  }
0x32f: {  	[timem:s3], [sflag:s2] =	dma.local @!p0 [hbm:s0], s1  }
0x330: {  	s0 =	simm.s32 @!p0 $0x2  }
0x331: {  	_ =	swait.ge @!p0 [sflag:s0], s1  }
0x332: {  	s1 =	ssub.s32 @!p0 $0x0, s1;
	[sflag:s0] =	ssyncset.done @!p0 $0x0  }
0x333: {  	[sflag:s0] =	ssyncadd.s32 @!p0 s1  }
0x334: {  	[bflag:$0x3] =	sbarrier.arrive $0xFFFF  }
0x335: {  	_ =	shalt  }

</sc_bundles>
